<compile_context>
chip_gen: v7x
topology: tpu7x:2x2x1
jax: 0.10.2.dev20260603
libtpu: 0.0.44.dev20260713+nightly
codegen_flags: <defaults>
</compile_context>

<pallas_src>
import functools

import jax
import jax.numpy as jnp
from jax import lax
from jax.experimental import pallas as pl
from jax.experimental.pallas import tpu as pltpu
from jax.experimental.pallas import tpu_sc as plsc

B = 4096
D = 2048
S = 4096

NC = 2
NS = 16
NW = NC * NS
R_CHUNK = 8

_MIN32 = -2147483648
A_PAD = S + 16
L_PAD = D + 16
M_PAD = D + 16
BMASK = 8191


def _sc_body(rows_per_w, x_hbm, h1_hbm, h2_hbm, h3_hbm, s1_hbm, s2_hbm,
             s3_hbm, out_hbm,
             c1, c2, c3, a1, a2, a3,
             kl1, kl2, kl3, ml,
             xb0, xb1, ob0, ob1,
             in_sem0, in_sem1, out_sem0, out_sem1):
    wid = lax.axis_index("c") * NS + lax.axis_index("s")
    row0 = wid * rows_per_w
    n_chunk = rows_per_w // R_CHUNK

    def _early_in(g, xb, isem):
        return pltpu.make_async_copy(
            x_hbm.at[pl.ds(row0 + g * R_CHUNK, R_CHUNK)], xb, isem)

    _early_in(0, xb0, in_sem0).start()
    _early_in(1, xb1, in_sem1).start()

    zeros16 = jnp.zeros((16,), jnp.float32)
    ones16 = jnp.ones((16,), jnp.float32)
    iota16 = lax.iota(jnp.int32, 16)

    pltpu.sync_copy(h1_hbm, c1)
    pltpu.sync_copy(h2_hbm, c2)
    pltpu.sync_copy(h3_hbm, c3)
    for s_hbm, cref in ((s1_hbm, c1), (s2_hbm, c2), (s3_hbm, c3)):
        pltpu.sync_copy(s_hbm, ob0.at[0, pl.ds(0, D)])

        @plsc.parallel_loop(0, D // 16, unroll=8)
        def pack(j, cref=cref):
            dsl = pl.ds(j * 16, 16)
            sbit = jnp.where(ob0[0, dsl] < 0.0,
                             jnp.full((16,), _MIN32, jnp.int32),
                             jnp.zeros((16,), jnp.int32))
            dv = jnp.left_shift(j * 16 + iota16, 13)
            cref[dsl] = jnp.bitwise_or(jnp.bitwise_or(cref[dsl], sbit), dv)

    @plsc.parallel_loop(0, A_PAD // 16, unroll=8)
    def zero_acc(k):
        dsl = pl.ds(k * 16, 16)
        a1[dsl] = zeros16
        a2[dsl] = zeros16
        a3[dsl] = zeros16

    for cref, accref in ((c1, a1), (c2, a2), (c3, a3)):
        @plsc.parallel_loop(0, D // 16, unroll=8)
        def touch(j, cref=cref, accref=accref):
            dsl = pl.ds(j * 16, 16)
            idx = jnp.bitwise_and(cref[dsl], S - 1)
            plsc.store_scatter(accref, [idx], ones16)

    def build_list(cref, klref):
        def step(j, off):
            dsl = pl.ds(j * 16, 16)
            cv = cref[dsl]
            idx = jnp.bitwise_and(cv, S - 1)
            t1 = plsc.load_gather(a1, [idx])
            t2 = plsc.load_gather(a2, [idx])
            t3 = plsc.load_gather(a3, [idx])
            keep = (t1 * t2 * t3) > 0.5
            plsc.store_compressed(klref.at[pl.ds(off, 16)], cv, mask=keep)
            cnt = jnp.max(plsc.all_reduce_population_count(keep))
            return off + cnt

        nk = lax.fori_loop(0, D // 16, step, jnp.int32(0))
        klref[pl.ds(nk, 16)] = jnp.full((16,), S, jnp.int32)
        return (nk + 15) >> 4

    nt1 = build_list(c1, kl1)
    nt2 = build_list(c2, kl2)
    nt3 = build_list(c3, kl3)

    def mstep(k, off):
        dsl = pl.ds(k * 16, 16)
        keep = (a1[dsl] * a2[dsl] * a3[dsl]) > 0.5
        plsc.store_compressed(ml.at[pl.ds(off, 16)], k * 16 + iota16,
                              mask=keep)
        cnt = jnp.max(plsc.all_reduce_population_count(keep))
        return off + cnt

    nm = lax.fori_loop(0, S // 16, mstep, jnp.int32(0))
    ml[pl.ds(nm, 16)] = jnp.full((16,), S, jnp.int32)
    ntm = (nm + 15) >> 4

    for cref, accref in ((c1, a1), (c2, a2), (c3, a3)):
        @plsc.parallel_loop(0, D // 16, unroll=8)
        def untouch(j, cref=cref, accref=accref):
            dsl = pl.ds(j * 16, 16)
            idx = jnp.bitwise_and(cref[dsl], S - 1)
            plsc.store_scatter(accref, [idx], zeros16)

    for ob in (ob0, ob1):
        def zrow(r, _, ob=ob):
            @plsc.parallel_loop(0, S // 16, unroll=8)
            def zero_ob(k):
                ob[r, pl.ds(k * 16, 16)] = zeros16
            return 0

        lax.fori_loop(0, R_CHUNK, zrow, 0)

    def compute(xb, ob):
        def row_body(r, _):
            rvec = jnp.full((16,), r, jnp.int32)
            for klref, accref, nt in ((kl1, a1, nt1), (kl2, a2, nt2),
                                      (kl3, a3, nt3)):
                @plsc.parallel_loop(0, nt, unroll=2)
                def scat(j, klref=klref, accref=accref, rvec=rvec):
                    dsl = pl.ds(j * 16, 16)
                    cv = klref[dsl]
                    dv = jnp.bitwise_and(lax.shift_right_logical(cv, 13),
                                         D - 1)
                    xv = plsc.load_gather(xb, [rvec, dv])
                    idx = jnp.bitwise_and(cv, BMASK)
                    val = xv * jnp.where(cv < 0,
                                         jnp.full((16,), -1.0, jnp.float32),
                                         jnp.full((16,), 1.0, jnp.float32))
                    plsc.addupdate_scatter(accref, [idx], val)

            @plsc.parallel_loop(0, ntm, unroll=2)
            def prod(j, rvec=rvec):
                dsl = pl.ds(j * 16, 16)
                bv = ml[dsl]
                p = (plsc.load_gather(a1, [bv])
                     * plsc.load_gather(a2, [bv])
                     * plsc.load_gather(a3, [bv]))
                plsc.store_scatter(ob, [rvec, bv], p, mask=bv < S)
                plsc.store_scatter(a1, [bv], zeros16)
                plsc.store_scatter(a2, [bv], zeros16)
                plsc.store_scatter(a3, [bv], zeros16)
            return 0

        lax.fori_loop(0, R_CHUNK, row_body, 0)

    bufs = ((xb0, ob0, in_sem0, out_sem0), (xb1, ob1, in_sem1, out_sem1))

    def in_copy(g, xb, isem):
        return pltpu.make_async_copy(
            x_hbm.at[pl.ds(row0 + g * R_CHUNK, R_CHUNK)], xb, isem)

    def out_copy(g, ob, osem):
        return pltpu.make_async_copy(
            ob, out_hbm.at[pl.ds(row0 + g * R_CHUNK, R_CHUNK)], osem)


    def pair_body(p, _):
        for b in range(2):
            xb, ob, isem, osem = bufs[b]
            g = 2 * p + b
            in_copy(g, xb, isem).wait()

            @pl.when(p > 0)
            def _drain_out():
                out_copy(g - 2, ob, osem).wait()

            compute(xb, ob)
            out_copy(g, ob, osem).start()

            @pl.when(g + 2 < n_chunk)
            def _prefetch():
                in_copy(g + 2, xb, isem).start()
        return 0

    lax.fori_loop(0, n_chunk // 2, pair_body, 0)
    out_copy(n_chunk - 2, ob0, out_sem0).wait()
    out_copy(n_chunk - 1, ob1, out_sem1).wait()


def _tensor_sketch_sc(x, hash1, hash2, hash3, sign1, sign2, sign3):
    rows = x.shape[0]
    rows_per_w = rows // NW
    mesh = plsc.VectorSubcoreMesh(core_axis_name="c", subcore_axis_name="s")
    k = functools.partial(
        pl.kernel, mesh=mesh,
        out_type=jax.ShapeDtypeStruct((rows, S), jnp.float32),
        compiler_params=pltpu.CompilerParams(needs_layout_passes=False),
        scratch_types=[
            pltpu.VMEM((D,), jnp.int32),
            pltpu.VMEM((D,), jnp.int32),
            pltpu.VMEM((D,), jnp.int32),
            pltpu.VMEM((A_PAD,), jnp.float32),
            pltpu.VMEM((A_PAD,), jnp.float32),
            pltpu.VMEM((A_PAD,), jnp.float32),
            pltpu.VMEM((L_PAD,), jnp.int32),
            pltpu.VMEM((L_PAD,), jnp.int32),
            pltpu.VMEM((L_PAD,), jnp.int32),
            pltpu.VMEM((M_PAD,), jnp.int32),
            pltpu.VMEM((R_CHUNK, D), jnp.float32),
            pltpu.VMEM((R_CHUNK, D), jnp.float32),
            pltpu.VMEM((R_CHUNK, S), jnp.float32),
            pltpu.VMEM((R_CHUNK, S), jnp.float32),
            pltpu.SemaphoreType.DMA,
            pltpu.SemaphoreType.DMA,
            pltpu.SemaphoreType.DMA,
            pltpu.SemaphoreType.DMA,
        ],
    )(functools.partial(_sc_body, rows_per_w))
    return k(x, hash1, hash2, hash3, sign1, sign2, sign3)


@jax.jit
def kernel(x, sign1, sign2, sign3, hash1, hash2, hash3):
    return _tensor_sketch_sc(x, hash1, hash2, hash3, sign1, sign2, sign3)

# --- scband reference (transcript-rebuilt; emitter-appended) ---
"""Pipeline reference for scband-tensor-sketch-26594437497381 (READ-ONLY COPY).

The authoritative reference and input builder live on the scoring server;
editing this copy changes nothing except your own understanding.
"""

import jax, jax.numpy as jnp
import numpy as np

B = 4096
D = 2048  # input_dim
S = 4096  # sketch_dim


def setup_inputs(seed: int = 0) -> dict:
    key = jax.random.key(seed)
    ks = jax.random.split(key, 8)
    x = jax.random.normal(ks[0], (B, D), dtype=jnp.float32)
    hash1 = jax.random.randint(ks[1], (D,), 0, S, dtype=jnp.int32)
    hash2 = jax.random.randint(ks[2], (D,), 0, S, dtype=jnp.int32)
    hash3 = jax.random.randint(ks[3], (D,), 0, S, dtype=jnp.int32)
    sign1 = (jax.random.randint(ks[4], (D,), 0, 2, dtype=jnp.int32) * 2 - 1).astype(jnp.float32)
    sign2 = (jax.random.randint(ks[5], (D,), 0, 2, dtype=jnp.int32) * 2 - 1).astype(jnp.float32)
    sign3 = (jax.random.randint(ks[6], (D,), 0, 2, dtype=jnp.int32) * 2 - 1).astype(jnp.float32)
    return {
        'x': x,
        'sign1': sign1, 'sign2': sign2, 'sign3': sign3,
        'hash1': hash1, 'hash2': hash2, 'hash3': hash3,
    }


def _count_sketch(x, hash_idx, signs, sketch_dim):
    # x: [B, D]; hash_idx: [D] int; signs: [D] float (+/-1)
    x_signed = x * signs[None, :]
    sketched = jnp.zeros((x.shape[0], sketch_dim), dtype=x.dtype)
    # scatter-add along axis 1 with duplicate bucket indices
    sketched = sketched.at[:, hash_idx].add(x_signed)
    return sketched


def reference(x, sign1, sign2, sign3, hash1, hash2, hash3):
    sketch1 = _count_sketch(x, hash1, sign1, S)
    sketch2 = _count_sketch(x, hash2, sign2, S)
    sketch3 = _count_sketch(x, hash3, sign3, S)
    return sketch1 * sketch2 * sketch3

if __name__ == "__main__":
    import jax
    _d = setup_inputs()
    print(jax.jit(kernel)(*tuple(_d.values())))

</pallas_src>

<mosaic_0001>
#map = affine_map<(d0, d1) -> (0, 0)>
#map1 = affine_map<(d0, d1) -> (0)>
module attributes {stable_mosaic.version = 14 : i64} {
  func.func @_sc_body(%arg0: i32, %arg1: i32, %arg2: memref<4096x2048xf32, #tpu.memory_space<hbm>>, %arg3: memref<2048xi32, #tpu.memory_space<hbm>>, %arg4: memref<2048xi32, #tpu.memory_space<hbm>>, %arg5: memref<2048xi32, #tpu.memory_space<hbm>>, %arg6: memref<2048xf32, #tpu.memory_space<hbm>>, %arg7: memref<2048xf32, #tpu.memory_space<hbm>>, %arg8: memref<2048xf32, #tpu.memory_space<hbm>>, %arg9: memref<4096x4096xf32, #tpu.memory_space<hbm>>, %arg10: memref<2048xi32, #tpu.memory_space<vmem>>, %arg11: memref<2048xi32, #tpu.memory_space<vmem>>, %arg12: memref<2048xi32, #tpu.memory_space<vmem>>, %arg13: memref<4112xf32, #tpu.memory_space<vmem>>, %arg14: memref<4112xf32, #tpu.memory_space<vmem>>, %arg15: memref<4112xf32, #tpu.memory_space<vmem>>, %arg16: memref<2064xi32, #tpu.memory_space<vmem>>, %arg17: memref<2064xi32, #tpu.memory_space<vmem>>, %arg18: memref<2064xi32, #tpu.memory_space<vmem>>, %arg19: memref<2064xi32, #tpu.memory_space<vmem>>, %arg20: memref<8x2048xf32, #tpu.memory_space<vmem>>, %arg21: memref<8x2048xf32, #tpu.memory_space<vmem>>, %arg22: memref<8x4096xf32, #tpu.memory_space<vmem>>, %arg23: memref<8x4096xf32, #tpu.memory_space<vmem>>, %arg24: memref<!tpu.dma_semaphore, #tpu.memory_space<semaphore_mem>>, %arg25: memref<!tpu.dma_semaphore, #tpu.memory_space<semaphore_mem>>, %arg26: memref<!tpu.dma_semaphore, #tpu.memory_space<semaphore_mem>>, %arg27: memref<!tpu.dma_semaphore, #tpu.memory_space<semaphore_mem>>) attributes {dimension_semantics = [#tpu.dimension_semantics<core_parallel>, #tpu.dimension_semantics<subcore_parallel>], iteration_bounds = array<i64: 2, 16>, scalar_prefetch = 0 : i64, scratch_operands = 18 : i64, tpu.core_type = #tpu.core_type<sc_vector_subcore>, window_params = [{transform_indices = #map}, {transform_indices = #map1}, {transform_indices = #map1}, {transform_indices = #map1}, {transform_indices = #map1}, {transform_indices = #map1}, {transform_indices = #map1}, {transform_indices = #map}]} {
    %mul3A = arith.constant 16 : i32
    %mul3A_0 = arith.muli %arg0, %mul3A : i32
    %add3A = arith.addi %mul3A_0, %arg1 : i32
    %mul3A_1 = arith.constant 128 : i32
    %mul3A_2 = arith.muli %add3A, %mul3A_1 : i32
    %add3A_3 = arith.constant 0 : i32
    %add3A_4 = arith.addi %mul3A_2, %add3A_3 : i32
    %dma_start3A = arith.constant 0 : i32
    %dma_start3A_5 = tpu.memref_slice %arg2[%add3A_4, %dma_start3A] : memref<4096x2048xf32, #tpu.memory_space<hbm>> -> memref<8x2048xf32, #tpu.memory_space<hbm>>
    %dma_start3A_6 = arith.constant 0 : i32
    %dma_start3A_7 = tpu.memref_slice %arg2[%add3A_4, %dma_start3A_6] : memref<4096x2048xf32, #tpu.memory_space<hbm>> -> memref<8x2048xf32, #tpu.memory_space<hbm>>
    tpu.enqueue_dma source(%dma_start3A_7 : memref<8x2048xf32, #tpu.memory_space<hbm>>) target(%arg20 : memref<8x2048xf32, #tpu.memory_space<vmem>>) target_semaphore(%arg24 : memref<!tpu.dma_semaphore, #tpu.memory_space<semaphore_mem>>)
    %add3A_8 = arith.constant 8 : i32
    %add3A_9 = arith.addi %mul3A_2, %add3A_8 : i32
    %dma_start3A_10 = arith.constant 0 : i32
    %dma_start3A_11 = tpu.memref_slice %arg2[%add3A_9, %dma_start3A_10] : memref<4096x2048xf32, #tpu.memory_space<hbm>> -> memref<8x2048xf32, #tpu.memory_space<hbm>>
    %dma_start3A_12 = arith.constant 0 : i32
    %dma_start3A_13 = tpu.memref_slice %arg2[%add3A_9, %dma_start3A_12] : memref<4096x2048xf32, #tpu.memory_space<hbm>> -> memref<8x2048xf32, #tpu.memory_space<hbm>>
    tpu.enqueue_dma source(%dma_start3A_13 : memref<8x2048xf32, #tpu.memory_space<hbm>>) target(%arg21 : memref<8x2048xf32, #tpu.memory_space<vmem>>) target_semaphore(%arg25 : memref<!tpu.dma_semaphore, #tpu.memory_space<semaphore_mem>>)
    %broadcast_in_dim3A = arith.constant 0.000000e+00 : f32
    %broadcast_in_dim3A_14 = vector.broadcast %broadcast_in_dim3A : f32 to vector<16xf32>
    %broadcast_in_dim3A_15 = arith.constant 1.000000e+00 : f32
    %broadcast_in_dim3A_16 = vector.broadcast %broadcast_in_dim3A_15 : f32 to vector<16xf32>
    %iota3A = tpu.iota {dimensions = array<i32: 0>} : vector<16xi32>
    "tpu.region"() ({
      %run_scoped3A_137 = tpu.sem_alloc : memref<!tpu.dma_semaphore, #tpu.memory_space<semaphore_mem>>
      tpu.enqueue_dma source(%arg3 : memref<2048xi32, #tpu.memory_space<hbm>>) target(%arg10 : memref<2048xi32, #tpu.memory_space<vmem>>) target_semaphore(%run_scoped3A_137 : memref<!tpu.dma_semaphore, #tpu.memory_space<semaphore_mem>>)
      tpu.wait_dma2 semaphore(%run_scoped3A_137 : memref<!tpu.dma_semaphore, #tpu.memory_space<semaphore_mem>>) src(%arg3 : memref<2048xi32, #tpu.memory_space<hbm>>) dst(%arg10 : memref<2048xi32, #tpu.memory_space<vmem>>)
      tpu.yield
    }) : () -> ()
    "tpu.region"() ({
      %run_scoped3A_137 = tpu.sem_alloc : memref<!tpu.dma_semaphore, #tpu.memory_space<semaphore_mem>>
      tpu.enqueue_dma source(%arg4 : memref<2048xi32, #tpu.memory_space<hbm>>) target(%arg11 : memref<2048xi32, #tpu.memory_space<vmem>>) target_semaphore(%run_scoped3A_137 : memref<!tpu.dma_semaphore, #tpu.memory_space<semaphore_mem>>)
      tpu.wait_dma2 semaphore(%run_scoped3A_137 : memref<!tpu.dma_semaphore, #tpu.memory_space<semaphore_mem>>) src(%arg4 : memref<2048xi32, #tpu.memory_space<hbm>>) dst(%arg11 : memref<2048xi32, #tpu.memory_space<vmem>>)
      tpu.yield
    }) : () -> ()
    "tpu.region"() ({
      %run_scoped3A_137 = tpu.sem_alloc : memref<!tpu.dma_semaphore, #tpu.memory_space<semaphore_mem>>
      tpu.enqueue_dma source(%arg5 : memref<2048xi32, #tpu.memory_space<hbm>>) target(%arg12 : memref<2048xi32, #tpu.memory_space<vmem>>) target_semaphore(%run_scoped3A_137 : memref<!tpu.dma_semaphore, #tpu.memory_space<semaphore_mem>>)
      tpu.wait_dma2 semaphore(%run_scoped3A_137 : memref<!tpu.dma_semaphore, #tpu.memory_space<semaphore_mem>>) src(%arg5 : memref<2048xi32, #tpu.memory_space<hbm>>) dst(%arg12 : memref<2048xi32, #tpu.memory_space<vmem>>)
      tpu.yield
    }) : () -> ()
    %run_scoped3A = arith.constant 0 : i32
    "tpu.region"() ({
      %run_scoped3A_137 = tpu.sem_alloc : memref<!tpu.dma_semaphore, #tpu.memory_space<semaphore_mem>>
      %dma_start3A_138 = arith.constant 0 : i32
      %dma_start3A_139 = tpu.memref_slice %arg22[%run_scoped3A, %dma_start3A_138] : memref<8x4096xf32, #tpu.memory_space<vmem>> -> memref<1x2048xf32, #tpu.memory_space<vmem>>
      %dma_start3A_140 = tpu.memref_squeeze %dma_start3A_139 : memref<1x2048xf32, #tpu.memory_space<vmem>> -> memref<2048xf32, #tpu.memory_space<vmem>>
      %dma_start3A_141 = arith.constant 0 : i32
      %dma_start3A_142 = tpu.memref_slice %arg22[%run_scoped3A, %dma_start3A_141] : memref<8x4096xf32, #tpu.memory_space<vmem>> -> memref<1x2048xf32, #tpu.memory_space<vmem>>
      %dma_start3A_143 = tpu.memref_squeeze %dma_start3A_142 : memref<1x2048xf32, #tpu.memory_space<vmem>> -> memref<2048xf32, #tpu.memory_space<vmem>>
      tpu.enqueue_dma source(%arg6 : memref<2048xf32, #tpu.memory_space<hbm>>) target(%dma_start3A_143 : memref<2048xf32, #tpu.memory_space<vmem>>) target_semaphore(%run_scoped3A_137 : memref<!tpu.dma_semaphore, #tpu.memory_space<semaphore_mem>>)
      %dma_wait3A_144 = arith.constant 0 : i32
      %dma_wait3A_145 = tpu.memref_slice %arg22[%run_scoped3A, %dma_wait3A_144] : memref<8x4096xf32, #tpu.memory_space<vmem>> -> memref<1x2048xf32, #tpu.memory_space<vmem>>
      %dma_wait3A_146 = tpu.memref_squeeze %dma_wait3A_145 : memref<1x2048xf32, #tpu.memory_space<vmem>> -> memref<2048xf32, #tpu.memory_space<vmem>>
      %dma_wait3A_147 = arith.constant 0 : i32
      %dma_wait3A_148 = tpu.memref_slice %arg22[%run_scoped3A, %dma_wait3A_147] : memref<8x4096xf32, #tpu.memory_space<vmem>> -> memref<1x2048xf32, #tpu.memory_space<vmem>>
      %dma_wait3A_149 = tpu.memref_squeeze %dma_wait3A_148 : memref<1x2048xf32, #tpu.memory_space<vmem>> -> memref<2048xf32, #tpu.memory_space<vmem>>
      tpu.wait_dma2 semaphore(%run_scoped3A_137 : memref<!tpu.dma_semaphore, #tpu.memory_space<semaphore_mem>>) src(%arg6 : memref<2048xf32, #tpu.memory_space<hbm>>) dst(%dma_wait3A_149 : memref<2048xf32, #tpu.memory_space<vmem>>)
      tpu.yield
    }) : () -> ()
    %parallel_loop3A = arith.constant 0 : i32
    %parallel_loop3A_17 = arith.constant 128 : i32
    %parallel_loop3A_18 = arith.constant 1 : i32
    scf.for %parallel_loop3A_137 = %parallel_loop3A to %parallel_loop3A_17 step %parallel_loop3A_18  : i32 {
      %parallel_loop3A_138 = arith.constant 16 : i32
      %parallel_loop3A_139 = arith.muli %parallel_loop3A_137, %parallel_loop3A_138 : i32
      %parallel_loop3A_140 = arith.constant 0 : i32
      %parallel_loop3A_141 = arith.index_cast %parallel_loop3A_140 : i32 to index
      %parallel_loop3A_142 = arith.index_cast %parallel_loop3A_139 : i32 to index
      %parallel_loop3A_143 = tpu.vector_load %arg22[%parallel_loop3A_141, %parallel_loop3A_142] {strides = array<i32>} : memref<8x4096xf32, #tpu.memory_space<vmem>>, vector<16xf32>,
      %parallel_loop3A_144 = arith.constant 0.000000e+00 : f32
      %parallel_loop3A_145 = vector.broadcast %parallel_loop3A_144 : f32 to vector<16xf32>
      %parallel_loop3A_146 = arith.cmpf olt, %parallel_loop3A_143, %parallel_loop3A_145 : vector<16xf32>
      %parallel_loop3A_147 = arith.constant -2147483648 : i32
      %parallel_loop3A_148 = vector.broadcast %parallel_loop3A_147 : i32 to vector<16xi32>
      %parallel_loop3A_149 = arith.constant 0 : i32
      %parallel_loop3A_150 = vector.broadcast %parallel_loop3A_149 : i32 to vector<16xi32>
      %parallel_loop3A_151 = arith.select %parallel_loop3A_146, %parallel_loop3A_148, %parallel_loop3A_150 : vector<16xi1>, vector<16xi32>
      %parallel_loop3A_152 = arith.constant 16 : i32
      %parallel_loop3A_153 = arith.muli %parallel_loop3A_137, %parallel_loop3A_152 : i32
      %parallel_loop3A_154 = vector.broadcast %parallel_loop3A_153 : i32 to vector<16xi32>
      %parallel_loop3A_155 = arith.addi %parallel_loop3A_154, %iota3A : vector<16xi32>
      %parallel_loop3A_156 = arith.constant 13 : i32
      %parallel_loop3A_157 = vector.broadcast %parallel_loop3A_156 : i32 to vector<16xi32>
      %parallel_loop3A_158 = arith.shli %parallel_loop3A_155, %parallel_loop3A_157 : vector<16xi32>
      %parallel_loop3A_159 = arith.index_cast %parallel_loop3A_139 : i32 to index
      %parallel_loop3A_160 = tpu.vector_load %arg10[%parallel_loop3A_159] {strides = array<i32>} : memref<2048xi32, #tpu.memory_space<vmem>>, vector<16xi32>,
      %parallel_loop3A_161 = arith.ori %parallel_loop3A_160, %parallel_loop3A_151 : vector<16xi32>
      %parallel_loop3A_162 = arith.ori %parallel_loop3A_161, %parallel_loop3A_158 : vector<16xi32>
      %parallel_loop3A_163 = arith.index_cast %parallel_loop3A_139 : i32 to index
      %parallel_loop3A_164 = tpu.vector_load %arg10[%parallel_loop3A_163] {strides = array<i32>} : memref<2048xi32, #tpu.memory_space<vmem>>, vector<16xi32>,
      tpu.vector_store %arg10[%parallel_loop3A_163], %parallel_loop3A_162 {strides = array<i32>} : memref<2048xi32, #tpu.memory_space<vmem>>, vector<16xi32>,
    } {sc.loop_unroll_factor = 8 : i64, sc.parallel_access}
    %run_scoped3A_19 = arith.constant 0 : i32
    "tpu.region"() ({
      %run_scoped3A_137 = tpu.sem_alloc : memref<!tpu.dma_semaphore, #tpu.memory_space<semaphore_mem>>
      %dma_start3A_138 = arith.constant 0 : i32
      %dma_start3A_139 = tpu.memref_slice %arg22[%run_scoped3A_19, %dma_start3A_138] : memref<8x4096xf32, #tpu.memory_space<vmem>> -> memref<1x2048xf32, #tpu.memory_space<vmem>>
      %dma_start3A_140 = tpu.memref_squeeze %dma_start3A_139 : memref<1x2048xf32, #tpu.memory_space<vmem>> -> memref<2048xf32, #tpu.memory_space<vmem>>
      %dma_start3A_141 = arith.constant 0 : i32
      %dma_start3A_142 = tpu.memref_slice %arg22[%run_scoped3A_19, %dma_start3A_141] : memref<8x4096xf32, #tpu.memory_space<vmem>> -> memref<1x2048xf32, #tpu.memory_space<vmem>>
      %dma_start3A_143 = tpu.memref_squeeze %dma_start3A_142 : memref<1x2048xf32, #tpu.memory_space<vmem>> -> memref<2048xf32, #tpu.memory_space<vmem>>
      tpu.enqueue_dma source(%arg7 : memref<2048xf32, #tpu.memory_space<hbm>>) target(%dma_start3A_143 : memref<2048xf32, #tpu.memory_space<vmem>>) target_semaphore(%run_scoped3A_137 : memref<!tpu.dma_semaphore, #tpu.memory_space<semaphore_mem>>)
      %dma_wait3A_144 = arith.constant 0 : i32
      %dma_wait3A_145 = tpu.memref_slice %arg22[%run_scoped3A_19, %dma_wait3A_144] : memref<8x4096xf32, #tpu.memory_space<vmem>> -> memref<1x2048xf32, #tpu.memory_space<vmem>>
      %dma_wait3A_146 = tpu.memref_squeeze %dma_wait3A_145 : memref<1x2048xf32, #tpu.memory_space<vmem>> -> memref<2048xf32, #tpu.memory_space<vmem>>
      %dma_wait3A_147 = arith.constant 0 : i32
      %dma_wait3A_148 = tpu.memref_slice %arg22[%run_scoped3A_19, %dma_wait3A_147] : memref<8x4096xf32, #tpu.memory_space<vmem>> -> memref<1x2048xf32, #tpu.memory_space<vmem>>
      %dma_wait3A_149 = tpu.memref_squeeze %dma_wait3A_148 : memref<1x2048xf32, #tpu.memory_space<vmem>> -> memref<2048xf32, #tpu.memory_space<vmem>>
      tpu.wait_dma2 semaphore(%run_scoped3A_137 : memref<!tpu.dma_semaphore, #tpu.memory_space<semaphore_mem>>) src(%arg7 : memref<2048xf32, #tpu.memory_space<hbm>>) dst(%dma_wait3A_149 : memref<2048xf32, #tpu.memory_space<vmem>>)
      tpu.yield
    }) : () -> ()
    %parallel_loop3A_20 = arith.constant 0 : i32
    %parallel_loop3A_21 = arith.constant 128 : i32
    %parallel_loop3A_22 = arith.constant 1 : i32
    scf.for %parallel_loop3A_137 = %parallel_loop3A_20 to %parallel_loop3A_21 step %parallel_loop3A_22  : i32 {
      %parallel_loop3A_138 = arith.constant 16 : i32
      %parallel_loop3A_139 = arith.muli %parallel_loop3A_137, %parallel_loop3A_138 : i32
      %parallel_loop3A_140 = arith.constant 0 : i32
      %parallel_loop3A_141 = arith.index_cast %parallel_loop3A_140 : i32 to index
      %parallel_loop3A_142 = arith.index_cast %parallel_loop3A_139 : i32 to index
      %parallel_loop3A_143 = tpu.vector_load %arg22[%parallel_loop3A_141, %parallel_loop3A_142] {strides = array<i32>} : memref<8x4096xf32, #tpu.memory_space<vmem>>, vector<16xf32>,
      %parallel_loop3A_144 = arith.constant 0.000000e+00 : f32
      %parallel_loop3A_145 = vector.broadcast %parallel_loop3A_144 : f32 to vector<16xf32>
      %parallel_loop3A_146 = arith.cmpf olt, %parallel_loop3A_143, %parallel_loop3A_145 : vector<16xf32>
      %parallel_loop3A_147 = arith.constant -2147483648 : i32
      %parallel_loop3A_148 = vector.broadcast %parallel_loop3A_147 : i32 to vector<16xi32>
      %parallel_loop3A_149 = arith.constant 0 : i32
      %parallel_loop3A_150 = vector.broadcast %parallel_loop3A_149 : i32 to vector<16xi32>
      %parallel_loop3A_151 = arith.select %parallel_loop3A_146, %parallel_loop3A_148, %parallel_loop3A_150 : vector<16xi1>, vector<16xi32>
      %parallel_loop3A_152 = arith.constant 16 : i32
      %parallel_loop3A_153 = arith.muli %parallel_loop3A_137, %parallel_loop3A_152 : i32
      %parallel_loop3A_154 = vector.broadcast %parallel_loop3A_153 : i32 to vector<16xi32>
      %parallel_loop3A_155 = arith.addi %parallel_loop3A_154, %iota3A : vector<16xi32>
      %parallel_loop3A_156 = arith.constant 13 : i32
      %parallel_loop3A_157 = vector.broadcast %parallel_loop3A_156 : i32 to vector<16xi32>
      %parallel_loop3A_158 = arith.shli %parallel_loop3A_155, %parallel_loop3A_157 : vector<16xi32>
      %parallel_loop3A_159 = arith.index_cast %parallel_loop3A_139 : i32 to index
      %parallel_loop3A_160 = tpu.vector_load %arg11[%parallel_loop3A_159] {strides = array<i32>} : memref<2048xi32, #tpu.memory_space<vmem>>, vector<16xi32>,
      %parallel_loop3A_161 = arith.ori %parallel_loop3A_160, %parallel_loop3A_151 : vector<16xi32>
      %parallel_loop3A_162 = arith.ori %parallel_loop3A_161, %parallel_loop3A_158 : vector<16xi32>
      %parallel_loop3A_163 = arith.index_cast %parallel_loop3A_139 : i32 to index
      %parallel_loop3A_164 = tpu.vector_load %arg11[%parallel_loop3A_163] {strides = array<i32>} : memref<2048xi32, #tpu.memory_space<vmem>>, vector<16xi32>,
      tpu.vector_store %arg11[%parallel_loop3A_163], %parallel_loop3A_162 {strides = array<i32>} : memref<2048xi32, #tpu.memory_space<vmem>>, vector<16xi32>,
    } {sc.loop_unroll_factor = 8 : i64, sc.parallel_access}
    %run_scoped3A_23 = arith.constant 0 : i32
    "tpu.region"() ({
      %run_scoped3A_137 = tpu.sem_alloc : memref<!tpu.dma_semaphore, #tpu.memory_space<semaphore_mem>>
      %dma_start3A_138 = arith.constant 0 : i32
      %dma_start3A_139 = tpu.memref_slice %arg22[%run_scoped3A_23, %dma_start3A_138] : memref<8x4096xf32, #tpu.memory_space<vmem>> -> memref<1x2048xf32, #tpu.memory_space<vmem>>
      %dma_start3A_140 = tpu.memref_squeeze %dma_start3A_139 : memref<1x2048xf32, #tpu.memory_space<vmem>> -> memref<2048xf32, #tpu.memory_space<vmem>>
      %dma_start3A_141 = arith.constant 0 : i32
      %dma_start3A_142 = tpu.memref_slice %arg22[%run_scoped3A_23, %dma_start3A_141] : memref<8x4096xf32, #tpu.memory_space<vmem>> -> memref<1x2048xf32, #tpu.memory_space<vmem>>
      %dma_start3A_143 = tpu.memref_squeeze %dma_start3A_142 : memref<1x2048xf32, #tpu.memory_space<vmem>> -> memref<2048xf32, #tpu.memory_space<vmem>>
      tpu.enqueue_dma source(%arg8 : memref<2048xf32, #tpu.memory_space<hbm>>) target(%dma_start3A_143 : memref<2048xf32, #tpu.memory_space<vmem>>) target_semaphore(%run_scoped3A_137 : memref<!tpu.dma_semaphore, #tpu.memory_space<semaphore_mem>>)
      %dma_wait3A_144 = arith.constant 0 : i32
      %dma_wait3A_145 = tpu.memref_slice %arg22[%run_scoped3A_23, %dma_wait3A_144] : memref<8x4096xf32, #tpu.memory_space<vmem>> -> memref<1x2048xf32, #tpu.memory_space<vmem>>
      %dma_wait3A_146 = tpu.memref_squeeze %dma_wait3A_145 : memref<1x2048xf32, #tpu.memory_space<vmem>> -> memref<2048xf32, #tpu.memory_space<vmem>>
      %dma_wait3A_147 = arith.constant 0 : i32
      %dma_wait3A_148 = tpu.memref_slice %arg22[%run_scoped3A_23, %dma_wait3A_147] : memref<8x4096xf32, #tpu.memory_space<vmem>> -> memref<1x2048xf32, #tpu.memory_space<vmem>>
      %dma_wait3A_149 = tpu.memref_squeeze %dma_wait3A_148 : memref<1x2048xf32, #tpu.memory_space<vmem>> -> memref<2048xf32, #tpu.memory_space<vmem>>
      tpu.wait_dma2 semaphore(%run_scoped3A_137 : memref<!tpu.dma_semaphore, #tpu.memory_space<semaphore_mem>>) src(%arg8 : memref<2048xf32, #tpu.memory_space<hbm>>) dst(%dma_wait3A_149 : memref<2048xf32, #tpu.memory_space<vmem>>)
      tpu.yield
    }) : () -> ()
    %parallel_loop3A_24 = arith.constant 0 : i32
    %parallel_loop3A_25 = arith.constant 128 : i32
    %parallel_loop3A_26 = arith.constant 1 : i32
    scf.for %parallel_loop3A_137 = %parallel_loop3A_24 to %parallel_loop3A_25 step %parallel_loop3A_26  : i32 {
      %parallel_loop3A_138 = arith.constant 16 : i32
      %parallel_loop3A_139 = arith.muli %parallel_loop3A_137, %parallel_loop3A_138 : i32
      %parallel_loop3A_140 = arith.constant 0 : i32
      %parallel_loop3A_141 = arith.index_cast %parallel_loop3A_140 : i32 to index
      %parallel_loop3A_142 = arith.index_cast %parallel_loop3A_139 : i32 to index
      %parallel_loop3A_143 = tpu.vector_load %arg22[%parallel_loop3A_141, %parallel_loop3A_142] {strides = array<i32>} : memref<8x4096xf32, #tpu.memory_space<vmem>>, vector<16xf32>,
      %parallel_loop3A_144 = arith.constant 0.000000e+00 : f32
      %parallel_loop3A_145 = vector.broadcast %parallel_loop3A_144 : f32 to vector<16xf32>
      %parallel_loop3A_146 = arith.cmpf olt, %parallel_loop3A_143, %parallel_loop3A_145 : vector<16xf32>
      %parallel_loop3A_147 = arith.constant -2147483648 : i32
      %parallel_loop3A_148 = vector.broadcast %parallel_loop3A_147 : i32 to vector<16xi32>
      %parallel_loop3A_149 = arith.constant 0 : i32
      %parallel_loop3A_150 = vector.broadcast %parallel_loop3A_149 : i32 to vector<16xi32>
      %parallel_loop3A_151 = arith.select %parallel_loop3A_146, %parallel_loop3A_148, %parallel_loop3A_150 : vector<16xi1>, vector<16xi32>
      %parallel_loop3A_152 = arith.constant 16 : i32
      %parallel_loop3A_153 = arith.muli %parallel_loop3A_137, %parallel_loop3A_152 : i32
      %parallel_loop3A_154 = vector.broadcast %parallel_loop3A_153 : i32 to vector<16xi32>
      %parallel_loop3A_155 = arith.addi %parallel_loop3A_154, %iota3A : vector<16xi32>
      %parallel_loop3A_156 = arith.constant 13 : i32
      %parallel_loop3A_157 = vector.broadcast %parallel_loop3A_156 : i32 to vector<16xi32>
      %parallel_loop3A_158 = arith.shli %parallel_loop3A_155, %parallel_loop3A_157 : vector<16xi32>
      %parallel_loop3A_159 = arith.index_cast %parallel_loop3A_139 : i32 to index
      %parallel_loop3A_160 = tpu.vector_load %arg12[%parallel_loop3A_159] {strides = array<i32>} : memref<2048xi32, #tpu.memory_space<vmem>>, vector<16xi32>,
      %parallel_loop3A_161 = arith.ori %parallel_loop3A_160, %parallel_loop3A_151 : vector<16xi32>
      %parallel_loop3A_162 = arith.ori %parallel_loop3A_161, %parallel_loop3A_158 : vector<16xi32>
      %parallel_loop3A_163 = arith.index_cast %parallel_loop3A_139 : i32 to index
      %parallel_loop3A_164 = tpu.vector_load %arg12[%parallel_loop3A_163] {strides = array<i32>} : memref<2048xi32, #tpu.memory_space<vmem>>, vector<16xi32>,
      tpu.vector_store %arg12[%parallel_loop3A_163], %parallel_loop3A_162 {strides = array<i32>} : memref<2048xi32, #tpu.memory_space<vmem>>, vector<16xi32>,
    } {sc.loop_unroll_factor = 8 : i64, sc.parallel_access}
    %parallel_loop3A_27 = arith.constant 0 : i32
    %parallel_loop3A_28 = arith.constant 257 : i32
    %parallel_loop3A_29 = arith.constant 1 : i32
    scf.for %parallel_loop3A_137 = %parallel_loop3A_27 to %parallel_loop3A_28 step %parallel_loop3A_29  : i32 {
      %parallel_loop3A_138 = arith.constant 16 : i32
      %parallel_loop3A_139 = arith.muli %parallel_loop3A_137, %parallel_loop3A_138 : i32
      %parallel_loop3A_140 = arith.index_cast %parallel_loop3A_139 : i32 to index
      %parallel_loop3A_141 = tpu.vector_load %arg13[%parallel_loop3A_140] {strides = array<i32>} : memref<4112xf32, #tpu.memory_space<vmem>>, vector<16xf32>,
      tpu.vector_store %arg13[%parallel_loop3A_140], %broadcast_in_dim3A_14 {strides = array<i32>} : memref<4112xf32, #tpu.memory_space<vmem>>, vector<16xf32>,
      %parallel_loop3A_142 = arith.index_cast %parallel_loop3A_139 : i32 to index
      %parallel_loop3A_143 = tpu.vector_load %arg14[%parallel_loop3A_142] {strides = array<i32>} : memref<4112xf32, #tpu.memory_space<vmem>>, vector<16xf32>,
      tpu.vector_store %arg14[%parallel_loop3A_142], %broadcast_in_dim3A_14 {strides = array<i32>} : memref<4112xf32, #tpu.memory_space<vmem>>, vector<16xf32>,
      %parallel_loop3A_144 = arith.index_cast %parallel_loop3A_139 : i32 to index
      %parallel_loop3A_145 = tpu.vector_load %arg15[%parallel_loop3A_144] {strides = array<i32>} : memref<4112xf32, #tpu.memory_space<vmem>>, vector<16xf32>,
      tpu.vector_store %arg15[%parallel_loop3A_144], %broadcast_in_dim3A_14 {strides = array<i32>} : memref<4112xf32, #tpu.memory_space<vmem>>, vector<16xf32>,
    } {sc.loop_unroll_factor = 8 : i64, sc.parallel_access}
    %parallel_loop3A_30 = arith.constant 0 : i32
    %parallel_loop3A_31 = arith.constant 128 : i32
    %parallel_loop3A_32 = arith.constant 1 : i32
    scf.for %parallel_loop3A_137 = %parallel_loop3A_30 to %parallel_loop3A_31 step %parallel_loop3A_32  : i32 {
      %parallel_loop3A_138 = arith.constant 16 : i32
      %parallel_loop3A_139 = arith.muli %parallel_loop3A_137, %parallel_loop3A_138 : i32
      %parallel_loop3A_140 = arith.index_cast %parallel_loop3A_139 : i32 to index
      %parallel_loop3A_141 = tpu.vector_load %arg10[%parallel_loop3A_140] {strides = array<i32>} : memref<2048xi32, #tpu.memory_space<vmem>>, vector<16xi32>,
      %parallel_loop3A_142 = arith.constant 4095 : i32
      %parallel_loop3A_143 = vector.broadcast %parallel_loop3A_142 : i32 to vector<16xi32>
      %parallel_loop3A_144 = arith.andi %parallel_loop3A_141, %parallel_loop3A_143 : vector<16xi32>
      tpu.vector_store_idx %arg13[%parallel_loop3A_144], %broadcast_in_dim3A_16 : memref<4112xf32, #tpu.memory_space<vmem>>[vector<16xi32>], vector<16xf32>,
    } {sc.loop_unroll_factor = 8 : i64, sc.parallel_access}
    %parallel_loop3A_33 = arith.constant 0 : i32
    %parallel_loop3A_34 = arith.constant 128 : i32
    %parallel_loop3A_35 = arith.constant 1 : i32
    scf.for %parallel_loop3A_137 = %parallel_loop3A_33 to %parallel_loop3A_34 step %parallel_loop3A_35  : i32 {
      %parallel_loop3A_138 = arith.constant 16 : i32
      %parallel_loop3A_139 = arith.muli %parallel_loop3A_137, %parallel_loop3A_138 : i32
      %parallel_loop3A_140 = arith.index_cast %parallel_loop3A_139 : i32 to index
      %parallel_loop3A_141 = tpu.vector_load %arg11[%parallel_loop3A_140] {strides = array<i32>} : memref<2048xi32, #tpu.memory_space<vmem>>, vector<16xi32>,
      %parallel_loop3A_142 = arith.constant 4095 : i32
      %parallel_loop3A_143 = vector.broadcast %parallel_loop3A_142 : i32 to vector<16xi32>
      %parallel_loop3A_144 = arith.andi %parallel_loop3A_141, %parallel_loop3A_143 : vector<16xi32>
      tpu.vector_store_idx %arg14[%parallel_loop3A_144], %broadcast_in_dim3A_16 : memref<4112xf32, #tpu.memory_space<vmem>>[vector<16xi32>], vector<16xf32>,
    } {sc.loop_unroll_factor = 8 : i64, sc.parallel_access}
    %parallel_loop3A_36 = arith.constant 0 : i32
    %parallel_loop3A_37 = arith.constant 128 : i32
    %parallel_loop3A_38 = arith.constant 1 : i32
    scf.for %parallel_loop3A_137 = %parallel_loop3A_36 to %parallel_loop3A_37 step %parallel_loop3A_38  : i32 {
      %parallel_loop3A_138 = arith.constant 16 : i32
      %parallel_loop3A_139 = arith.muli %parallel_loop3A_137, %parallel_loop3A_138 : i32
      %parallel_loop3A_140 = arith.index_cast %parallel_loop3A_139 : i32 to index
      %parallel_loop3A_141 = tpu.vector_load %arg12[%parallel_loop3A_140] {strides = array<i32>} : memref<2048xi32, #tpu.memory_space<vmem>>, vector<16xi32>,
      %parallel_loop3A_142 = arith.constant 4095 : i32
      %parallel_loop3A_143 = vector.broadcast %parallel_loop3A_142 : i32 to vector<16xi32>
      %parallel_loop3A_144 = arith.andi %parallel_loop3A_141, %parallel_loop3A_143 : vector<16xi32>
      tpu.vector_store_idx %arg15[%parallel_loop3A_144], %broadcast_in_dim3A_16 : memref<4112xf32, #tpu.memory_space<vmem>>[vector<16xi32>], vector<16xf32>,
    } {sc.loop_unroll_factor = 8 : i64, sc.parallel_access}
    %scan3A = arith.constant 0 : i32
    %scan3A_39 = arith.constant 0 : i32
    %scan3A_40 = arith.constant 128 : i32
    %scan3A_41 = arith.addi %scan3A_39, %scan3A_40 : i32
    %scan3A_42 = arith.constant 1 : i32
    %scan3A_43 = scf.for %scan3A_137 = %scan3A_39 to %scan3A_41 step %scan3A_42 iter_args(%scan3A_138 = %scan3A) -> (i32)  : i32 {
      %mul3A_139 = arith.constant 16 : i32
      %mul3A_140 = arith.muli %scan3A_137, %mul3A_139 : i32
      %get3A = arith.index_cast %mul3A_140 : i32 to index
      %get3A_141 = tpu.vector_load %arg10[%get3A] {strides = array<i32>} : memref<2048xi32, #tpu.memory_space<vmem>>, vector<16xi32>,
      %and3A = arith.constant 4095 : i32
      %and3A_142 = vector.broadcast %and3A : i32 to vector<16xi32>
      %and3A_143 = arith.andi %get3A_141, %and3A_142 : vector<16xi32>
      %gather3A = tpu.vector_load_idx %arg13[%and3A_143] : memref<4112xf32, #tpu.memory_space<vmem>>[vector<16xi32>], vector<16xf32>,
      %gather3A_144 = tpu.vector_load_idx %arg14[%and3A_143] : memref<4112xf32, #tpu.memory_space<vmem>>[vector<16xi32>], vector<16xf32>,
      %gather3A_145 = tpu.vector_load_idx %arg15[%and3A_143] : memref<4112xf32, #tpu.memory_space<vmem>>[vector<16xi32>], vector<16xf32>,
      %mul3A_146 = arith.mulf %gather3A, %gather3A_144 : vector<16xf32>
      %mul3A_147 = arith.mulf %mul3A_146, %gather3A_145 : vector<16xf32>
      %gt3A = arith.constant 5.000000e-01 : f32
      %gt3A_148 = vector.broadcast %gt3A : f32 to vector<16xf32>
      %gt3A_149 = arith.cmpf ogt, %mul3A_147, %gt3A_148 : vector<16xf32>
      %swap3A_150 = arith.index_cast %scan3A_138 : i32 to index
      %swap3A_151 = tpu.vector_load %arg16[%swap3A_150] masked %gt3A_149 {strides = array<i32>} : memref<2064xi32, #tpu.memory_space<vmem>>, vector<16xi32>, vector<16xi1>
      tpu.vector_store %arg16[%swap3A_150], %get3A_141 masked %gt3A_149 {strides = array<i32>} : memref<2064xi32, #tpu.memory_space<vmem>>, vector<16xi32>, vector<16xi1>
      %all_reduce_population_count3A = tpu.all_reduce %gt3A_149 {dim = 0 : i64, kind = #tpu.reduction_kind<sum>} : vector<16xi1> -> vector<16xi32>
      %reduce_max3A = arith.constant true
      %reduce_max3A_152 = vector.broadcast %reduce_max3A : i1 to vector<16xi1>
      %reduce_max3A_153 = arith.constant -2147483648 : i32
      %reduce_max3A_154 = vector.broadcast %reduce_max3A_153 : i32 to vector<16xi32>
      %reduce_max3A_155 = arith.xori %all_reduce_population_count3A, %reduce_max3A_154 : vector<16xi32>
      %reduce_max3A_156 = tpu.scan <max>, %reduce_max3A_155 masked %reduce_max3A_152 : vector<16xi32>, vector<16xi1> -> vector<16xi32>
      %reduce_max3A_157 = arith.xori %reduce_max3A_156, %reduce_max3A_154 : vector<16xi32>
      %reduce_max3A_158 = vector.extract %reduce_max3A_157[15] : i32 from vector<16xi32>
      %add3A_159 = arith.addi %scan3A_138, %reduce_max3A_158 : i32
      scf.yield %add3A_159 : i32
    }
    %scan3A_44 = arith.constant 128 : i32
    %broadcast_in_dim3A_45 = arith.constant 4096 : i32
    %broadcast_in_dim3A_46 = vector.broadcast %broadcast_in_dim3A_45 : i32 to vector<16xi32>
    %swap3A = arith.index_cast %scan3A_43 : i32 to index
    %swap3A_47 = tpu.vector_load %arg16[%swap3A] {strides = array<i32>} : memref<2064xi32, #tpu.memory_space<vmem>>, vector<16xi32>,
    tpu.vector_store %arg16[%swap3A], %broadcast_in_dim3A_46 {strides = array<i32>} : memref<2064xi32, #tpu.memory_space<vmem>>, vector<16xi32>,
    %add3A_48 = arith.constant 15 : i32
    %add3A_49 = arith.addi %scan3A_43, %add3A_48 : i32
    %shift_right_arithmetic3A = arith.constant 4 : i32
    %shift_right_arithmetic3A_50 = arith.shrsi %add3A_49, %shift_right_arithmetic3A : i32
    %scan3A_51 = arith.constant 0 : i32
    %scan3A_52 = arith.constant 0 : i32
    %scan3A_53 = arith.constant 128 : i32
    %scan3A_54 = arith.addi %scan3A_52, %scan3A_53 : i32
    %scan3A_55 = arith.constant 1 : i32
    %scan3A_56 = scf.for %scan3A_137 = %scan3A_52 to %scan3A_54 step %scan3A_55 iter_args(%scan3A_138 = %scan3A_51) -> (i32)  : i32 {
      %mul3A_139 = arith.constant 16 : i32
      %mul3A_140 = arith.muli %scan3A_137, %mul3A_139 : i32
      %get3A = arith.index_cast %mul3A_140 : i32 to index
      %get3A_141 = tpu.vector_load %arg11[%get3A] {strides = array<i32>} : memref<2048xi32, #tpu.memory_space<vmem>>, vector<16xi32>,
      %and3A = arith.constant 4095 : i32
      %and3A_142 = vector.broadcast %and3A : i32 to vector<16xi32>
      %and3A_143 = arith.andi %get3A_141, %and3A_142 : vector<16xi32>
      %gather3A = tpu.vector_load_idx %arg13[%and3A_143] : memref<4112xf32, #tpu.memory_space<vmem>>[vector<16xi32>], vector<16xf32>,
      %gather3A_144 = tpu.vector_load_idx %arg14[%and3A_143] : memref<4112xf32, #tpu.memory_space<vmem>>[vector<16xi32>], vector<16xf32>,
      %gather3A_145 = tpu.vector_load_idx %arg15[%and3A_143] : memref<4112xf32, #tpu.memory_space<vmem>>[vector<16xi32>], vector<16xf32>,
      %mul3A_146 = arith.mulf %gather3A, %gather3A_144 : vector<16xf32>
      %mul3A_147 = arith.mulf %mul3A_146, %gather3A_145 : vector<16xf32>
      %gt3A = arith.constant 5.000000e-01 : f32
      %gt3A_148 = vector.broadcast %gt3A : f32 to vector<16xf32>
      %gt3A_149 = arith.cmpf ogt, %mul3A_147, %gt3A_148 : vector<16xf32>
      %swap3A_150 = arith.index_cast %scan3A_138 : i32 to index
      %swap3A_151 = tpu.vector_load %arg17[%swap3A_150] masked %gt3A_149 {strides = array<i32>} : memref<2064xi32, #tpu.memory_space<vmem>>, vector<16xi32>, vector<16xi1>
      tpu.vector_store %arg17[%swap3A_150], %get3A_141 masked %gt3A_149 {strides = array<i32>} : memref<2064xi32, #tpu.memory_space<vmem>>, vector<16xi32>, vector<16xi1>
      %all_reduce_population_count3A = tpu.all_reduce %gt3A_149 {dim = 0 : i64, kind = #tpu.reduction_kind<sum>} : vector<16xi1> -> vector<16xi32>
      %reduce_max3A = arith.constant true
      %reduce_max3A_152 = vector.broadcast %reduce_max3A : i1 to vector<16xi1>
      %reduce_max3A_153 = arith.constant -2147483648 : i32
      %reduce_max3A_154 = vector.broadcast %reduce_max3A_153 : i32 to vector<16xi32>
      %reduce_max3A_155 = arith.xori %all_reduce_population_count3A, %reduce_max3A_154 : vector<16xi32>
      %reduce_max3A_156 = tpu.scan <max>, %reduce_max3A_155 masked %reduce_max3A_152 : vector<16xi32>, vector<16xi1> -> vector<16xi32>
      %reduce_max3A_157 = arith.xori %reduce_max3A_156, %reduce_max3A_154 : vector<16xi32>
      %reduce_max3A_158 = vector.extract %reduce_max3A_157[15] : i32 from vector<16xi32>
      %add3A_159 = arith.addi %scan3A_138, %reduce_max3A_158 : i32
      scf.yield %add3A_159 : i32
    }
    %scan3A_57 = arith.constant 128 : i32
    %broadcast_in_dim3A_58 = arith.constant 4096 : i32
    %broadcast_in_dim3A_59 = vector.broadcast %broadcast_in_dim3A_58 : i32 to vector<16xi32>
    %swap3A_60 = arith.index_cast %scan3A_56 : i32 to index
    %swap3A_61 = tpu.vector_load %arg17[%swap3A_60] {strides = array<i32>} : memref<2064xi32, #tpu.memory_space<vmem>>, vector<16xi32>,
    tpu.vector_store %arg17[%swap3A_60], %broadcast_in_dim3A_59 {strides = array<i32>} : memref<2064xi32, #tpu.memory_space<vmem>>, vector<16xi32>,
    %add3A_62 = arith.constant 15 : i32
    %add3A_63 = arith.addi %scan3A_56, %add3A_62 : i32
    %shift_right_arithmetic3A_64 = arith.constant 4 : i32
    %shift_right_arithmetic3A_65 = arith.shrsi %add3A_63, %shift_right_arithmetic3A_64 : i32
    %scan3A_66 = arith.constant 0 : i32
    %scan3A_67 = arith.constant 0 : i32
    %scan3A_68 = arith.constant 128 : i32
    %scan3A_69 = arith.addi %scan3A_67, %scan3A_68 : i32
    %scan3A_70 = arith.constant 1 : i32
    %scan3A_71 = scf.for %scan3A_137 = %scan3A_67 to %scan3A_69 step %scan3A_70 iter_args(%scan3A_138 = %scan3A_66) -> (i32)  : i32 {
      %mul3A_139 = arith.constant 16 : i32
      %mul3A_140 = arith.muli %scan3A_137, %mul3A_139 : i32
      %get3A = arith.index_cast %mul3A_140 : i32 to index
      %get3A_141 = tpu.vector_load %arg12[%get3A] {strides = array<i32>} : memref<2048xi32, #tpu.memory_space<vmem>>, vector<16xi32>,
      %and3A = arith.constant 4095 : i32
      %and3A_142 = vector.broadcast %and3A : i32 to vector<16xi32>
      %and3A_143 = arith.andi %get3A_141, %and3A_142 : vector<16xi32>
      %gather3A = tpu.vector_load_idx %arg13[%and3A_143] : memref<4112xf32, #tpu.memory_space<vmem>>[vector<16xi32>], vector<16xf32>,
      %gather3A_144 = tpu.vector_load_idx %arg14[%and3A_143] : memref<4112xf32, #tpu.memory_space<vmem>>[vector<16xi32>], vector<16xf32>,
      %gather3A_145 = tpu.vector_load_idx %arg15[%and3A_143] : memref<4112xf32, #tpu.memory_space<vmem>>[vector<16xi32>], vector<16xf32>,
      %mul3A_146 = arith.mulf %gather3A, %gather3A_144 : vector<16xf32>
      %mul3A_147 = arith.mulf %mul3A_146, %gather3A_145 : vector<16xf32>
      %gt3A = arith.constant 5.000000e-01 : f32
      %gt3A_148 = vector.broadcast %gt3A : f32 to vector<16xf32>
      %gt3A_149 = arith.cmpf ogt, %mul3A_147, %gt3A_148 : vector<16xf32>
      %swap3A_150 = arith.index_cast %scan3A_138 : i32 to index
      %swap3A_151 = tpu.vector_load %arg18[%swap3A_150] masked %gt3A_149 {strides = array<i32>} : memref<2064xi32, #tpu.memory_space<vmem>>, vector<16xi32>, vector<16xi1>
      tpu.vector_store %arg18[%swap3A_150], %get3A_141 masked %gt3A_149 {strides = array<i32>} : memref<2064xi32, #tpu.memory_space<vmem>>, vector<16xi32>, vector<16xi1>
      %all_reduce_population_count3A = tpu.all_reduce %gt3A_149 {dim = 0 : i64, kind = #tpu.reduction_kind<sum>} : vector<16xi1> -> vector<16xi32>
      %reduce_max3A = arith.constant true
      %reduce_max3A_152 = vector.broadcast %reduce_max3A : i1 to vector<16xi1>
      %reduce_max3A_153 = arith.constant -2147483648 : i32
      %reduce_max3A_154 = vector.broadcast %reduce_max3A_153 : i32 to vector<16xi32>
      %reduce_max3A_155 = arith.xori %all_reduce_population_count3A, %reduce_max3A_154 : vector<16xi32>
      %reduce_max3A_156 = tpu.scan <max>, %reduce_max3A_155 masked %reduce_max3A_152 : vector<16xi32>, vector<16xi1> -> vector<16xi32>
      %reduce_max3A_157 = arith.xori %reduce_max3A_156, %reduce_max3A_154 : vector<16xi32>
      %reduce_max3A_158 = vector.extract %reduce_max3A_157[15] : i32 from vector<16xi32>
      %add3A_159 = arith.addi %scan3A_138, %reduce_max3A_158 : i32
      scf.yield %add3A_159 : i32
    }
    %scan3A_72 = arith.constant 128 : i32
    %broadcast_in_dim3A_73 = arith.constant 4096 : i32
    %broadcast_in_dim3A_74 = vector.broadcast %broadcast_in_dim3A_73 : i32 to vector<16xi32>
    %swap3A_75 = arith.index_cast %scan3A_71 : i32 to index
    %swap3A_76 = tpu.vector_load %arg18[%swap3A_75] {strides = array<i32>} : memref<2064xi32, #tpu.memory_space<vmem>>, vector<16xi32>,
    tpu.vector_store %arg18[%swap3A_75], %broadcast_in_dim3A_74 {strides = array<i32>} : memref<2064xi32, #tpu.memory_space<vmem>>, vector<16xi32>,
    %add3A_77 = arith.constant 15 : i32
    %add3A_78 = arith.addi %scan3A_71, %add3A_77 : i32
    %shift_right_arithmetic3A_79 = arith.constant 4 : i32
    %shift_right_arithmetic3A_80 = arith.shrsi %add3A_78, %shift_right_arithmetic3A_79 : i32
    %scan3A_81 = arith.constant 0 : i32
    %scan3A_82 = arith.constant 0 : i32
    %scan3A_83 = arith.constant 256 : i32
    %scan3A_84 = arith.addi %scan3A_82, %scan3A_83 : i32
    %scan3A_85 = arith.constant 1 : i32
    %scan3A_86 = scf.for %scan3A_137 = %scan3A_82 to %scan3A_84 step %scan3A_85 iter_args(%scan3A_138 = %scan3A_81) -> (i32)  : i32 {
      %mul3A_139 = arith.constant 16 : i32
      %mul3A_140 = arith.muli %scan3A_137, %mul3A_139 : i32
      %get3A = arith.index_cast %mul3A_140 : i32 to index
      %get3A_141 = tpu.vector_load %arg13[%get3A] {strides = array<i32>} : memref<4112xf32, #tpu.memory_space<vmem>>, vector<16xf32>,
      %get3A_142 = arith.index_cast %mul3A_140 : i32 to index
      %get3A_143 = tpu.vector_load %arg14[%get3A_142] {strides = array<i32>} : memref<4112xf32, #tpu.memory_space<vmem>>, vector<16xf32>,
      %mul3A_144 = arith.mulf %get3A_141, %get3A_143 : vector<16xf32>
      %get3A_145 = arith.index_cast %mul3A_140 : i32 to index
      %get3A_146 = tpu.vector_load %arg15[%get3A_145] {strides = array<i32>} : memref<4112xf32, #tpu.memory_space<vmem>>, vector<16xf32>,
      %mul3A_147 = arith.mulf %mul3A_144, %get3A_146 : vector<16xf32>
      %gt3A = arith.constant 5.000000e-01 : f32
      %gt3A_148 = vector.broadcast %gt3A : f32 to vector<16xf32>
      %gt3A_149 = arith.cmpf ogt, %mul3A_147, %gt3A_148 : vector<16xf32>
      %mul3A_150 = arith.constant 16 : i32
      %mul3A_151 = arith.muli %scan3A_137, %mul3A_150 : i32
      %add3A_152 = vector.broadcast %mul3A_151 : i32 to vector<16xi32>
      %add3A_153 = arith.addi %add3A_152, %iota3A : vector<16xi32>
      %swap3A_154 = arith.index_cast %scan3A_138 : i32 to index
      %swap3A_155 = tpu.vector_load %arg19[%swap3A_154] masked %gt3A_149 {strides = array<i32>} : memref<2064xi32, #tpu.memory_space<vmem>>, vector<16xi32>, vector<16xi1>
      tpu.vector_store %arg19[%swap3A_154], %add3A_153 masked %gt3A_149 {strides = array<i32>} : memref<2064xi32, #tpu.memory_space<vmem>>, vector<16xi32>, vector<16xi1>
      %all_reduce_population_count3A = tpu.all_reduce %gt3A_149 {dim = 0 : i64, kind = #tpu.reduction_kind<sum>} : vector<16xi1> -> vector<16xi32>
      %reduce_max3A = arith.constant true
      %reduce_max3A_156 = vector.broadcast %reduce_max3A : i1 to vector<16xi1>
      %reduce_max3A_157 = arith.constant -2147483648 : i32
      %reduce_max3A_158 = vector.broadcast %reduce_max3A_157 : i32 to vector<16xi32>
      %reduce_max3A_159 = arith.xori %all_reduce_population_count3A, %reduce_max3A_158 : vector<16xi32>
      %reduce_max3A_160 = tpu.scan <max>, %reduce_max3A_159 masked %reduce_max3A_156 : vector<16xi32>, vector<16xi1> -> vector<16xi32>
      %reduce_max3A_161 = arith.xori %reduce_max3A_160, %reduce_max3A_158 : vector<16xi32>
      %reduce_max3A_162 = vector.extract %reduce_max3A_161[15] : i32 from vector<16xi32>
      %add3A_163 = arith.addi %scan3A_138, %reduce_max3A_162 : i32
      scf.yield %add3A_163 : i32
    }
    %scan3A_87 = arith.constant 256 : i32
    %broadcast_in_dim3A_88 = arith.constant 4096 : i32
    %broadcast_in_dim3A_89 = vector.broadcast %broadcast_in_dim3A_88 : i32 to vector<16xi32>
    %swap3A_90 = arith.index_cast %scan3A_86 : i32 to index
    %swap3A_91 = tpu.vector_load %arg19[%swap3A_90] {strides = array<i32>} : memref<2064xi32, #tpu.memory_space<vmem>>, vector<16xi32>,
    tpu.vector_store %arg19[%swap3A_90], %broadcast_in_dim3A_89 {strides = array<i32>} : memref<2064xi32, #tpu.memory_space<vmem>>, vector<16xi32>,
    %add3A_92 = arith.constant 15 : i32
    %add3A_93 = arith.addi %scan3A_86, %add3A_92 : i32
    %shift_right_arithmetic3A_94 = arith.constant 4 : i32
    %shift_right_arithmetic3A_95 = arith.shrsi %add3A_93, %shift_right_arithmetic3A_94 : i32
    %parallel_loop3A_96 = arith.constant 0 : i32
    %parallel_loop3A_97 = arith.constant 128 : i32
    %parallel_loop3A_98 = arith.constant 1 : i32
    scf.for %parallel_loop3A_137 = %parallel_loop3A_96 to %parallel_loop3A_97 step %parallel_loop3A_98  : i32 {
      %parallel_loop3A_138 = arith.constant 16 : i32
      %parallel_loop3A_139 = arith.muli %parallel_loop3A_137, %parallel_loop3A_138 : i32
      %parallel_loop3A_140 = arith.index_cast %parallel_loop3A_139 : i32 to index
      %parallel_loop3A_141 = tpu.vector_load %arg10[%parallel_loop3A_140] {strides = array<i32>} : memref<2048xi32, #tpu.memory_space<vmem>>, vector<16xi32>,
      %parallel_loop3A_142 = arith.constant 4095 : i32
      %parallel_loop3A_143 = vector.broadcast %parallel_loop3A_142 : i32 to vector<16xi32>
      %parallel_loop3A_144 = arith.andi %parallel_loop3A_141, %parallel_loop3A_143 : vector<16xi32>
      tpu.vector_store_idx %arg13[%parallel_loop3A_144], %broadcast_in_dim3A_14 : memref<4112xf32, #tpu.memory_space<vmem>>[vector<16xi32>], vector<16xf32>,
    } {sc.loop_unroll_factor = 8 : i64, sc.parallel_access}
    %parallel_loop3A_99 = arith.constant 0 : i32
    %parallel_loop3A_100 = arith.constant 128 : i32
    %parallel_loop3A_101 = arith.constant 1 : i32
    scf.for %parallel_loop3A_137 = %parallel_loop3A_99 to %parallel_loop3A_100 step %parallel_loop3A_101  : i32 {
      %parallel_loop3A_138 = arith.constant 16 : i32
      %parallel_loop3A_139 = arith.muli %parallel_loop3A_137, %parallel_loop3A_138 : i32
      %parallel_loop3A_140 = arith.index_cast %parallel_loop3A_139 : i32 to index
      %parallel_loop3A_141 = tpu.vector_load %arg11[%parallel_loop3A_140] {strides = array<i32>} : memref<2048xi32, #tpu.memory_space<vmem>>, vector<16xi32>,
      %parallel_loop3A_142 = arith.constant 4095 : i32
      %parallel_loop3A_143 = vector.broadcast %parallel_loop3A_142 : i32 to vector<16xi32>
      %parallel_loop3A_144 = arith.andi %parallel_loop3A_141, %parallel_loop3A_143 : vector<16xi32>
      tpu.vector_store_idx %arg14[%parallel_loop3A_144], %broadcast_in_dim3A_14 : memref<4112xf32, #tpu.memory_space<vmem>>[vector<16xi32>], vector<16xf32>,
    } {sc.loop_unroll_factor = 8 : i64, sc.parallel_access}
    %parallel_loop3A_102 = arith.constant 0 : i32
    %parallel_loop3A_103 = arith.constant 128 : i32
    %parallel_loop3A_104 = arith.constant 1 : i32
    scf.for %parallel_loop3A_137 = %parallel_loop3A_102 to %parallel_loop3A_103 step %parallel_loop3A_104  : i32 {
      %parallel_loop3A_138 = arith.constant 16 : i32
      %parallel_loop3A_139 = arith.muli %parallel_loop3A_137, %parallel_loop3A_138 : i32
      %parallel_loop3A_140 = arith.index_cast %parallel_loop3A_139 : i32 to index
      %parallel_loop3A_141 = tpu.vector_load %arg12[%parallel_loop3A_140] {strides = array<i32>} : memref<2048xi32, #tpu.memory_space<vmem>>, vector<16xi32>,
      %parallel_loop3A_142 = arith.constant 4095 : i32
      %parallel_loop3A_143 = vector.broadcast %parallel_loop3A_142 : i32 to vector<16xi32>
      %parallel_loop3A_144 = arith.andi %parallel_loop3A_141, %parallel_loop3A_143 : vector<16xi32>
      tpu.vector_store_idx %arg15[%parallel_loop3A_144], %broadcast_in_dim3A_14 : memref<4112xf32, #tpu.memory_space<vmem>>[vector<16xi32>], vector<16xf32>,
    } {sc.loop_unroll_factor = 8 : i64, sc.parallel_access}
    %scan3A_105 = arith.constant 0 : i32
    %scan3A_106 = arith.constant 0 : i32
    %scan3A_107 = arith.constant 8 : i32
    %scan3A_108 = arith.addi %scan3A_106, %scan3A_107 : i32
    %scan3A_109 = arith.constant 1 : i32
    %scan3A_110 = scf.for %scan3A_137 = %scan3A_106 to %scan3A_108 step %scan3A_109 iter_args(%scan3A_138 = %scan3A_105) -> (i32)  : i32 {
      %parallel_loop3A_139 = arith.constant 0 : i32
      %parallel_loop3A_140 = arith.constant 256 : i32
      %parallel_loop3A_141 = arith.constant 1 : i32
      scf.for %parallel_loop3A_143 = %parallel_loop3A_139 to %parallel_loop3A_140 step %parallel_loop3A_141  : i32 {
        %parallel_loop3A_144 = arith.constant 16 : i32
        %parallel_loop3A_145 = arith.muli %parallel_loop3A_143, %parallel_loop3A_144 : i32
        %parallel_loop3A_146 = arith.index_cast %scan3A_137 : i32 to index
        %parallel_loop3A_147 = arith.index_cast %parallel_loop3A_145 : i32 to index
        %parallel_loop3A_148 = tpu.vector_load %arg22[%parallel_loop3A_146, %parallel_loop3A_147] {strides = array<i32>} : memref<8x4096xf32, #tpu.memory_space<vmem>>, vector<16xf32>,
        tpu.vector_store %arg22[%parallel_loop3A_146, %parallel_loop3A_147], %broadcast_in_dim3A_14 {strides = array<i32>} : memref<8x4096xf32, #tpu.memory_space<vmem>>, vector<16xf32>,
      } {sc.loop_unroll_factor = 8 : i64, sc.parallel_access}
      %scan3A_142 = arith.constant 0 : i32
      scf.yield %scan3A_142 : i32
    }
    %scan3A_111 = arith.constant 8 : i32
    %scan3A_112 = arith.constant 0 : i32
    %scan3A_113 = arith.constant 0 : i32
    %scan3A_114 = arith.constant 8 : i32
    %scan3A_115 = arith.addi %scan3A_113, %scan3A_114 : i32
    %scan3A_116 = arith.constant 1 : i32
    %scan3A_117 = scf.for %scan3A_137 = %scan3A_113 to %scan3A_115 step %scan3A_116 iter_args(%scan3A_138 = %scan3A_112) -> (i32)  : i32 {
      %parallel_loop3A_139 = arith.constant 0 : i32
      %parallel_loop3A_140 = arith.constant 256 : i32
      %parallel_loop3A_141 = arith.constant 1 : i32
      scf.for %parallel_loop3A_143 = %parallel_loop3A_139 to %parallel_loop3A_140 step %parallel_loop3A_141  : i32 {
        %parallel_loop3A_144 = arith.constant 16 : i32
        %parallel_loop3A_145 = arith.muli %parallel_loop3A_143, %parallel_loop3A_144 : i32
        %parallel_loop3A_146 = arith.index_cast %scan3A_137 : i32 to index
        %parallel_loop3A_147 = arith.index_cast %parallel_loop3A_145 : i32 to index
        %parallel_loop3A_148 = tpu.vector_load %arg23[%parallel_loop3A_146, %parallel_loop3A_147] {strides = array<i32>} : memref<8x4096xf32, #tpu.memory_space<vmem>>, vector<16xf32>,
        tpu.vector_store %arg23[%parallel_loop3A_146, %parallel_loop3A_147], %broadcast_in_dim3A_14 {strides = array<i32>} : memref<8x4096xf32, #tpu.memory_space<vmem>>, vector<16xf32>,
      } {sc.loop_unroll_factor = 8 : i64, sc.parallel_access}
      %scan3A_142 = arith.constant 0 : i32
      scf.yield %scan3A_142 : i32
    }
    %scan3A_118 = arith.constant 8 : i32
    %scan3A_119 = arith.constant 0 : i32
    %scan3A_120 = arith.constant 0 : i32
    %scan3A_121 = arith.constant 8 : i32
    %scan3A_122 = arith.addi %scan3A_120, %scan3A_121 : i32
    %scan3A_123 = arith.constant 1 : i32
    %scan3A_124 = scf.for %scan3A_137 = %scan3A_120 to %scan3A_122 step %scan3A_123 iter_args(%scan3A_138 = %scan3A_119) -> (i32)  : i32 {
      %mul3A_139 = arith.constant 2 : i32
      %mul3A_140 = arith.muli %mul3A_139, %scan3A_137 : i32
      %add3A_141 = arith.constant 0 : i32
      %add3A_142 = arith.addi %mul3A_140, %add3A_141 : i32
      %mul3A_143 = arith.constant 8 : i32
      %mul3A_144 = arith.muli %add3A_142, %mul3A_143 : i32
      %add3A_145 = arith.addi %mul3A_2, %mul3A_144 : i32
      %dma_wait3A_146 = arith.constant 0 : i32
      %dma_wait3A_147 = tpu.memref_slice %arg2[%add3A_145, %dma_wait3A_146] : memref<4096x2048xf32, #tpu.memory_space<hbm>> -> memref<8x2048xf32, #tpu.memory_space<hbm>>
      %dma_wait3A_148 = arith.constant 0 : i32
      %dma_wait3A_149 = tpu.memref_slice %arg2[%add3A_145, %dma_wait3A_148] : memref<4096x2048xf32, #tpu.memory_space<hbm>> -> memref<8x2048xf32, #tpu.memory_space<hbm>>
      tpu.wait_dma2 semaphore(%arg24 : memref<!tpu.dma_semaphore, #tpu.memory_space<semaphore_mem>>) src(%dma_wait3A_149 : memref<8x2048xf32, #tpu.memory_space<hbm>>) dst(%arg20 : memref<8x2048xf32, #tpu.memory_space<vmem>>)
      %gt3A = arith.constant 0 : i32
      %gt3A_150 = arith.cmpi sgt, %scan3A_137, %gt3A : i32
      %convert_element_type3A = arith.extui %gt3A_150 : i1 to i32
      %cond3A = arith.constant 0 : i32
      %cond3A_151 = arith.cmpi ne, %convert_element_type3A, %cond3A : i32
      scf.if %cond3A_151 {
        %sub3A = arith.constant 2 : i32
        %sub3A_210 = arith.subi %add3A_142, %sub3A : i32
        %mul3A_211 = arith.constant 8 : i32
        %mul3A_212 = arith.muli %sub3A_210, %mul3A_211 : i32
        %add3A_213 = arith.addi %mul3A_2, %mul3A_212 : i32
        %dma_wait3A_214 = arith.constant 0 : i32
        %dma_wait3A_215 = tpu.memref_slice %arg9[%add3A_213, %dma_wait3A_214] : memref<4096x4096xf32, #tpu.memory_space<hbm>> -> memref<8x4096xf32, #tpu.memory_space<hbm>>
        %dma_wait3A_216 = arith.constant 0 : i32
        %dma_wait3A_217 = tpu.memref_slice %arg9[%add3A_213, %dma_wait3A_216] : memref<4096x4096xf32, #tpu.memory_space<hbm>> -> memref<8x4096xf32, #tpu.memory_space<hbm>>
        tpu.wait_dma2 semaphore(%arg26 : memref<!tpu.dma_semaphore, #tpu.memory_space<semaphore_mem>>) src(%arg22 : memref<8x4096xf32, #tpu.memory_space<vmem>>) dst(%dma_wait3A_217 : memref<8x4096xf32, #tpu.memory_space<hbm>>)
      } else {
      }
      %scan3A_152 = arith.constant 0 : i32
      %scan3A_153 = arith.constant 0 : i32
      %scan3A_154 = arith.constant 8 : i32
      %scan3A_155 = arith.addi %scan3A_153, %scan3A_154 : i32
      %scan3A_156 = arith.constant 1 : i32
      %scan3A_157 = scf.for %scan3A_210 = %scan3A_153 to %scan3A_155 step %scan3A_156 iter_args(%scan3A_211 = %scan3A_152) -> (i32)  : i32 {
        %broadcast_in_dim3A_212 = vector.broadcast %scan3A_210 : i32 to vector<16xi32>
        %parallel_loop3A_213 = arith.constant 0 : i32
        %parallel_loop3A_214 = arith.constant 1 : i32
        scf.for %parallel_loop3A_222 = %parallel_loop3A_213 to %shift_right_arithmetic3A_50 step %parallel_loop3A_214  : i32 {
          %parallel_loop3A_223 = arith.constant 16 : i32
          %parallel_loop3A_224 = arith.muli %parallel_loop3A_222, %parallel_loop3A_223 : i32
          %parallel_loop3A_225 = arith.index_cast %parallel_loop3A_224 : i32 to index
          %parallel_loop3A_226 = tpu.vector_load %arg16[%parallel_loop3A_225] {strides = array<i32>} : memref<2064xi32, #tpu.memory_space<vmem>>, vector<16xi32>,
          %parallel_loop3A_227 = arith.constant 13 : i32
          %parallel_loop3A_228 = vector.broadcast %parallel_loop3A_227 : i32 to vector<16xi32>
          %parallel_loop3A_229 = arith.shrui %parallel_loop3A_226, %parallel_loop3A_228 : vector<16xi32>
          %parallel_loop3A_230 = arith.constant 2047 : i32
          %parallel_loop3A_231 = vector.broadcast %parallel_loop3A_230 : i32 to vector<16xi32>
          %parallel_loop3A_232 = arith.andi %parallel_loop3A_229, %parallel_loop3A_231 : vector<16xi32>
          %parallel_loop3A_233 = tpu.vector_load_idx %arg20[%broadcast_in_dim3A_212, %parallel_loop3A_232] : memref<8x2048xf32, #tpu.memory_space<vmem>>[vector<16xi32>, vector<16xi32>], vector<16xf32>,
          %parallel_loop3A_234 = arith.constant 8191 : i32
          %parallel_loop3A_235 = vector.broadcast %parallel_loop3A_234 : i32 to vector<16xi32>
          %parallel_loop3A_236 = arith.andi %parallel_loop3A_226, %parallel_loop3A_235 : vector<16xi32>
          %parallel_loop3A_237 = arith.constant 0 : i32
          %parallel_loop3A_238 = vector.broadcast %parallel_loop3A_237 : i32 to vector<16xi32>
          %parallel_loop3A_239 = arith.cmpi slt, %parallel_loop3A_226, %parallel_loop3A_238 : vector<16xi32>
          %parallel_loop3A_240 = arith.constant -1.000000e+00 : f32
          %parallel_loop3A_241 = vector.broadcast %parallel_loop3A_240 : f32 to vector<16xf32>
          %parallel_loop3A_242 = arith.constant 1.000000e+00 : f32
          %parallel_loop3A_243 = vector.broadcast %parallel_loop3A_242 : f32 to vector<16xf32>
          %parallel_loop3A_244 = arith.select %parallel_loop3A_239, %parallel_loop3A_241, %parallel_loop3A_243 : vector<16xi1>, vector<16xf32>
          %parallel_loop3A_245 = arith.mulf %parallel_loop3A_233, %parallel_loop3A_244 : vector<16xf32>
          tpu.vector_store_idx %arg13[%parallel_loop3A_236], %parallel_loop3A_245 {add = true} : memref<4112xf32, #tpu.memory_space<vmem>>[vector<16xi32>], vector<16xf32>,
        } {sc.loop_unroll_factor = 2 : i64, sc.parallel_access}
        %parallel_loop3A_215 = arith.constant 0 : i32
        %parallel_loop3A_216 = arith.constant 1 : i32
        scf.for %parallel_loop3A_222 = %parallel_loop3A_215 to %shift_right_arithmetic3A_65 step %parallel_loop3A_216  : i32 {
          %parallel_loop3A_223 = arith.constant 16 : i32
          %parallel_loop3A_224 = arith.muli %parallel_loop3A_222, %parallel_loop3A_223 : i32
          %parallel_loop3A_225 = arith.index_cast %parallel_loop3A_224 : i32 to index
          %parallel_loop3A_226 = tpu.vector_load %arg17[%parallel_loop3A_225] {strides = array<i32>} : memref<2064xi32, #tpu.memory_space<vmem>>, vector<16xi32>,
          %parallel_loop3A_227 = arith.constant 13 : i32
          %parallel_loop3A_228 = vector.broadcast %parallel_loop3A_227 : i32 to vector<16xi32>
          %parallel_loop3A_229 = arith.shrui %parallel_loop3A_226, %parallel_loop3A_228 : vector<16xi32>
          %parallel_loop3A_230 = arith.constant 2047 : i32
          %parallel_loop3A_231 = vector.broadcast %parallel_loop3A_230 : i32 to vector<16xi32>
          %parallel_loop3A_232 = arith.andi %parallel_loop3A_229, %parallel_loop3A_231 : vector<16xi32>
          %parallel_loop3A_233 = tpu.vector_load_idx %arg20[%broadcast_in_dim3A_212, %parallel_loop3A_232] : memref<8x2048xf32, #tpu.memory_space<vmem>>[vector<16xi32>, vector<16xi32>], vector<16xf32>,
          %parallel_loop3A_234 = arith.constant 8191 : i32
          %parallel_loop3A_235 = vector.broadcast %parallel_loop3A_234 : i32 to vector<16xi32>
          %parallel_loop3A_236 = arith.andi %parallel_loop3A_226, %parallel_loop3A_235 : vector<16xi32>
          %parallel_loop3A_237 = arith.constant 0 : i32
          %parallel_loop3A_238 = vector.broadcast %parallel_loop3A_237 : i32 to vector<16xi32>
          %parallel_loop3A_239 = arith.cmpi slt, %parallel_loop3A_226, %parallel_loop3A_238 : vector<16xi32>
          %parallel_loop3A_240 = arith.constant -1.000000e+00 : f32
          %parallel_loop3A_241 = vector.broadcast %parallel_loop3A_240 : f32 to vector<16xf32>
          %parallel_loop3A_242 = arith.constant 1.000000e+00 : f32
          %parallel_loop3A_243 = vector.broadcast %parallel_loop3A_242 : f32 to vector<16xf32>
          %parallel_loop3A_244 = arith.select %parallel_loop3A_239, %parallel_loop3A_241, %parallel_loop3A_243 : vector<16xi1>, vector<16xf32>
          %parallel_loop3A_245 = arith.mulf %parallel_loop3A_233, %parallel_loop3A_244 : vector<16xf32>
          tpu.vector_store_idx %arg14[%parallel_loop3A_236], %parallel_loop3A_245 {add = true} : memref<4112xf32, #tpu.memory_space<vmem>>[vector<16xi32>], vector<16xf32>,
        } {sc.loop_unroll_factor = 2 : i64, sc.parallel_access}
        %parallel_loop3A_217 = arith.constant 0 : i32
        %parallel_loop3A_218 = arith.constant 1 : i32
        scf.for %parallel_loop3A_222 = %parallel_loop3A_217 to %shift_right_arithmetic3A_80 step %parallel_loop3A_218  : i32 {
          %parallel_loop3A_223 = arith.constant 16 : i32
          %parallel_loop3A_224 = arith.muli %parallel_loop3A_222, %parallel_loop3A_223 : i32
          %parallel_loop3A_225 = arith.index_cast %parallel_loop3A_224 : i32 to index
          %parallel_loop3A_226 = tpu.vector_load %arg18[%parallel_loop3A_225] {strides = array<i32>} : memref<2064xi32, #tpu.memory_space<vmem>>, vector<16xi32>,
          %parallel_loop3A_227 = arith.constant 13 : i32
          %parallel_loop3A_228 = vector.broadcast %parallel_loop3A_227 : i32 to vector<16xi32>
          %parallel_loop3A_229 = arith.shrui %parallel_loop3A_226, %parallel_loop3A_228 : vector<16xi32>
          %parallel_loop3A_230 = arith.constant 2047 : i32
          %parallel_loop3A_231 = vector.broadcast %parallel_loop3A_230 : i32 to vector<16xi32>
          %parallel_loop3A_232 = arith.andi %parallel_loop3A_229, %parallel_loop3A_231 : vector<16xi32>
          %parallel_loop3A_233 = tpu.vector_load_idx %arg20[%broadcast_in_dim3A_212, %parallel_loop3A_232] : memref<8x2048xf32, #tpu.memory_space<vmem>>[vector<16xi32>, vector<16xi32>], vector<16xf32>,
          %parallel_loop3A_234 = arith.constant 8191 : i32
          %parallel_loop3A_235 = vector.broadcast %parallel_loop3A_234 : i32 to vector<16xi32>
          %parallel_loop3A_236 = arith.andi %parallel_loop3A_226, %parallel_loop3A_235 : vector<16xi32>
          %parallel_loop3A_237 = arith.constant 0 : i32
          %parallel_loop3A_238 = vector.broadcast %parallel_loop3A_237 : i32 to vector<16xi32>
          %parallel_loop3A_239 = arith.cmpi slt, %parallel_loop3A_226, %parallel_loop3A_238 : vector<16xi32>
          %parallel_loop3A_240 = arith.constant -1.000000e+00 : f32
          %parallel_loop3A_241 = vector.broadcast %parallel_loop3A_240 : f32 to vector<16xf32>
          %parallel_loop3A_242 = arith.constant 1.000000e+00 : f32
          %parallel_loop3A_243 = vector.broadcast %parallel_loop3A_242 : f32 to vector<16xf32>
          %parallel_loop3A_244 = arith.select %parallel_loop3A_239, %parallel_loop3A_241, %parallel_loop3A_243 : vector<16xi1>, vector<16xf32>
          %parallel_loop3A_245 = arith.mulf %parallel_loop3A_233, %parallel_loop3A_244 : vector<16xf32>
          tpu.vector_store_idx %arg15[%parallel_loop3A_236], %parallel_loop3A_245 {add = true} : memref<4112xf32, #tpu.memory_space<vmem>>[vector<16xi32>], vector<16xf32>,
        } {sc.loop_unroll_factor = 2 : i64, sc.parallel_access}
        %parallel_loop3A_219 = arith.constant 0 : i32
        %parallel_loop3A_220 = arith.constant 1 : i32
        scf.for %parallel_loop3A_222 = %parallel_loop3A_219 to %shift_right_arithmetic3A_95 step %parallel_loop3A_220  : i32 {
          %parallel_loop3A_223 = arith.constant 16 : i32
          %parallel_loop3A_224 = arith.muli %parallel_loop3A_222, %parallel_loop3A_223 : i32
          %parallel_loop3A_225 = arith.index_cast %parallel_loop3A_224 : i32 to index
          %parallel_loop3A_226 = tpu.vector_load %arg19[%parallel_loop3A_225] {strides = array<i32>} : memref<2064xi32, #tpu.memory_space<vmem>>, vector<16xi32>,
          %parallel_loop3A_227 = tpu.vector_load_idx %arg13[%parallel_loop3A_226] : memref<4112xf32, #tpu.memory_space<vmem>>[vector<16xi32>], vector<16xf32>,
          %parallel_loop3A_228 = tpu.vector_load_idx %arg14[%parallel_loop3A_226] : memref<4112xf32, #tpu.memory_space<vmem>>[vector<16xi32>], vector<16xf32>,
          %parallel_loop3A_229 = arith.mulf %parallel_loop3A_227, %parallel_loop3A_228 : vector<16xf32>
          %parallel_loop3A_230 = tpu.vector_load_idx %arg15[%parallel_loop3A_226] : memref<4112xf32, #tpu.memory_space<vmem>>[vector<16xi32>], vector<16xf32>,
          %parallel_loop3A_231 = arith.mulf %parallel_loop3A_229, %parallel_loop3A_230 : vector<16xf32>
          %parallel_loop3A_232 = arith.constant 4096 : i32
          %parallel_loop3A_233 = vector.broadcast %parallel_loop3A_232 : i32 to vector<16xi32>
          %parallel_loop3A_234 = arith.cmpi slt, %parallel_loop3A_226, %parallel_loop3A_233 : vector<16xi32>
          tpu.vector_store_idx %arg22[%broadcast_in_dim3A_212, %parallel_loop3A_226], %parallel_loop3A_231 masked %parallel_loop3A_234 : memref<8x4096xf32, #tpu.memory_space<vmem>>[vector<16xi32>, vector<16xi32>], vector<16xf32>, vector<16xi1>
          tpu.vector_store_idx %arg13[%parallel_loop3A_226], %broadcast_in_dim3A_14 : memref<4112xf32, #tpu.memory_space<vmem>>[vector<16xi32>], vector<16xf32>,
          tpu.vector_store_idx %arg14[%parallel_loop3A_226], %broadcast_in_dim3A_14 : memref<4112xf32, #tpu.memory_space<vmem>>[vector<16xi32>], vector<16xf32>,
          tpu.vector_store_idx %arg15[%parallel_loop3A_226], %broadcast_in_dim3A_14 : memref<4112xf32, #tpu.memory_space<vmem>>[vector<16xi32>], vector<16xf32>,
        } {sc.loop_unroll_factor = 2 : i64, sc.parallel_access}
        %scan3A_221 = arith.constant 0 : i32
        scf.yield %scan3A_221 : i32
      }
      %scan3A_158 = arith.constant 8 : i32
      %mul3A_159 = arith.constant 8 : i32
      %mul3A_160 = arith.muli %add3A_142, %mul3A_159 : i32
      %add3A_161 = arith.addi %mul3A_2, %mul3A_160 : i32
      %dma_start3A_162 = arith.constant 0 : i32
      %dma_start3A_163 = tpu.memref_slice %arg9[%add3A_161, %dma_start3A_162] : memref<4096x4096xf32, #tpu.memory_space<hbm>> -> memref<8x4096xf32, #tpu.memory_space<hbm>>
      %dma_start3A_164 = arith.constant 0 : i32
      %dma_start3A_165 = tpu.memref_slice %arg9[%add3A_161, %dma_start3A_164] : memref<4096x4096xf32, #tpu.memory_space<hbm>> -> memref<8x4096xf32, #tpu.memory_space<hbm>>
      tpu.enqueue_dma source(%arg22 : memref<8x4096xf32, #tpu.memory_space<vmem>>) target(%dma_start3A_165 : memref<8x4096xf32, #tpu.memory_space<hbm>>) target_semaphore(%arg26 : memref<!tpu.dma_semaphore, #tpu.memory_space<semaphore_mem>>)
      %add3A_166 = arith.constant 2 : i32
      %add3A_167 = arith.addi %add3A_142, %add3A_166 : i32
      %lt3A = arith.constant 16 : i32
      %lt3A_168 = arith.cmpi slt, %add3A_167, %lt3A : i32
      %convert_element_type3A_169 = arith.extui %lt3A_168 : i1 to i32
      %cond3A_170 = arith.constant 0 : i32
      %cond3A_171 = arith.cmpi ne, %convert_element_type3A_169, %cond3A_170 : i32
      scf.if %cond3A_171 {
        %add3A_210 = arith.constant 2 : i32
        %add3A_211 = arith.addi %add3A_142, %add3A_210 : i32
        %mul3A_212 = arith.constant 8 : i32
        %mul3A_213 = arith.muli %add3A_211, %mul3A_212 : i32
        %add3A_214 = arith.addi %mul3A_2, %mul3A_213 : i32
        %dma_start3A_215 = arith.constant 0 : i32
        %dma_start3A_216 = tpu.memref_slice %arg2[%add3A_214, %dma_start3A_215] : memref<4096x2048xf32, #tpu.memory_space<hbm>> -> memref<8x2048xf32, #tpu.memory_space<hbm>>
        %dma_start3A_217 = arith.constant 0 : i32
        %dma_start3A_218 = tpu.memref_slice %arg2[%add3A_214, %dma_start3A_217] : memref<4096x2048xf32, #tpu.memory_space<hbm>> -> memref<8x2048xf32, #tpu.memory_space<hbm>>
        tpu.enqueue_dma source(%dma_start3A_218 : memref<8x2048xf32, #tpu.memory_space<hbm>>) target(%arg20 : memref<8x2048xf32, #tpu.memory_space<vmem>>) target_semaphore(%arg24 : memref<!tpu.dma_semaphore, #tpu.memory_space<semaphore_mem>>)
      } else {
      }
      %mul3A_172 = arith.constant 2 : i32
      %mul3A_173 = arith.muli %mul3A_172, %scan3A_137 : i32
      %add3A_174 = arith.constant 1 : i32
      %add3A_175 = arith.addi %mul3A_173, %add3A_174 : i32
      %mul3A_176 = arith.constant 8 : i32
      %mul3A_177 = arith.muli %add3A_175, %mul3A_176 : i32
      %add3A_178 = arith.addi %mul3A_2, %mul3A_177 : i32
      %dma_wait3A_179 = arith.constant 0 : i32
      %dma_wait3A_180 = tpu.memref_slice %arg2[%add3A_178, %dma_wait3A_179] : memref<4096x2048xf32, #tpu.memory_space<hbm>> -> memref<8x2048xf32, #tpu.memory_space<hbm>>
      %dma_wait3A_181 = arith.constant 0 : i32
      %dma_wait3A_182 = tpu.memref_slice %arg2[%add3A_178, %dma_wait3A_181] : memref<4096x2048xf32, #tpu.memory_space<hbm>> -> memref<8x2048xf32, #tpu.memory_space<hbm>>
      tpu.wait_dma2 semaphore(%arg25 : memref<!tpu.dma_semaphore, #tpu.memory_space<semaphore_mem>>) src(%dma_wait3A_182 : memref<8x2048xf32, #tpu.memory_space<hbm>>) dst(%arg21 : memref<8x2048xf32, #tpu.memory_space<vmem>>)
      %gt3A_183 = arith.constant 0 : i32
      %gt3A_184 = arith.cmpi sgt, %scan3A_137, %gt3A_183 : i32
      %convert_element_type3A_185 = arith.extui %gt3A_184 : i1 to i32
      %cond3A_186 = arith.constant 0 : i32
      %cond3A_187 = arith.cmpi ne, %convert_element_type3A_185, %cond3A_186 : i32
      scf.if %cond3A_187 {
        %sub3A = arith.constant 2 : i32
        %sub3A_210 = arith.subi %add3A_175, %sub3A : i32
        %mul3A_211 = arith.constant 8 : i32
        %mul3A_212 = arith.muli %sub3A_210, %mul3A_211 : i32
        %add3A_213 = arith.addi %mul3A_2, %mul3A_212 : i32
        %dma_wait3A_214 = arith.constant 0 : i32
        %dma_wait3A_215 = tpu.memref_slice %arg9[%add3A_213, %dma_wait3A_214] : memref<4096x4096xf32, #tpu.memory_space<hbm>> -> memref<8x4096xf32, #tpu.memory_space<hbm>>
        %dma_wait3A_216 = arith.constant 0 : i32
        %dma_wait3A_217 = tpu.memref_slice %arg9[%add3A_213, %dma_wait3A_216] : memref<4096x4096xf32, #tpu.memory_space<hbm>> -> memref<8x4096xf32, #tpu.memory_space<hbm>>
        tpu.wait_dma2 semaphore(%arg27 : memref<!tpu.dma_semaphore, #tpu.memory_space<semaphore_mem>>) src(%arg23 : memref<8x4096xf32, #tpu.memory_space<vmem>>) dst(%dma_wait3A_217 : memref<8x4096xf32, #tpu.memory_space<hbm>>)
      } else {
      }
      %scan3A_188 = arith.constant 0 : i32
      %scan3A_189 = arith.constant 0 : i32
      %scan3A_190 = arith.constant 8 : i32
      %scan3A_191 = arith.addi %scan3A_189, %scan3A_190 : i32
      %scan3A_192 = arith.constant 1 : i32
      %scan3A_193 = scf.for %scan3A_210 = %scan3A_189 to %scan3A_191 step %scan3A_192 iter_args(%scan3A_211 = %scan3A_188) -> (i32)  : i32 {
        %broadcast_in_dim3A_212 = vector.broadcast %scan3A_210 : i32 to vector<16xi32>
        %parallel_loop3A_213 = arith.constant 0 : i32
        %parallel_loop3A_214 = arith.constant 1 : i32
        scf.for %parallel_loop3A_222 = %parallel_loop3A_213 to %shift_right_arithmetic3A_50 step %parallel_loop3A_214  : i32 {
          %parallel_loop3A_223 = arith.constant 16 : i32
          %parallel_loop3A_224 = arith.muli %parallel_loop3A_222, %parallel_loop3A_223 : i32
          %parallel_loop3A_225 = arith.index_cast %parallel_loop3A_224 : i32 to index
          %parallel_loop3A_226 = tpu.vector_load %arg16[%parallel_loop3A_225] {strides = array<i32>} : memref<2064xi32, #tpu.memory_space<vmem>>, vector<16xi32>,
          %parallel_loop3A_227 = arith.constant 13 : i32
          %parallel_loop3A_228 = vector.broadcast %parallel_loop3A_227 : i32 to vector<16xi32>
          %parallel_loop3A_229 = arith.shrui %parallel_loop3A_226, %parallel_loop3A_228 : vector<16xi32>
          %parallel_loop3A_230 = arith.constant 2047 : i32
          %parallel_loop3A_231 = vector.broadcast %parallel_loop3A_230 : i32 to vector<16xi32>
          %parallel_loop3A_232 = arith.andi %parallel_loop3A_229, %parallel_loop3A_231 : vector<16xi32>
          %parallel_loop3A_233 = tpu.vector_load_idx %arg21[%broadcast_in_dim3A_212, %parallel_loop3A_232] : memref<8x2048xf32, #tpu.memory_space<vmem>>[vector<16xi32>, vector<16xi32>], vector<16xf32>,
          %parallel_loop3A_234 = arith.constant 8191 : i32
          %parallel_loop3A_235 = vector.broadcast %parallel_loop3A_234 : i32 to vector<16xi32>
          %parallel_loop3A_236 = arith.andi %parallel_loop3A_226, %parallel_loop3A_235 : vector<16xi32>
          %parallel_loop3A_237 = arith.constant 0 : i32
          %parallel_loop3A_238 = vector.broadcast %parallel_loop3A_237 : i32 to vector<16xi32>
          %parallel_loop3A_239 = arith.cmpi slt, %parallel_loop3A_226, %parallel_loop3A_238 : vector<16xi32>
          %parallel_loop3A_240 = arith.constant -1.000000e+00 : f32
          %parallel_loop3A_241 = vector.broadcast %parallel_loop3A_240 : f32 to vector<16xf32>
          %parallel_loop3A_242 = arith.constant 1.000000e+00 : f32
          %parallel_loop3A_243 = vector.broadcast %parallel_loop3A_242 : f32 to vector<16xf32>
          %parallel_loop3A_244 = arith.select %parallel_loop3A_239, %parallel_loop3A_241, %parallel_loop3A_243 : vector<16xi1>, vector<16xf32>
          %parallel_loop3A_245 = arith.mulf %parallel_loop3A_233, %parallel_loop3A_244 : vector<16xf32>
          tpu.vector_store_idx %arg13[%parallel_loop3A_236], %parallel_loop3A_245 {add = true} : memref<4112xf32, #tpu.memory_space<vmem>>[vector<16xi32>], vector<16xf32>,
        } {sc.loop_unroll_factor = 2 : i64, sc.parallel_access}
        %parallel_loop3A_215 = arith.constant 0 : i32
        %parallel_loop3A_216 = arith.constant 1 : i32
        scf.for %parallel_loop3A_222 = %parallel_loop3A_215 to %shift_right_arithmetic3A_65 step %parallel_loop3A_216  : i32 {
          %parallel_loop3A_223 = arith.constant 16 : i32
          %parallel_loop3A_224 = arith.muli %parallel_loop3A_222, %parallel_loop3A_223 : i32
          %parallel_loop3A_225 = arith.index_cast %parallel_loop3A_224 : i32 to index
          %parallel_loop3A_226 = tpu.vector_load %arg17[%parallel_loop3A_225] {strides = array<i32>} : memref<2064xi32, #tpu.memory_space<vmem>>, vector<16xi32>,
          %parallel_loop3A_227 = arith.constant 13 : i32
          %parallel_loop3A_228 = vector.broadcast %parallel_loop3A_227 : i32 to vector<16xi32>
          %parallel_loop3A_229 = arith.shrui %parallel_loop3A_226, %parallel_loop3A_228 : vector<16xi32>
          %parallel_loop3A_230 = arith.constant 2047 : i32
          %parallel_loop3A_231 = vector.broadcast %parallel_loop3A_230 : i32 to vector<16xi32>
          %parallel_loop3A_232 = arith.andi %parallel_loop3A_229, %parallel_loop3A_231 : vector<16xi32>
          %parallel_loop3A_233 = tpu.vector_load_idx %arg21[%broadcast_in_dim3A_212, %parallel_loop3A_232] : memref<8x2048xf32, #tpu.memory_space<vmem>>[vector<16xi32>, vector<16xi32>], vector<16xf32>,
          %parallel_loop3A_234 = arith.constant 8191 : i32
          %parallel_loop3A_235 = vector.broadcast %parallel_loop3A_234 : i32 to vector<16xi32>
          %parallel_loop3A_236 = arith.andi %parallel_loop3A_226, %parallel_loop3A_235 : vector<16xi32>
          %parallel_loop3A_237 = arith.constant 0 : i32
          %parallel_loop3A_238 = vector.broadcast %parallel_loop3A_237 : i32 to vector<16xi32>
          %parallel_loop3A_239 = arith.cmpi slt, %parallel_loop3A_226, %parallel_loop3A_238 : vector<16xi32>
          %parallel_loop3A_240 = arith.constant -1.000000e+00 : f32
          %parallel_loop3A_241 = vector.broadcast %parallel_loop3A_240 : f32 to vector<16xf32>
          %parallel_loop3A_242 = arith.constant 1.000000e+00 : f32
          %parallel_loop3A_243 = vector.broadcast %parallel_loop3A_242 : f32 to vector<16xf32>
          %parallel_loop3A_244 = arith.select %parallel_loop3A_239, %parallel_loop3A_241, %parallel_loop3A_243 : vector<16xi1>, vector<16xf32>
          %parallel_loop3A_245 = arith.mulf %parallel_loop3A_233, %parallel_loop3A_244 : vector<16xf32>
          tpu.vector_store_idx %arg14[%parallel_loop3A_236], %parallel_loop3A_245 {add = true} : memref<4112xf32, #tpu.memory_space<vmem>>[vector<16xi32>], vector<16xf32>,
        } {sc.loop_unroll_factor = 2 : i64, sc.parallel_access}
        %parallel_loop3A_217 = arith.constant 0 : i32
        %parallel_loop3A_218 = arith.constant 1 : i32
        scf.for %parallel_loop3A_222 = %parallel_loop3A_217 to %shift_right_arithmetic3A_80 step %parallel_loop3A_218  : i32 {
          %parallel_loop3A_223 = arith.constant 16 : i32
          %parallel_loop3A_224 = arith.muli %parallel_loop3A_222, %parallel_loop3A_223 : i32
          %parallel_loop3A_225 = arith.index_cast %parallel_loop3A_224 : i32 to index
          %parallel_loop3A_226 = tpu.vector_load %arg18[%parallel_loop3A_225] {strides = array<i32>} : memref<2064xi32, #tpu.memory_space<vmem>>, vector<16xi32>,
          %parallel_loop3A_227 = arith.constant 13 : i32
          %parallel_loop3A_228 = vector.broadcast %parallel_loop3A_227 : i32 to vector<16xi32>
          %parallel_loop3A_229 = arith.shrui %parallel_loop3A_226, %parallel_loop3A_228 : vector<16xi32>
          %parallel_loop3A_230 = arith.constant 2047 : i32
          %parallel_loop3A_231 = vector.broadcast %parallel_loop3A_230 : i32 to vector<16xi32>
          %parallel_loop3A_232 = arith.andi %parallel_loop3A_229, %parallel_loop3A_231 : vector<16xi32>
          %parallel_loop3A_233 = tpu.vector_load_idx %arg21[%broadcast_in_dim3A_212, %parallel_loop3A_232] : memref<8x2048xf32, #tpu.memory_space<vmem>>[vector<16xi32>, vector<16xi32>], vector<16xf32>,
          %parallel_loop3A_234 = arith.constant 8191 : i32
          %parallel_loop3A_235 = vector.broadcast %parallel_loop3A_234 : i32 to vector<16xi32>
          %parallel_loop3A_236 = arith.andi %parallel_loop3A_226, %parallel_loop3A_235 : vector<16xi32>
          %parallel_loop3A_237 = arith.constant 0 : i32
          %parallel_loop3A_238 = vector.broadcast %parallel_loop3A_237 : i32 to vector<16xi32>
          %parallel_loop3A_239 = arith.cmpi slt, %parallel_loop3A_226, %parallel_loop3A_238 : vector<16xi32>
          %parallel_loop3A_240 = arith.constant -1.000000e+00 : f32
          %parallel_loop3A_241 = vector.broadcast %parallel_loop3A_240 : f32 to vector<16xf32>
          %parallel_loop3A_242 = arith.constant 1.000000e+00 : f32
          %parallel_loop3A_243 = vector.broadcast %parallel_loop3A_242 : f32 to vector<16xf32>
          %parallel_loop3A_244 = arith.select %parallel_loop3A_239, %parallel_loop3A_241, %parallel_loop3A_243 : vector<16xi1>, vector<16xf32>
          %parallel_loop3A_245 = arith.mulf %parallel_loop3A_233, %parallel_loop3A_244 : vector<16xf32>
          tpu.vector_store_idx %arg15[%parallel_loop3A_236], %parallel_loop3A_245 {add = true} : memref<4112xf32, #tpu.memory_space<vmem>>[vector<16xi32>], vector<16xf32>,
        } {sc.loop_unroll_factor = 2 : i64, sc.parallel_access}
        %parallel_loop3A_219 = arith.constant 0 : i32
        %parallel_loop3A_220 = arith.constant 1 : i32
        scf.for %parallel_loop3A_222 = %parallel_loop3A_219 to %shift_right_arithmetic3A_95 step %parallel_loop3A_220  : i32 {
          %parallel_loop3A_223 = arith.constant 16 : i32
          %parallel_loop3A_224 = arith.muli %parallel_loop3A_222, %parallel_loop3A_223 : i32
          %parallel_loop3A_225 = arith.index_cast %parallel_loop3A_224 : i32 to index
          %parallel_loop3A_226 = tpu.vector_load %arg19[%parallel_loop3A_225] {strides = array<i32>} : memref<2064xi32, #tpu.memory_space<vmem>>, vector<16xi32>,
          %parallel_loop3A_227 = tpu.vector_load_idx %arg13[%parallel_loop3A_226] : memref<4112xf32, #tpu.memory_space<vmem>>[vector<16xi32>], vector<16xf32>,
          %parallel_loop3A_228 = tpu.vector_load_idx %arg14[%parallel_loop3A_226] : memref<4112xf32, #tpu.memory_space<vmem>>[vector<16xi32>], vector<16xf32>,
          %parallel_loop3A_229 = arith.mulf %parallel_loop3A_227, %parallel_loop3A_228 : vector<16xf32>
          %parallel_loop3A_230 = tpu.vector_load_idx %arg15[%parallel_loop3A_226] : memref<4112xf32, #tpu.memory_space<vmem>>[vector<16xi32>], vector<16xf32>,
          %parallel_loop3A_231 = arith.mulf %parallel_loop3A_229, %parallel_loop3A_230 : vector<16xf32>
          %parallel_loop3A_232 = arith.constant 4096 : i32
          %parallel_loop3A_233 = vector.broadcast %parallel_loop3A_232 : i32 to vector<16xi32>
          %parallel_loop3A_234 = arith.cmpi slt, %parallel_loop3A_226, %parallel_loop3A_233 : vector<16xi32>
          tpu.vector_store_idx %arg23[%broadcast_in_dim3A_212, %parallel_loop3A_226], %parallel_loop3A_231 masked %parallel_loop3A_234 : memref<8x4096xf32, #tpu.memory_space<vmem>>[vector<16xi32>, vector<16xi32>], vector<16xf32>, vector<16xi1>
          tpu.vector_store_idx %arg13[%parallel_loop3A_226], %broadcast_in_dim3A_14 : memref<4112xf32, #tpu.memory_space<vmem>>[vector<16xi32>], vector<16xf32>,
          tpu.vector_store_idx %arg14[%parallel_loop3A_226], %broadcast_in_dim3A_14 : memref<4112xf32, #tpu.memory_space<vmem>>[vector<16xi32>], vector<16xf32>,
          tpu.vector_store_idx %arg15[%parallel_loop3A_226], %broadcast_in_dim3A_14 : memref<4112xf32, #tpu.memory_space<vmem>>[vector<16xi32>], vector<16xf32>,
        } {sc.loop_unroll_factor = 2 : i64, sc.parallel_access}
        %scan3A_221 = arith.constant 0 : i32
        scf.yield %scan3A_221 : i32
      }
      %scan3A_194 = arith.constant 8 : i32
      %mul3A_195 = arith.constant 8 : i32
      %mul3A_196 = arith.muli %add3A_175, %mul3A_195 : i32
      %add3A_197 = arith.addi %mul3A_2, %mul3A_196 : i32
      %dma_start3A_198 = arith.constant 0 : i32
      %dma_start3A_199 = tpu.memref_slice %arg9[%add3A_197, %dma_start3A_198] : memref<4096x4096xf32, #tpu.memory_space<hbm>> -> memref<8x4096xf32, #tpu.memory_space<hbm>>
      %dma_start3A_200 = arith.constant 0 : i32
      %dma_start3A_201 = tpu.memref_slice %arg9[%add3A_197, %dma_start3A_200] : memref<4096x4096xf32, #tpu.memory_space<hbm>> -> memref<8x4096xf32, #tpu.memory_space<hbm>>
      tpu.enqueue_dma source(%arg23 : memref<8x4096xf32, #tpu.memory_space<vmem>>) target(%dma_start3A_201 : memref<8x4096xf32, #tpu.memory_space<hbm>>) target_semaphore(%arg27 : memref<!tpu.dma_semaphore, #tpu.memory_space<semaphore_mem>>)
      %add3A_202 = arith.constant 2 : i32
      %add3A_203 = arith.addi %add3A_175, %add3A_202 : i32
      %lt3A_204 = arith.constant 16 : i32
      %lt3A_205 = arith.cmpi slt, %add3A_203, %lt3A_204 : i32
      %convert_element_type3A_206 = arith.extui %lt3A_205 : i1 to i32
      %cond3A_207 = arith.constant 0 : i32
      %cond3A_208 = arith.cmpi ne, %convert_element_type3A_206, %cond3A_207 : i32
      scf.if %cond3A_208 {
        %add3A_210 = arith.constant 2 : i32
        %add3A_211 = arith.addi %add3A_175, %add3A_210 : i32
        %mul3A_212 = arith.constant 8 : i32
        %mul3A_213 = arith.muli %add3A_211, %mul3A_212 : i32
        %add3A_214 = arith.addi %mul3A_2, %mul3A_213 : i32
        %dma_start3A_215 = arith.constant 0 : i32
        %dma_start3A_216 = tpu.memref_slice %arg2[%add3A_214, %dma_start3A_215] : memref<4096x2048xf32, #tpu.memory_space<hbm>> -> memref<8x2048xf32, #tpu.memory_space<hbm>>
        %dma_start3A_217 = arith.constant 0 : i32
        %dma_start3A_218 = tpu.memref_slice %arg2[%add3A_214, %dma_start3A_217] : memref<4096x2048xf32, #tpu.memory_space<hbm>> -> memref<8x2048xf32, #tpu.memory_space<hbm>>
        tpu.enqueue_dma source(%dma_start3A_218 : memref<8x2048xf32, #tpu.memory_space<hbm>>) target(%arg21 : memref<8x2048xf32, #tpu.memory_space<vmem>>) target_semaphore(%arg25 : memref<!tpu.dma_semaphore, #tpu.memory_space<semaphore_mem>>)
      } else {
      }
      %scan3A_209 = arith.constant 0 : i32
      scf.yield %scan3A_209 : i32
    }
    %scan3A_125 = arith.constant 8 : i32
    %add3A_126 = arith.constant 112 : i32
    %add3A_127 = arith.addi %mul3A_2, %add3A_126 : i32
    %dma_wait3A = arith.constant 0 : i32
    %dma_wait3A_128 = tpu.memref_slice %arg9[%add3A_127, %dma_wait3A] : memref<4096x4096xf32, #tpu.memory_space<hbm>> -> memref<8x4096xf32, #tpu.memory_space<hbm>>
    %dma_wait3A_129 = arith.constant 0 : i32
    %dma_wait3A_130 = tpu.memref_slice %arg9[%add3A_127, %dma_wait3A_129] : memref<4096x4096xf32, #tpu.memory_space<hbm>> -> memref<8x4096xf32, #tpu.memory_space<hbm>>
    tpu.wait_dma2 semaphore(%arg26 : memref<!tpu.dma_semaphore, #tpu.memory_space<semaphore_mem>>) src(%arg22 : memref<8x4096xf32, #tpu.memory_space<vmem>>) dst(%dma_wait3A_130 : memref<8x4096xf32, #tpu.memory_space<hbm>>)
    %add3A_131 = arith.constant 120 : i32
    %add3A_132 = arith.addi %mul3A_2, %add3A_131 : i32
    %dma_wait3A_133 = arith.constant 0 : i32
    %dma_wait3A_134 = tpu.memref_slice %arg9[%add3A_132, %dma_wait3A_133] : memref<4096x4096xf32, #tpu.memory_space<hbm>> -> memref<8x4096xf32, #tpu.memory_space<hbm>>
    %dma_wait3A_135 = arith.constant 0 : i32
    %dma_wait3A_136 = tpu.memref_slice %arg9[%add3A_132, %dma_wait3A_135] : memref<4096x4096xf32, #tpu.memory_space<hbm>> -> memref<8x4096xf32, #tpu.memory_space<hbm>>
    tpu.wait_dma2 semaphore(%arg27 : memref<!tpu.dma_semaphore, #tpu.memory_space<semaphore_mem>>) src(%arg23 : memref<8x4096xf32, #tpu.memory_space<vmem>>) dst(%dma_wait3A_136 : memref<8x4096xf32, #tpu.memory_space<hbm>>)
    return
  }
}

</mosaic_0001>

<sc_bundles>
// kernel: kernel.3.cloned.1.call-start
scs
__scs_entry_jumppad:
0x0: {  	(pc) =	sbr.rel $0x88, $3  }
0x1: {  	(tag) =	ssettag $0x0;
	lr =	simm.s32 $0x1  }
0x2: {  	[smem:$0x3F9A] =	sst lr;
	_ =	strace $0xD0000000  }
0x3: {  	_ = 	snop  }
0x4: {  	_ = 	snop  }
0x5: {  	_ = 	snop  }
0x6: {  	_ = 	snop  }
0x7: {  	_ = 	snop  }
__scs_overlays_trampoline_lowered:
0x8: {  	[smem:$0x3FA9] =	sst s0  }
0x9: {  	[smem:$0x3FAA] =	sst s1  }
0xa: {  	[smem:$0x3FAB] =	sst s2  }
0xb: {  	[smem:$0x3FAC] =	sst s3  }
0xc: {  	[smem:$0x3FAD] =	sst s4  }
0xd: {  	[smem:$0x3FAE] =	sst s5  }
0xe: {  	[smem:$0x3FAF] =	sst s6  }
0xf: {  	[smem:$0x3FB0] =	sst s7  }
0x10: {  	[smem:$0x3FB1] =	sst s8  }
0x11: {  	[smem:$0x3FB2] =	sst s9;
	s0 =	simm.s32 @!p0 $0x0  }
0x12: {  	s1 =	sld [smem:$0x3F98];
	s0 =	simm.s32 @p0 $0x1  }
0x13: {  	[smem:$0x3FB3] =	sst s0;
	s0 =	simm.s32 @!p1 $0x0  }
0x14: {  	s2 =	sld [smem:$0x3F97];
	s0 =	simm.s32 @p1 $0x1  }
0x15: {  	[smem:$0x3FB4] =	sst s0;
	s0 =	simm.s32 @!p2 $0x0  }
0x16: {  	s3 =	sld [smem:$0x3FDB];
	s0 =	simm.s32 @p2 $0x1  }
0x17: {  	s4 =	simm.s32 $0x1BF5;
	[smem:$0x3FB6] =	sst s0  }
0x18: {  	s0 =	sld [smem:$0x3F99];
	_ =	swait.ge [sflag:s4], $0x0  }
0x19: {  	s7 =	sld [smem:$0x3F9A]  }
0x1a: {  	s8 =	sadd.s32 $0xFFFFE003, lr  }
0x1b: {  	s9 =	sadd.s32 $0xFFFFFEF7, lr;
	s5 =	simm.s32 $0xFFFFFFFF;
	p2 =	slt.u32 s8, $0xFFFFF086  }
0x1c: {  	p1 =	slt.u32 s9, $0xF7A;
	s5 =	simm.s32 @!p2 $0x0  }
0x1d: {  	s5 =	simm.s32 @p1 $0x1;
	p0 =	seq.s32 s7, s2  }
0x1e: {  	s7 =	smul.u32 @!p0 $0xF7A, s2;
	p2 =	seq.s32 @!p0 s5, $0x0  }
0x1f: {  	s9 =	smul.u32 $0xF7A, s1;
	s8 =	simm.s32 @!p0 $0x1BF5;
	p2 =	por !p2, p0  }
0x20: {  	[sflag:s8] =	ssyncset.s32 @!p0 $0xFFFFF086;
	s6 =	sadd.s32 @!p0 s3, s7;
	s7 =	simm.s32 @!p0 $0x108  }
0x21: {  	s3 =	sadd.s32 s3, s9;
	s6 =	sadd.s32 @!p0 $0x88, s6;
	s7 =	simm.s32 @p2 $0x1082  }
0x22: {  	[simem:s7], [sflag:s8] =	dma.local @!p0 [hbm:s6], $0xF7A  }
0x23: {  	s9 =	sor.u32 $0xD0000000, s2;
	s6 =	simm.s32 $0x108;
	_ =	swait.ge @!p0 [sflag:s8], $0x0  }
0x24: {  	s3 =	sadd.s32 $0x88, s3;
	s6 =	simm.s32 @!p1 $0x1082;
	[sflag:s4] =	ssyncset.s32 $0xFFFFF086  }
0x25: {  	[simem:s6], [sflag:s4] =	dma.local [hbm:s3], $0xF7A  }
0x26: {  	[smem:$0x3F9A] =	sst s1;
	(tag) =	ssettag s2;
	_ =	strace s9  }
0x27: {  	s1 =	sld [smem:$0x3FAA]  }
0x28: {  	s2 =	sld [smem:$0x3FAB]  }
0x29: {  	s4 =	sld [smem:$0x3FAD]  }
0x2a: {  	p0 =	seq.s32 s5, $0x0;
	s5 =	sld [smem:$0x3FAE]  }
0x2b: {  	s6 =	sld [smem:$0x3FAF]  }
0x2c: {  	s7 =	sld [smem:$0x3FB0]  }
0x2d: {  	s3 =	simm.s32 $0x108;
	s8 =	sld [smem:$0x3FB1]  }
0x2e: {  	s3 =	simm.s32 @!p0 $0x1082;
	s9 =	sld [smem:$0x3FB2]  }
0x2f: {  	lr =	sadd.s32 s0, s3;
	s0 =	sld [smem:$0x3FA9]  }
0x30: {  	s3 =	sld [smem:$0x3FAC]  }
0x31: {  	[smem:$0x3FB5] =	sst s10  }
0x32: {  	s10 =	sld [smem:$0x3FB3];
	_ =	sdelay $0x3  }
0x33: {  	p0 =	seq.s32 s10, $0x1;
	s10 =	sld [smem:$0x3FB5];
	_ =	sdelay $0x3  }
0x34: {  	[smem:$0x3FB5] =	sst s10  }
0x35: {  	s10 =	sld [smem:$0x3FB4];
	_ =	sdelay $0x3  }
0x36: {  	p1 =	seq.s32 s10, $0x1;
	s10 =	sld [smem:$0x3FB5];
	_ =	sdelay $0x3  }
0x37: {  	[smem:$0x3FB5] =	sst s10  }
0x38: {  	s10 =	sld [smem:$0x3FB6]  }
0x39: {  	_ = 	snop;
	(pc) =	sbr.ind lr, $3  }
0x3a: {  	_ = 	snop  }
0x3b: {  	_ = 	snop  }
0x3c: {  	p2 =	seq.s32 s10, $0x1;
	s10 =	sld [smem:$0x3FB5]  }
0x3d: {  	_ =	shalt  }
0x3e: {  	_ =	shalt  }
0x3f: {  	_ =	shalt  }
0x40: {  	_ =	shalt  }
0x41: {  	_ =	shalt  }
0x42: {  	_ =	shalt  }
0x43: {  	_ =	shalt  }
0x44: {  	_ =	shalt  }
0x45: {  	_ =	shalt  }
0x46: {  	_ =	shalt  }
0x47: {  	_ =	shalt  }
0x48: {  	_ =	shalt  }
0x49: {  	_ =	shalt  }
0x4a: {  	_ =	shalt  }
0x4b: {  	_ =	shalt  }
0x4c: {  	_ =	shalt  }
0x4d: {  	_ =	shalt  }
0x4e: {  	_ =	shalt  }
0x4f: {  	_ =	shalt  }
0x50: {  	_ =	shalt  }
0x51: {  	_ =	shalt  }
0x52: {  	_ =	shalt  }
0x53: {  	_ =	shalt  }
0x54: {  	_ =	shalt  }
0x55: {  	_ =	shalt  }
0x56: {  	_ =	shalt  }
0x57: {  	_ =	shalt  }
0x58: {  	_ =	shalt  }
0x59: {  	_ =	shalt  }
0x5a: {  	_ =	shalt  }
0x5b: {  	_ =	shalt  }
0x5c: {  	_ =	shalt  }
0x5d: {  	_ =	shalt  }
0x5e: {  	_ =	shalt  }
0x5f: {  	_ =	shalt  }
0x60: {  	_ =	shalt  }
0x61: {  	_ =	shalt  }
0x62: {  	_ =	shalt  }
0x63: {  	_ =	shalt  }
0x64: {  	_ =	shalt  }
0x65: {  	_ =	shalt  }
0x66: {  	_ =	shalt  }
0x67: {  	_ =	shalt  }
0x68: {  	_ =	shalt  }
0x69: {  	_ =	shalt  }
0x6a: {  	_ =	shalt  }
0x6b: {  	_ =	shalt  }
0x6c: {  	_ =	shalt  }
0x6d: {  	_ =	shalt  }
0x6e: {  	_ =	shalt  }
0x6f: {  	_ =	shalt  }
0x70: {  	_ =	shalt  }
0x71: {  	_ =	shalt  }
0x72: {  	_ =	shalt  }
0x73: {  	_ =	shalt  }
0x74: {  	_ =	shalt  }
0x75: {  	_ =	shalt  }
0x76: {  	_ =	shalt  }
0x77: {  	_ =	shalt  }
0x78: {  	_ =	shalt  }
0x79: {  	_ =	shalt  }
0x7a: {  	_ =	shalt  }
0x7b: {  	_ =	shalt  }
0x7c: {  	_ =	shalt  }
0x7d: {  	_ =	shalt  }
0x7e: {  	_ =	shalt  }
0x7f: {  	_ =	shalt  }
0x80: {  	_ =	shalt  }
0x81: {  	_ =	shalt  }
0x82: {  	_ =	shalt  }
0x83: {  	_ =	shalt  }
0x84: {  	_ =	shalt  }
0x85: {  	_ =	shalt  }
0x86: {  	_ =	shalt  }
0x87: {  	_ =	shalt  }
.Lfunc_end0:
.L_simem_size_0:
called_computation_lowered:
.L_overlay_start_0:
0x88: {  	s2 =	sld [smem:$0x3FD9]  }
0x89: {  	s3 =	sld [smem:$0x3FFE];
	_ =	sdelay $0x1  }
0x8a: {  	s1 =	srdreg.scid  }
0x8b: {  	s0 =	sand.u32 $0x1, s1  }
0x8c: {  	s18 =	sshll.u32 s0, $0xA;
	s2 =	sadd.s32 s3, s2  }
0x8d: {  	s2 =	sadd.s32 s2, s18  }
0x8e: {  	[smem:$0x3FC1] =	sst s2  }
0x8f: {  	_ = 	snop  }
0x90: {  	s2 =	sld [smem:$0x3FC9]  }
0x91: {  	s19 =	sld [smem:$0x3FC8]  }
0x92: {  	s4 =	sld [smem:$0x3FC7]  }
0x93: {  	s5 =	sld [smem:$0x3FC6]  }
0x94: {  	s6 =	sld [smem:$0x3FC5]  }
0x95: {  	s7 =	sld [smem:$0x3FC4]  }
0x96: {  	s8 =	sld [smem:$0x3FC3]  }
0x97: {  	s9 =	sld [smem:$0x3FD0];
	(tm) =	ssettm $0x1  }
0x98: {  	s10 =	sld [smem:$0x3FFB];
	_ =	sdelay $0x3  }
0x99: {  	_ =	strace s10  }
0x9a: {  	s10 =	sld [smem:$0x3FFC];
	_ =	sdelay $0x3  }
0x9b: {  	_ =	strace s10  }
0x9c: {  	s10 =	sld [smem:$0x3FFD];
	_ =	sdelay $0x3  }
0x9d: {  	_ =	strace s10  }
0x9e: {  	_ =	strace $0x8FFFFFFF  }
0x9f: {  	s20 =	sld [smem:$0x3FDB];
	_ =	sdelay $0x1  }
0xa0: {  	s11 =	simm.s32 $_scs_section_size  }
0xa1: {  	s12 =	simm.s32 $_size__tile_overlayer_lowered;
	s13 =	simm.s32 $_tile_overlayer_lowered  }
0xa2: {  	s23 =	simm.s32 $0x1BFF;
	s22 =	sshll.u32 s13, $0x1;
	s10 =	sadd.s32 s11, s20  }
0xa3: {  	s14 =	simm.s32 $0x0;
	s21 =	sshll.u32 s12, $0x1;
	s12 =	sadd.s32 s22, s10  }
0xa4: {  	[timem:s14], [sflag:s23] =	dma.local [hbm:s12], s21  }
0xa5: {  	_ =	swait.ge [sflag:s23], s21  }
0xa6: {  	s11 =	ssub.s32 $0x0, s21;
	[sflag:s23] =	ssyncset.done $0x0  }
0xa7: {  	[sflag:s23] =	ssyncadd.s32 s11;
	_ =	sdelay $0x1  }
0xa8: {  	s24 =	simm.s32 $0x1B8B  }
0xa9: {  	_ =	swait.ge [sflag:s24], $0x1  }
0xaa: {  	[sflag:s24] =	ssyncset.done $0x0  }
0xab: {  	s25 =	simm.s32 $0x1B8E;
	[sflag:s24] =	ssyncadd.s32 $0xFFFFFFFF  }
0xac: {  	s26 =	simm.s32 $execute0_lowered;
	[smem:$0x3FD2] =	sst s25  }
0xad: {  	s11 =	sshll.u32 s26, $0x1;
	_ =	strace $0x80000046;
	[dreg:$0x1] =	wrdreg $0xFFFFFFFF  }
0xae: {  	s28 =	simm.s32 $_size_execute0_lowered;
	s10 =	sadd.s32 s10, s11;
	[dreg:$0x0] =	wrdreg $0x0  }
0xaf: {  	s11 =	sshll.u32 s28, $0x1;
	[dreg:$0x2] =	wrdreg s10  }
0xb0: {  	[dreg:$0x3] =	wrdreg s11  }
0xb1: {  	[dreg:$0x4] =	wrdreg $0xC0  }
0xb2: {  	_ =	task [dreg:s14], $0x5FFFF  }
0xb3: {  	[dreg:$0x1] =	wrdreg $0xFFFFFFFF  }
0xb4: {  	[dreg:$0x0] =	wrdreg $0x60  }
0xb5: {  	[dreg:$0x2] =	wrdreg s2  }
0xb6: {  	[dreg:$0x3] =	wrdreg s6  }
0xb7: {  	[dreg:$0x4] =	wrdreg s7  }
0xb8: {  	[dreg:$0x5] =	wrdreg s8  }
0xb9: {  	[dreg:$0x6] =	wrdreg s19  }
0xba: {  	[dreg:$0x7] =	wrdreg s4  }
0xbb: {  	[dreg:$0x8] =	wrdreg s5  }
0xbc: {  	[dreg:$0x9] =	wrdreg s9  }
0xbd: {  	[dreg:$0xa] =	wrdreg $0x9  }
0xbe: {  	_ =	task.clear_ibuf [dreg:s14], $0xBFFFF;
	_ =	strace $0x90000046  }
0xbf: {  	s29 =	simm.s32 $0x9;
	_ =	strace $0x80000048  }
0xc0: {  	_ =	swait.ge [sflag:s29], $0x1  }
0xc1: {  	[sflag:s29] =	ssyncadd.s32 $0xFFFFFFFF  }
0xc2: {  	_ =	strace $0x90000048  }
0xc3: {  	_ =	sfence  }
0xc4: {  	s30 =	sld [smem:$0x0];
	_ =	sdelay $0x2  }
0xc5: {  	s31 =	sshll.u32 s1, $0xD;
	s1 =	sshrl.u32 s1, $0x2  }
0xc6: {  	s3 =	sand.u32 $0x4000, s31;
	s1 =	sadd.s32 s1, s30  }
0xc7: {  	s0 =	sor.u32 s3, s0;
	s1 =	sshll.u32 s1, $0x11  }
0xc8: {  	s0 =	sor.u32 s1, s0  }
0xc9: {  	s0 =	sadd.s32 $0x8F2B, s0  }
0xca: {  	[sflag:s0] =	ssyncadd.remote.s32 $0x1  }
0xcb: {  	_ =	sfence.sel $0xFFFF  }
0xcc: {  	[dreg:$0x0] =	wrdreg $0xFFFFFFFF;
	(pc) =	sbr.abs _section_cstart, $3  }
0xcd: {  	[dreg:$0x1] =	wrdreg $0xFFFFFFFF  }
0xce: {  	_ =	task.clear_ibuf [dreg:s14], $0x2FFFF;
	_ =	strace $0x9FFFFFFF  }
0xcf: {  	(tm) =	ssettm $0x7FFFFFFF  }
tec
execute0_lowered:
.L_overlay_start_1:
0x0: {  	(tag) =	ssettag $0x1  }
0x1: {  	s5 =	rddreg [dreg:$0x0]  }
0x2: {  	s6 =	rddreg [dreg:$0x4]  }
0x3: {  	s7 =	rddreg [dreg:$0x5]  }
0x4: {  	s8 =	rddreg [dreg:$0x6]  }
0x5: {  	s0 =	rddreg [dreg:$0x7];
	s9 =	simm.s32 $0x0  }
0x6: {  	[smem:$0x7FF] =	sst s9;
	s25 =	sadd.s32 $0x10, s6  }
0x7: {  	s26 =	sadd.s32 $0x20, s6;
	_ =	strace $0x80000047;
	[dreg:$0xf] =	wrdreg s25  }
0x8: {  	s10 =	sadd.s32 $0x70, s6;
	[dreg:$0x10] =	wrdreg s26  }
0x9: {  	s11 =	sadd.s32 $0x80, s6;
	[dreg:$0x15] =	wrdreg s10  }
0xa: {  	s12 =	sadd.s32 $0x90, s6;
	[dreg:$0x16] =	wrdreg s11  }
0xb: {  	s13 =	sadd.s32 $0xA0, s6;
	[dreg:$0x17] =	wrdreg s12  }
0xc: {  	s14 =	sadd.s32 $0xB0, s6;
	[dreg:$0x18] =	wrdreg s13  }
0xd: {  	s15 =	sadd.s32 $0xC0, s6;
	[dreg:$0x19] =	wrdreg s14  }
0xe: {  	s16 =	sadd.s32 $0xD0, s6;
	[dreg:$0x1a] =	wrdreg s15  }
0xf: {  	s17 =	sadd.s32 $0xE0, s6;
	[dreg:$0x1b] =	wrdreg s16  }
0x10: {  	s18 =	sadd.s32 $0xF0, s6;
	[dreg:$0x1c] =	wrdreg s17  }
0x11: {  	s19 =	sadd.s32 $0x10, s7;
	[dreg:$0x1d] =	wrdreg s18  }
0x12: {  	s20 =	sadd.s32 $0x20, s7;
	[dreg:$0x1e] =	wrdreg s19  }
0x13: {  	[dreg:$0x1f] =	wrdreg s20;
	s25 =	sadd.s32 $0x70, s7  }
0x14: {  	s26 =	sadd.s32 $0x80, s7;
	[smem:$0x7E5] =	sst s25  }
0x15: {  	s10 =	sadd.s32 $0xE0, s7;
	[smem:$0x7E6] =	sst s26  }
0x16: {  	s11 =	sadd.s32 $0xF0, s7;
	[smem:$0x7EC] =	sst s10  }
0x17: {  	s12 =	sadd.s32 $0x10, s8;
	[smem:$0x7ED] =	sst s11  }
0x18: {  	s13 =	sadd.s32 $0x20, s8;
	[smem:$0x7EE] =	sst s12  }
0x19: {  	s1 =	srdreg.scid;
	s14 =	sadd.s32 $0x30, s8;
	[smem:$0x7EF] =	sst s13  }
0x1a: {  	s3 =	stileid.u32;
	s15 =	sadd.s32 $0x40, s8;
	[smem:$0x7F0] =	sst s14  }
0x1b: {  	s1 =	sand.u32 $0x1, s1;
	s16 =	sadd.s32 $0x50, s8;
	[smem:$0x7F1] =	sst s15  }
0x1c: {  	s3 =	sshll.u32 s3, $0x7;
	s17 =	sadd.s32 $0x60, s8;
	[smem:$0x7F2] =	sst s16  }
0x1d: {  	s2 =	ssub.s32 $0x2, s1;
	s18 =	sadd.s32 $0x70, s8;
	[smem:$0x7F3] =	sst s17  }
0x1e: {  	s1 =	sshll.u32 s1, $0xB;
	s19 =	sadd.s32 $0x80, s8;
	[smem:$0x7F4] =	sst s18  }
0x1f: {  	s20 =	sadd.s32 $0x90, s8;
	s1 =	sor.u32 s3, s1;
	[smem:$0x7F5] =	sst s19  }
0x20: {  	[smem:$0x7F6] =	sst s20;
	s25 =	sadd.s32 $0xE0, s8;
	s26 =	sadd.s32 $0xF0, s8  }
0x21: {  	s3 =	sshll.u32 s1, $0x8;
	s22 =	sshll.u32 s1, $0x9;
	[smem:$0x7FB] =	sst s25  }
0x22: {  	s1 =	sshrl.u32 s1, $0x3;
	[smem:$0x7FC] =	sst s26;
	s21 =	sadd.s32 s5, s3  }
0x23: {  	s4 =	sshrl.u32 s2, $0x1;
	s23 =	sor.u32 $0x2, s1;
	[dreg:$0x9] =	wrdreg s21  }
0x24: {  	s2 =	ssub.s32 s2, s4;
	s1 =	sor.u32 $0x3, s1;
	[dreg:$0xc] =	wrdreg s23  }
0x25: {  	s24 =	smax.u32 s2, $0x1;
	[dreg:$0xd] =	wrdreg s1  }
0x26: {  	s2 =	sadd.s32 $0x30, s6;
	[dreg:$0xe] =	wrdreg s24  }
0x27: {  	s3 =	sadd.s32 $0x40, s6;
	[dreg:$0x11] =	wrdreg s2  }
0x28: {  	s28 =	simm.s32 $0x10780;
	s5 =	sadd.s32 $0x60, s6;
	[dreg:$0x12] =	wrdreg s3  }
0x29: {  	s0 =	sadd.s32 s0, s22;
	s22 =	sadd.s32 $0x40, s7;
	[dreg:$0x14] =	wrdreg s5  }
0x2a: {  	s29 =	simm.s32 $0x10B80;
	s30 =	simm.s32 $0x10F80;
	[smem:$0x7E2] =	sst s22  }
0x2b: {  	s31 =	simm.s32 $0x11380;
	s4 =	sadd.s32 $0x800, s21;
	[dreg:$0xb] =	wrdreg s0  }
0x2c: {  	s15 =	simm.s32 $0xEB80;
	s21 =	sadd.s32 $0x30, s7;
	[dreg:$0xa] =	wrdreg s4  }
0x2d: {  	s12 =	simm.s32 $0xEF80;
	s23 =	sadd.s32 $0x50, s7;
	[smem:$0x7E1] =	sst s21  }
0x2e: {  	s10 =	simm.s32 $0x4;
	s24 =	sadd.s32 $0x60, s7;
	[smem:$0x7E3] =	sst s23  }
0x2f: {  	s16 =	simm.s32 $0x16B80;
	s2 =	sadd.s32 $0x90, s7;
	[smem:$0x7E4] =	sst s24  }
0x30: {  	s11 =	simm.s32 $0x0;
	s3 =	sadd.s32 $0xA0, s7;
	[smem:$0x7E7] =	sst s2  }
0x31: {  	s25 =	simm.s32 $0xFF80;
	s5 =	sadd.s32 $0xC0, s7;
	[smem:$0x7E8] =	sst s3  }
0x32: {  	s26 =	simm.s32 $0x10380;
	s22 =	sadd.s32 $0xB0, s8;
	[smem:$0x7EA] =	sst s5  }
0x33: {  	s0 =	sadd.s32 $0x1000, s0;
	s1 =	simm.s32 $0x3900;
	[smem:$0x7F8] =	sst s22  }
0x34: {  	s4 =	sadd.s32 $0x50, s6;
	s6 =	sadd.s32 $0xD0, s7;
	[smem:$0x7FD] =	sst s0  }
0x35: {  	s21 =	sadd.s32 $0xA0, s8;
	s23 =	sadd.s32 $0xC0, s8;
	[dreg:$0x13] =	wrdreg s4  }
0x36: {  	s24 =	sadd.s32 $0xD0, s8;
	s5 =	simm.s32 $0x5;
	[smem:$0x7EB] =	sst s6  }
.Ltmp0:
0x37: {  	s22 =	simm.s32 $0xF380;
	[smem:$0x7F7] =	sst s21;
	(pc) =	sbr.rel .LBB2_1-.Ltmp0, $4  }
0x38: {  	s2 =	simm.s32 $0x1800;
	s8 =	simm.s32 $0x2880;
	[smem:$0x7F9] =	sst s23  }
0x39: {  	s3 =	simm.s32 $0x1;
	s4 =	sadd.s32 $0xB0, s7;
	[smem:$0x7FA] =	sst s24  }
0x3a: {  	v0 =	vlaneseq.u32;
	v1 =	vimm.s32 $0x0;
	v3 =	vimm.f32 $0.0e+00;
	s6 =	simm.s32 $0x6B80;
	s7 =	simm.s32 $0xAB80;
	s23 =	simm.s32 $0xF780  }
0x3b: {  	v4 =	vimm.f32 $1.000000000e+00;
	v5 =	vimm.s32 $0x1000;
	v2 =	vmul.u32 $0x2000, v0;
	s24 =	simm.s32 $0xFB80;
	[smem:$0x7E9] =	sst s4;
	s4 =	simm.s32 $0x2  }
.LBB2_159:
0x3c: {  	s0 =	simm.s32 $0x3  }
0x3d: {  	_ =	swait.ge [sflag:s0], $0x8000  }
0x3e: {  	[sflag:s0] =	ssyncset.done $0x0  }
0x3f: {  	[sflag:s0] =	ssyncadd.s32 $0xFFFF8000  }
0x40: {  	_ =	swait.ge [sflag:s10], $0x8000  }
0x41: {  	s11 =	sld [smem:$0x7E0];
	_ =	sdelay $0x2  }
0x42: {  	s26 =	rddreg [dreg:$0xe];
	s11 =	sadd.s32 $0x1, s11  }
0x43: {  	p0 =	sne.s32 s11, s26  }
.Ltmp1:
0x44: {  	s5 =	simm.s32 $0x5;
	(pc) =	sbr.rel @!p0 .LBB2_160-.Ltmp1, $4  }
0x45: {  	s12 =	simm.s32 $0xEF80;
	s22 =	simm.s32 $0xF380;
	s23 =	simm.s32 $0xF780  }
0x46: {  	s24 =	simm.s32 $0xFB80;
	s25 =	simm.s32 $0xFF80;
	s28 =	simm.s32 $0x10780  }
0x47: {  	s29 =	simm.s32 $0x10B80;
	s30 =	simm.s32 $0x10F80;
	[sflag:s10] =	ssyncset.done $0x0  }
0x48: {  	s31 =	simm.s32 $0x11380;
	[sflag:s10] =	ssyncadd.s32 $0xFFFF8000;
	s26 =	simm.s32 $0x10380  }
.LBB2_1:
0x49: {  	[smem:$0x7E0] =	sst s11  }
0x4a: {  	s0 =	rddreg [dreg:$0x9]  }
0x4b: {  	[tilespmem:s6], [sflag:$0x1] =	stream.linear.gather [hbm4b:s0+s9], $0x4000, $0x38;
	[tilespmem:$0x1EB80] =	vst v63  }
0x4c: {  	s13 =	rddreg [dreg:$0xa]  }
0x4d: {  	[tilespmem:s7], [sflag:$0x2] =	stream.linear.gather [hbm4b:s13+s9], $0x4000, $0x38;
	[tilespmem:$0x1EB80] =	vst v63  }
0x4e: {  	s14 =	rddreg [dreg:$0x1]  }
0x4f: {  	[tilespmem:s9], [sflag:$0x5] =	stream.linear.gather [hbm4b:s14+s9], $0x800, $0x38;
	[tilespmem:$0x1EB80] =	vst v63  }
0x50: {  	_ =	swait.ge [sflag:s5], $0x800  }
0x51: {  	[sflag:s5] =	ssyncset.done $0x0  }
0x52: {  	[sflag:s5] =	ssyncadd.s32 $0xFFFFF800  }
0x53: {  	s18 =	simm.s32 $0x800;
	s17 =	rddreg [dreg:$0x2]  }
0x54: {  	[tilespmem:s18], [sflag:$0x5] =	stream.linear.gather [hbm4b:s17+s9], $0x800, $0x38;
	[tilespmem:$0x1EB80] =	vst v63  }
0x55: {  	_ =	swait.ge [sflag:s5], $0x800  }
0x56: {  	[sflag:s5] =	ssyncset.done $0x0  }
0x57: {  	[sflag:s5] =	ssyncadd.s32 $0xFFFFF800  }
0x58: {  	s20 =	simm.s32 $0x1000;
	s19 =	rddreg [dreg:$0x3]  }
0x59: {  	[tilespmem:s20], [sflag:$0x5] =	stream.linear.gather [hbm4b:s19+s9], $0x800, $0x38;
	[tilespmem:$0x1EB80] =	vst v63  }
0x5a: {  	_ =	swait.ge [sflag:s5], $0x800  }
0x5b: {  	[sflag:s5] =	ssyncset.done $0x0  }
0x5c: {  	[sflag:s5] =	ssyncadd.s32 $0xFFFFF800  }
0x5d: {  	s21 =	rddreg [dreg:$0x4]  }
0x5e: {  	[tilespmem:s15], [sflag:$0x5] =	stream.linear.gather [hbm4b:s21+s9], $0x80, $0x38;
	[tilespmem:$0x1EB80] =	vst v63  }
0x5f: {  	s11 =	rddreg [dreg:$0xf]  }
0x60: {  	[tilespmem:s12], [sflag:$0x5] =	stream.linear.gather [hbm4b:s11+s9], $0x80, $0x38;
	[tilespmem:$0x1EB80] =	vst v63  }
0x61: {  	s13 =	rddreg [dreg:$0x10]  }
0x62: {  	[tilespmem:s22], [sflag:$0x5] =	stream.linear.gather [hbm4b:s13+s9], $0x80, $0x38;
	[tilespmem:$0x1EB80] =	vst v63  }
0x63: {  	s14 =	rddreg [dreg:$0x11]  }
0x64: {  	[tilespmem:s23], [sflag:$0x5] =	stream.linear.gather [hbm4b:s14+s9], $0x80, $0x38;
	[tilespmem:$0x1EB80] =	vst v63  }
0x65: {  	s17 =	rddreg [dreg:$0x12]  }
0x66: {  	[tilespmem:s24], [sflag:$0x5] =	stream.linear.gather [hbm4b:s17+s9], $0x80, $0x38;
	[tilespmem:$0x1EB80] =	vst v63  }
0x67: {  	s18 =	rddreg [dreg:$0x13]  }
0x68: {  	[tilespmem:s25], [sflag:$0x5] =	stream.linear.gather [hbm4b:s18+s9], $0x80, $0x38;
	[tilespmem:$0x1EB80] =	vst v63  }
0x69: {  	s19 =	rddreg [dreg:$0x14]  }
0x6a: {  	[tilespmem:s26], [sflag:$0x5] =	stream.linear.gather [hbm4b:s19+s9], $0x80, $0x38;
	[tilespmem:$0x1EB80] =	vst v63  }
0x6b: {  	s20 =	rddreg [dreg:$0x15]  }
0x6c: {  	[tilespmem:s28], [sflag:$0x5] =	stream.linear.gather [hbm4b:s20+s9], $0x80, $0x38;
	[tilespmem:$0x1EB80] =	vst v63  }
0x6d: {  	s21 =	rddreg [dreg:$0x16]  }
0x6e: {  	[tilespmem:s29], [sflag:$0x5] =	stream.linear.gather [hbm4b:s21+s9], $0x80, $0x38;
	[tilespmem:$0x1EB80] =	vst v63  }
0x6f: {  	s11 =	rddreg [dreg:$0x17]  }
0x70: {  	[tilespmem:s30], [sflag:$0x5] =	stream.linear.gather [hbm4b:s11+s9], $0x80, $0x38;
	[tilespmem:$0x1EB80] =	vst v63  }
0x71: {  	s13 =	rddreg [dreg:$0x18]  }
0x72: {  	[tilespmem:s31], [sflag:$0x5] =	stream.linear.gather [hbm4b:s13+s9], $0x80, $0x38;
	[tilespmem:$0x1EB80] =	vst v63  }
0x73: {  	s14 =	rddreg [dreg:$0x19];
	s17 =	simm.s32 $0x11780  }
0x74: {  	[tilespmem:s17], [sflag:$0x5] =	stream.linear.gather [hbm4b:s14+s9], $0x80, $0x38;
	[tilespmem:$0x1EB80] =	vst v63  }
0x75: {  	s18 =	rddreg [dreg:$0x1a];
	s19 =	simm.s32 $0x11B80  }
0x76: {  	[tilespmem:s19], [sflag:$0x5] =	stream.linear.gather [hbm4b:s18+s9], $0x80, $0x38;
	[tilespmem:$0x1EB80] =	vst v63  }
0x77: {  	s20 =	rddreg [dreg:$0x1b];
	s21 =	simm.s32 $0x11F80  }
0x78: {  	[tilespmem:s21], [sflag:$0x5] =	stream.linear.gather [hbm4b:s20+s9], $0x80, $0x38;
	[tilespmem:$0x1EB80] =	vst v63  }
0x79: {  	s11 =	rddreg [dreg:$0x1c];
	s13 =	simm.s32 $0x12380  }
0x7a: {  	[tilespmem:s13], [sflag:$0x5] =	stream.linear.gather [hbm4b:s11+s9], $0x80, $0x38;
	[tilespmem:$0x1EB80] =	vst v63  }
0x7b: {  	s14 =	rddreg [dreg:$0x1d];
	s17 =	simm.s32 $0x12780  }
0x7c: {  	[tilespmem:s17], [sflag:$0x5] =	stream.linear.gather [hbm4b:s14+s9], $0x80, $0x38;
	[tilespmem:$0x1EB80] =	vst v63  }
0x7d: {  	_ =	swait.ge [sflag:s5], $0x800  }
0x7e: {  	[sflag:s5] =	ssyncset.done $0x0  }
0x7f: {  	s0 =	simm.s32 $0xEBC0;
	[sflag:s5] =	ssyncadd.s32 $0xFFFFF800  }
0x80: {  	s11 =	simm.s32 $0x40;
	v6 =	vld [tilespmem:s0+$0x30]  }
0x81: {  	v7 =	vld [tilespmem:s11+$0x30]  }
0x82: {  	v9 =	vld [tilespmem:s0+$0xFFFFFFD0]  }
0x83: {  	v11 =	vld [tilespmem:s0+$0xFFFFFFE0]  }
0x84: {  	v8 =	vmov s9;
	s18 =	simm.s32 $0x30;
	s19 =	simm.s32 $0x40;
	v14 =	vld [tilespmem:s0+$0xFFFFFFF0]  }
0x85: {  	v8 =	vshll.u32 v8, $0xD;
	v15 =	vmov s18;
	v16 =	vmov s19;
	v17 =	vld [tilespmem:s0+$0x0]  }
0x86: {  	v8 =	vor.u32 v2, v8;
	s20 =	simm.s32 $0x50;
	s21 =	simm.s32 $0x60;
	v15 =	vshll.u32 v15, $0xD;
	v16 =	vshll.u32 v16, $0xD;
	v21 =	vld [tilespmem:s11+$0xFFFFFFC0]  }
0x87: {  	v18 =	vmov s20;
	v19 =	vmov s21;
	v15 =	vor.u32 v2, v15;
	s17 =	simm.s32 $0x70;
	v22 =	vld [tilespmem:s11+$0xFFFFFFE0]  }
0x88: {  	v24 =	vor.u32 v2, v16;
	s13 =	simm.s32 $0x10;
	v18 =	vshll.u32 v18, $0xD;
	s14 =	simm.s32 $0x20;
	v13 =	vmov s17;
	v23 =	vld [tilespmem:s11+$0xFFFFFFF0]  }
0x89: {  	v10 =	vmov s13;
	v12 =	vmov s14;
	v13 =	vshll.u32 v13, $0xD;
	v25 =	vld [tilespmem:s11+$0x0]  }
0x8a: {  	vm0 =	vlt.f32 v6, $0.0e+00;
	v6 =	vor.u32 v2, v13;
	v13 =	vld [tilespmem:s0+$0x10];
	vm15 =	vlt.f32 v9, $0.0e+00  }
0x8b: {  	v9 =	vshll.u32 v19, $0xD;
	v19 =	vld [tilespmem:s11+$0xFFFFFFD0];
	vm1 =	vlt.f32 v11, $0.0e+00;
	v20 =	vsel vm0, $0x80000000, v1  }
0x8c: {  	v6 =	vor.u32 v6, v7;
	v7 =	vshll.u32 v10, $0xD;
	v10 =	vshll.u32 v12, $0xD;
	v12 =	vld [tilespmem:s0+$0x20]  }
0x8d: {  	vm2 =	vlt.f32 v14, $0.0e+00;
	vm3 =	vlt.f32 v17, $0.0e+00;
	v20 =	vor.u32 v20, v6;
	v6 =	vld [tilespmem:s0+$0xFFFFFFC0]  }
0x8e: {  	v21 =	vor.u32 v8, v21;
	v16 =	vor.u32 v15, v23;
	v15 =	vor.u32 v24, v25  }
0x8f: {  	v26 =	vsel vm15, $0x80000000, v1;
	v14 =	vsel vm1, $0x80000000, v1;
	v11 =	vor.u32 v2, v7  }
0x90: {  	v17 =	vor.u32 v2, v10;
	v7 =	vor.u32 v2, v18;
	vm4 =	vlt.f32 v13, $0.0e+00;
	v13 =	vld [tilespmem:s11+$0x10]  }
0x91: {  	v17 =	vor.u32 v17, v22;
	v27 =	vor.u32 v11, v19;
	v11 =	vld [tilespmem:s11+$0x20];
	vm5 =	vlt.f32 v12, $0.0e+00  }
0x92: {  	v12 =	vsel vm2, $0x80000000, v1;
	v10 =	vsel vm4, $0x80000000, v1;
	vm6 =	vlt.f32 v6, $0.0e+00  }
0x93: {  	s18 =	simm.s32 $0x40;
	v6 =	vor.u32 v2, v9;
	v9 =	vsel vm3, $0x80000000, v1;
	v18 =	vsel vm6, $0x80000000, v1  }
0x94: {  	s19 =	simm.s32 $0x0;
	s13 =	simm.s32 $0x0;
	s17 =	simm.s32 $0xEFC0;
	[tilespmem:s11+$0x30] =	vst v20;
	v8 =	vsel vm5, $0x80000000, v1;
	v19 =	vor.u32 v18, v21;
	v18 =	vor.u32 v26, v27  }
.LBB2_2:
0x95: {  	v20 =	vld [tilespmem:s17+$0x30];
	s13 =	sadd.s32 $0x8, s13;
	[tilespmem:s11+$0xFFFFFFC0] =	vst v19;
	v14 =	vor.u32 v14, v17;
	v12 =	vor.u32 v12, v16;
	v7 =	vor.u32 v7, v13;
	s18 =	sadd.s32 $0x80, s18  }
0x96: {  	v9 =	vor.u32 v9, v15;
	s19 =	sadd.s32 $0x80, s19;
	v13 =	vld [tilespmem:s18+$0x30];
	p0 =	slt.u32 s13, $0x78;
	[tilespmem:s11+$0xFFFFFFD0] =	vst v18;
	v7 =	vor.u32 v10, v7;
	v6 =	vor.u32 v6, v11  }
0x97: {  	v10 =	vmov s19;
	s0 =	sadd.s32 $0x10, s19;
	s14 =	sadd.s32 $0x20, s19;
	s20 =	sadd.s32 $0x70, s19;
	v11 =	vld [tilespmem:s17+$0xFFFFFFD0];
	[tilespmem:s11+$0xFFFFFFE0] =	vst v14;
	v6 =	vor.u32 v8, v6  }
0x98: {  	s21 =	sadd.s32 $0x50, s19;
	v8 =	vmov s0;
	v15 =	vmov s14;
	s0 =	sadd.s32 $0x30, s19;
	s14 =	sadd.s32 $0x40, s19;
	v16 =	vmov s20;
	v14 =	vld [tilespmem:s17+$0xFFFFFFE0]  }
0x99: {  	v18 =	vmov s0;
	v19 =	vmov s14;
	s0 =	sadd.s32 $0x60, s19;
	v16 =	vshll.u32 v16, $0xD;
	v17 =	vld [tilespmem:s17+$0xFFFFFFF0];
	[tilespmem:s11+$0xFFFFFFF0] =	vst v12  }
0x9a: {  	v21 =	vmov s21;
	v16 =	vor.u32 v2, v16;
	v12 =	vld [tilespmem:s17+$0x0];
	vm0 =	vlt.f32 v20, $0.0e+00;
	[tilespmem:s11+$0x0] =	vst v9  }
0x9b: {  	v20 =	vmov s0;
	v9 =	vld [tilespmem:s17+$0x10];
	v22 =	vsel vm0, $0x80000000, v1;
	v13 =	vor.u32 v16, v13;
	[tilespmem:s11+$0x10] =	vst v7  }
0x9c: {  	v7 =	vshll.u32 v8, $0xD;
	v8 =	vshll.u32 v15, $0xD;
	v15 =	vld [tilespmem:s17+$0x20];
	v13 =	vor.u32 v22, v13;
	[tilespmem:s11+$0x20] =	vst v6;
	s11 =	smov.u32 s18  }
0x9d: {  	v16 =	vshll.u32 v18, $0xD;
	v18 =	vshll.u32 v19, $0xD;
	v19 =	vshll.u32 v21, $0xD;
	v6 =	vld [tilespmem:s17+$0xFFFFFFC0];
	[tilespmem:s18+$0x30] =	vst v13  }
0x9e: {  	v10 =	vshll.u32 v10, $0xD;
	vm0 =	vlt.f32 v11, $0.0e+00;
	v11 =	vshll.u32 v20, $0xD;
	v21 =	vld [tilespmem:s18+$0xFFFFFFC0]  }
0x9f: {  	vm1 =	vlt.f32 v14, $0.0e+00;
	vm2 =	vlt.f32 v17, $0.0e+00;
	v20 =	vld [tilespmem:s18+$0xFFFFFFD0];
	vm3 =	vlt.f32 v12, $0.0e+00  }
0xa0: {  	v22 =	vor.u32 v2, v8;
	v17 =	vor.u32 v2, v7;
	v23 =	vld [tilespmem:s18+$0xFFFFFFE0];
	vm4 =	vlt.f32 v9, $0.0e+00  }
0xa1: {  	v16 =	vor.u32 v2, v16;
	v25 =	vor.u32 v2, v18;
	v24 =	vld [tilespmem:s18+$0xFFFFFFF0];
	vm5 =	vlt.f32 v15, $0.0e+00  }
0xa2: {  	v7 =	vor.u32 v2, v19;
	vm6 =	vlt.f32 v6, $0.0e+00;
	v15 =	vld [tilespmem:s18+$0x0];
	v6 =	vor.u32 v2, v11  }
.Ltmp2:
0xa3: {  	v8 =	vor.u32 v2, v10;
	v26 =	vsel vm0, $0x80000000, v1;
	v18 =	vsel vm6, $0x80000000, v1;
	v13 =	vld [tilespmem:s18+$0x10];
	(pc) =	sbr.rel @p0 .LBB2_2-.Ltmp2, $4  }
0xa4: {  	v14 =	vsel vm1, $0x80000000, v1;
	v12 =	vsel vm2, $0x80000000, v1;
	v9 =	vsel vm3, $0x80000000, v1;
	v11 =	vld [tilespmem:s18+$0x20]  }
0xa5: {  	v10 =	vsel vm4, $0x80000000, v1;
	v19 =	vor.u32 v8, v21;
	v8 =	vsel vm5, $0x80000000, v1  }
0xa6: {  	v20 =	vor.u32 v17, v20;
	v17 =	vor.u32 v22, v23;
	v16 =	vor.u32 v16, v24  }
0xa7: {  	s17 =	sadd.s32 $0x400, s17;
	v19 =	vor.u32 v18, v19;
	v18 =	vor.u32 v26, v20;
	v15 =	vor.u32 v25, v15  }
0xa8: {  	[tilespmem:s11+$0xFFFFFFC0] =	vst v19  }
0xa9: {  	v14 =	vor.u32 v14, v17;
	[tilespmem:s11+$0xFFFFFFD0] =	vst v18  }
0xaa: {  	v12 =	vor.u32 v12, v16;
	[tilespmem:s11+$0xFFFFFFE0] =	vst v14  }
0xab: {  	v7 =	vor.u32 v7, v13;
	v9 =	vor.u32 v9, v15;
	[tilespmem:s11+$0xFFFFFFF0] =	vst v12  }
0xac: {  	v7 =	vor.u32 v10, v7;
	v6 =	vor.u32 v6, v11;
	[tilespmem:s11+$0x0] =	vst v9  }
0xad: {  	v6 =	vor.u32 v8, v6;
	[tilespmem:s11+$0x10] =	vst v7  }
0xae: {  	s0 =	rddreg [dreg:$0x5];
	[tilespmem:s11+$0x20] =	vst v6;
	s11 =	simm.s32 $0x0  }
0xaf: {  	[tilespmem:s15], [sflag:$0x5] =	stream.linear.gather [hbm4b:s0+s11], $0x80, $0x38;
	[tilespmem:$0x1EB80] =	vst v63  }
0xb0: {  	s14 =	rddreg [dreg:$0x1e]  }
0xb1: {  	s17 =	rddreg [dreg:$0x1f]  }
0xb2: {  	[tilespmem:s12], [sflag:$0x5] =	stream.linear.gather [hbm4b:s14+s11], $0x80, $0x38;
	[tilespmem:$0x1EB80] =	vst v63  }
0xb3: {  	s18 =	sld [smem:$0x7E1]  }
0xb4: {  	[tilespmem:s22], [sflag:$0x5] =	stream.linear.gather [hbm4b:s17+s11], $0x80, $0x38;
	[tilespmem:$0x1EB80] =	vst v63  }
0xb5: {  	s19 =	sld [smem:$0x7E2]  }
0xb6: {  	[tilespmem:s23], [sflag:$0x5] =	stream.linear.gather [hbm4b:s18+s11], $0x80, $0x38;
	[tilespmem:$0x1EB80] =	vst v63  }
0xb7: {  	s20 =	sld [smem:$0x7E3]  }
0xb8: {  	[tilespmem:s24], [sflag:$0x5] =	stream.linear.gather [hbm4b:s19+s11], $0x80, $0x38;
	[tilespmem:$0x1EB80] =	vst v63  }
0xb9: {  	s21 =	sld [smem:$0x7E4]  }
0xba: {  	[tilespmem:s25], [sflag:$0x5] =	stream.linear.gather [hbm4b:s20+s11], $0x80, $0x38;
	[tilespmem:$0x1EB80] =	vst v63  }
0xbb: {  	s13 =	sld [smem:$0x7E5]  }
0xbc: {  	[tilespmem:s26], [sflag:$0x5] =	stream.linear.gather [hbm4b:s21+s11], $0x80, $0x38;
	[tilespmem:$0x1EB80] =	vst v63  }
0xbd: {  	s14 =	sld [smem:$0x7E6]  }
0xbe: {  	[tilespmem:s28], [sflag:$0x5] =	stream.linear.gather [hbm4b:s13+s11], $0x80, $0x38;
	[tilespmem:$0x1EB80] =	vst v63  }
0xbf: {  	s17 =	sld [smem:$0x7E7]  }
0xc0: {  	[tilespmem:s29], [sflag:$0x5] =	stream.linear.gather [hbm4b:s14+s11], $0x80, $0x38;
	[tilespmem:$0x1EB80] =	vst v63  }
0xc1: {  	s18 =	sld [smem:$0x7E8]  }
0xc2: {  	[tilespmem:s30], [sflag:$0x5] =	stream.linear.gather [hbm4b:s17+s11], $0x80, $0x38;
	[tilespmem:$0x1EB80] =	vst v63  }
0xc3: {  	s19 =	sld [smem:$0x7E9]  }
0xc4: {  	[tilespmem:s31], [sflag:$0x5] =	stream.linear.gather [hbm4b:s18+s11], $0x80, $0x38;
	[tilespmem:$0x1EB80] =	vst v63  }
0xc5: {  	s20 =	sld [smem:$0x7EA];
	s13 =	simm.s32 $0x11780  }
0xc6: {  	[tilespmem:s13], [sflag:$0x5] =	stream.linear.gather [hbm4b:s19+s11], $0x80, $0x38;
	[tilespmem:$0x1EB80] =	vst v63  }
0xc7: {  	s21 =	simm.s32 $0x11B80;
	s13 =	sld [smem:$0x7EB]  }
0xc8: {  	[tilespmem:s21], [sflag:$0x5] =	stream.linear.gather [hbm4b:s20+s11], $0x80, $0x38;
	[tilespmem:$0x1EB80] =	vst v63  }
0xc9: {  	s14 =	simm.s32 $0x11F80;
	s17 =	sld [smem:$0x7EC]  }
0xca: {  	[tilespmem:s14], [sflag:$0x5] =	stream.linear.gather [hbm4b:s13+s11], $0x80, $0x38;
	[tilespmem:$0x1EB80] =	vst v63  }
0xcb: {  	s18 =	simm.s32 $0x12380;
	s19 =	sld [smem:$0x7ED]  }
0xcc: {  	[tilespmem:s18], [sflag:$0x5] =	stream.linear.gather [hbm4b:s17+s11], $0x80, $0x38;
	[tilespmem:$0x1EB80] =	vst v63  }
0xcd: {  	s20 =	simm.s32 $0x12780  }
0xce: {  	[tilespmem:s20], [sflag:$0x5] =	stream.linear.gather [hbm4b:s19+s11], $0x80, $0x38;
	[tilespmem:$0x1EB80] =	vst v63  }
0xcf: {  	_ =	swait.ge [sflag:s5], $0x800  }
0xd0: {  	[sflag:s5] =	ssyncset.done $0x0  }
0xd1: {  	s0 =	simm.s32 $0xEBC0;
	[sflag:s5] =	ssyncadd.s32 $0xFFFFF800  }
0xd2: {  	s13 =	simm.s32 $0x840;
	v6 =	vld [tilespmem:s0+$0x30]  }
0xd3: {  	v7 =	vld [tilespmem:s13+$0x30]  }
0xd4: {  	s21 =	simm.s32 $0x70;
	v8 =	vld [tilespmem:s0+$0xFFFFFFD0]  }
0xd5: {  	v10 =	vmov s11;
	v13 =	vmov s21;
	v11 =	vld [tilespmem:s0+$0xFFFFFFE0]  }
0xd6: {  	v10 =	vshll.u32 v10, $0xD;
	s21 =	simm.s32 $0x60;
	s14 =	simm.s32 $0x10;
	v13 =	vshll.u32 v13, $0xD;
	s18 =	simm.s32 $0x30;
	v15 =	vld [tilespmem:s0+$0xFFFFFFF0]  }
0xd7: {  	v19 =	vmov s21;
	v9 =	vmov s14;
	s17 =	simm.s32 $0x20;
	v14 =	vmov s18;
	s19 =	simm.s32 $0x40;
	v17 =	vld [tilespmem:s0+$0x0]  }
0xd8: {  	v12 =	vmov s17;
	s20 =	simm.s32 $0x50;
	v14 =	vshll.u32 v14, $0xD;
	v16 =	vmov s19;
	v23 =	vld [tilespmem:s13+$0xFFFFFFF0]  }
0xd9: {  	v18 =	vmov s20;
	v22 =	vor.u32 v2, v14;
	v16 =	vshll.u32 v16, $0xD;
	v24 =	vld [tilespmem:s13+$0x0]  }
0xda: {  	v18 =	vshll.u32 v18, $0xD;
	vm0 =	vlt.f32 v6, $0.0e+00;
	v6 =	vor.u32 v2, v13;
	v13 =	vld [tilespmem:s0+$0x10]  }
0xdb: {  	v16 =	vor.u32 v2, v16;
	vm15 =	vlt.f32 v8, $0.0e+00;
	v8 =	vshll.u32 v19, $0xD;
	v19 =	vld [tilespmem:s13+$0xFFFFFFD0]  }
0xdc: {  	v6 =	vor.u32 v6, v7;
	v7 =	vshll.u32 v9, $0xD;
	v9 =	vshll.u32 v12, $0xD;
	v12 =	vld [tilespmem:s0+$0x20]  }
0xdd: {  	vm1 =	vlt.f32 v11, $0.0e+00;
	vm3 =	vlt.f32 v17, $0.0e+00;
	v17 =	vld [tilespmem:s13+$0xFFFFFFE0];
	v20 =	vsel vm0, $0x80000000, v1  }
0xde: {  	vm2 =	vlt.f32 v15, $0.0e+00;
	v16 =	vor.u32 v16, v24;
	v20 =	vor.u32 v20, v6;
	v6 =	vld [tilespmem:s0+$0xFFFFFFC0]  }
0xdf: {  	v21 =	vld [tilespmem:s13+$0xFFFFFFC0];
	v25 =	vsel vm15, $0x80000000, v1;
	v14 =	vsel vm1, $0x80000000, v1;
	v11 =	vor.u32 v2, v7  }
0xe0: {  	v15 =	vor.u32 v2, v9;
	v7 =	vor.u32 v2, v18;
	v9 =	vsel vm3, $0x80000000, v1  }
0xe1: {  	vm4 =	vlt.f32 v13, $0.0e+00;
	v13 =	vsel vm2, $0x80000000, v1;
	vm5 =	vlt.f32 v12, $0.0e+00;
	v12 =	vld [tilespmem:s13+$0x10]  }
0xe2: {  	v26 =	vor.u32 v11, v19;
	v17 =	vor.u32 v15, v17;
	v15 =	vor.u32 v22, v23;
	v11 =	vld [tilespmem:s13+$0x20]  }
0xe3: {  	vm6 =	vlt.f32 v6, $0.0e+00;
	v6 =	vor.u32 v2, v8;
	v8 =	vor.u32 v2, v10  }
0xe4: {  	v10 =	vsel vm4, $0x80000000, v1;
	v18 =	vsel vm6, $0x80000000, v1;
	v21 =	vor.u32 v8, v21  }
0xe5: {  	s17 =	simm.s32 $0x0;
	s18 =	simm.s32 $0xEFC0;
	s19 =	simm.s32 $0x840;
	[tilespmem:s13+$0x30] =	vst v20;
	v8 =	vsel vm5, $0x80000000, v1;
	v19 =	vor.u32 v18, v21;
	v18 =	vor.u32 v25, v26  }
.LBB2_4:
0xe6: {  	v20 =	vld [tilespmem:s18+$0x30];
	s17 =	sadd.s32 $0x8, s17;
	[tilespmem:s13+$0xFFFFFFC0] =	vst v19;
	v14 =	vor.u32 v14, v17;
	v13 =	vor.u32 v13, v15;
	v7 =	vor.u32 v7, v12;
	s19 =	sadd.s32 $0x80, s19  }
0xe7: {  	v9 =	vor.u32 v9, v16;
	s11 =	sadd.s32 $0x80, s11;
	v12 =	vld [tilespmem:s19+$0x30];
	p0 =	slt.u32 s17, $0x78;
	[tilespmem:s13+$0xFFFFFFD0] =	vst v18;
	v7 =	vor.u32 v10, v7;
	v6 =	vor.u32 v6, v11  }
0xe8: {  	v10 =	vmov s11;
	s0 =	sadd.s32 $0x10, s11;
	s14 =	sadd.s32 $0x20, s11;
	s20 =	sadd.s32 $0x70, s11;
	v11 =	vld [tilespmem:s18+$0xFFFFFFD0];
	[tilespmem:s13+$0xFFFFFFE0] =	vst v14;
	v6 =	vor.u32 v8, v6  }
0xe9: {  	s21 =	sadd.s32 $0x50, s11;
	v8 =	vmov s0;
	v15 =	vmov s14;
	s0 =	sadd.s32 $0x30, s11;
	s14 =	sadd.s32 $0x40, s11;
	v16 =	vmov s20;
	v14 =	vld [tilespmem:s18+$0xFFFFFFE0]  }
0xea: {  	v18 =	vmov s0;
	v19 =	vmov s14;
	s0 =	sadd.s32 $0x60, s11;
	v16 =	vshll.u32 v16, $0xD;
	v17 =	vld [tilespmem:s18+$0xFFFFFFF0];
	[tilespmem:s13+$0xFFFFFFF0] =	vst v13  }
0xeb: {  	v21 =	vmov s21;
	v16 =	vor.u32 v2, v16;
	v13 =	vld [tilespmem:s18+$0x0];
	vm0 =	vlt.f32 v20, $0.0e+00;
	[tilespmem:s13+$0x0] =	vst v9  }
0xec: {  	v20 =	vmov s0;
	v9 =	vld [tilespmem:s18+$0x10];
	v22 =	vsel vm0, $0x80000000, v1;
	v12 =	vor.u32 v16, v12;
	[tilespmem:s13+$0x10] =	vst v7  }
0xed: {  	v7 =	vshll.u32 v8, $0xD;
	v8 =	vshll.u32 v15, $0xD;
	v15 =	vld [tilespmem:s18+$0x20];
	v12 =	vor.u32 v22, v12;
	[tilespmem:s13+$0x20] =	vst v6;
	s13 =	smov.u32 s19  }
0xee: {  	v16 =	vshll.u32 v18, $0xD;
	v18 =	vshll.u32 v19, $0xD;
	v19 =	vshll.u32 v21, $0xD;
	v6 =	vld [tilespmem:s18+$0xFFFFFFC0];
	[tilespmem:s19+$0x30] =	vst v12  }
0xef: {  	v10 =	vshll.u32 v10, $0xD;
	vm0 =	vlt.f32 v11, $0.0e+00;
	v11 =	vshll.u32 v20, $0xD;
	v21 =	vld [tilespmem:s19+$0xFFFFFFC0]  }
0xf0: {  	vm1 =	vlt.f32 v14, $0.0e+00;
	vm2 =	vlt.f32 v17, $0.0e+00;
	v20 =	vld [tilespmem:s19+$0xFFFFFFD0];
	vm3 =	vlt.f32 v13, $0.0e+00  }
0xf1: {  	v22 =	vor.u32 v2, v8;
	v17 =	vor.u32 v2, v7;
	v23 =	vld [tilespmem:s19+$0xFFFFFFE0];
	vm4 =	vlt.f32 v9, $0.0e+00  }
0xf2: {  	v16 =	vor.u32 v2, v16;
	v25 =	vor.u32 v2, v18;
	v24 =	vld [tilespmem:s19+$0xFFFFFFF0];
	vm5 =	vlt.f32 v15, $0.0e+00  }
0xf3: {  	v7 =	vor.u32 v2, v19;
	vm6 =	vlt.f32 v6, $0.0e+00;
	v26 =	vld [tilespmem:s19+$0x0];
	v6 =	vor.u32 v2, v11  }
.Ltmp3:
0xf4: {  	v8 =	vor.u32 v2, v10;
	v27 =	vsel vm0, $0x80000000, v1;
	v18 =	vsel vm6, $0x80000000, v1;
	v12 =	vld [tilespmem:s19+$0x10];
	(pc) =	sbr.rel @p0 .LBB2_4-.Ltmp3, $4  }
0xf5: {  	v14 =	vsel vm1, $0x80000000, v1;
	v13 =	vsel vm2, $0x80000000, v1;
	v9 =	vsel vm3, $0x80000000, v1;
	v11 =	vld [tilespmem:s19+$0x20]  }
0xf6: {  	v10 =	vsel vm4, $0x80000000, v1;
	v19 =	vor.u32 v8, v21;
	v8 =	vsel vm5, $0x80000000, v1  }
0xf7: {  	v20 =	vor.u32 v17, v20;
	v17 =	vor.u32 v22, v23;
	v15 =	vor.u32 v16, v24  }
0xf8: {  	s18 =	sadd.s32 $0x400, s18;
	v19 =	vor.u32 v18, v19;
	v18 =	vor.u32 v27, v20;
	v16 =	vor.u32 v25, v26  }
0xf9: {  	[tilespmem:s13+$0xFFFFFFC0] =	vst v19  }
0xfa: {  	v14 =	vor.u32 v14, v17;
	[tilespmem:s13+$0xFFFFFFD0] =	vst v18  }
0xfb: {  	v13 =	vor.u32 v13, v15;
	[tilespmem:s13+$0xFFFFFFE0] =	vst v14  }
0xfc: {  	v7 =	vor.u32 v7, v12;
	v9 =	vor.u32 v9, v16;
	[tilespmem:s13+$0xFFFFFFF0] =	vst v13  }
0xfd: {  	v7 =	vor.u32 v10, v7;
	v6 =	vor.u32 v6, v11;
	[tilespmem:s13+$0x0] =	vst v9  }
0xfe: {  	v6 =	vor.u32 v8, v6;
	[tilespmem:s13+$0x10] =	vst v7  }
0xff: {  	s0 =	rddreg [dreg:$0x6];
	[tilespmem:s13+$0x20] =	vst v6  }
0x100: {  	s18 =	simm.s32 $0x0;
	s20 =	sld [smem:$0x7EE]  }
0x101: {  	[tilespmem:s15], [sflag:$0x5] =	stream.linear.gather [hbm4b:s0+s18], $0x80, $0x38;
	[tilespmem:$0x1EB80] =	vst v63  }
0x102: {  	s21 =	sld [smem:$0x7EF]  }
0x103: {  	[tilespmem:s12], [sflag:$0x5] =	stream.linear.gather [hbm4b:s20+s18], $0x80, $0x38;
	[tilespmem:$0x1EB80] =	vst v63  }
0x104: {  	_ = 	snop  }
0x105: {  	[tilespmem:s22], [sflag:$0x5] =	stream.linear.gather [hbm4b:s21+s18], $0x80, $0x38;
	[tilespmem:$0x1EB80] =	vst v63  }
0x106: {  	s22 =	sld [smem:$0x7F0];
	_ =	sdelay $0x2  }
0x107: {  	[tilespmem:s23], [sflag:$0x5] =	stream.linear.gather [hbm4b:s22+s18], $0x80, $0x38;
	[tilespmem:$0x1EB80] =	vst v63  }
0x108: {  	s23 =	sld [smem:$0x7F1];
	_ =	sdelay $0x2  }
0x109: {  	[tilespmem:s24], [sflag:$0x5] =	stream.linear.gather [hbm4b:s23+s18], $0x80, $0x38;
	[tilespmem:$0x1EB80] =	vst v63  }
0x10a: {  	s24 =	sld [smem:$0x7F2];
	_ =	sdelay $0x2  }
0x10b: {  	[tilespmem:s25], [sflag:$0x5] =	stream.linear.gather [hbm4b:s24+s18], $0x80, $0x38;
	[tilespmem:$0x1EB80] =	vst v63  }
0x10c: {  	s25 =	sld [smem:$0x7F3];
	_ =	sdelay $0x2  }
0x10d: {  	[tilespmem:s26], [sflag:$0x5] =	stream.linear.gather [hbm4b:s25+s18], $0x80, $0x38;
	[tilespmem:$0x1EB80] =	vst v63  }
0x10e: {  	s26 =	sld [smem:$0x7F4];
	_ =	sdelay $0x2  }
0x10f: {  	[tilespmem:s28], [sflag:$0x5] =	stream.linear.gather [hbm4b:s26+s18], $0x80, $0x38;
	[tilespmem:$0x1EB80] =	vst v63  }
0x110: {  	s28 =	sld [smem:$0x7F5];
	_ =	sdelay $0x2  }
0x111: {  	[tilespmem:s29], [sflag:$0x5] =	stream.linear.gather [hbm4b:s28+s18], $0x80, $0x38;
	[tilespmem:$0x1EB80] =	vst v63  }
0x112: {  	s29 =	sld [smem:$0x7F6];
	_ =	sdelay $0x1  }
0x113: {  	s11 =	sld [smem:$0x7F7]  }
0x114: {  	[tilespmem:s30], [sflag:$0x5] =	stream.linear.gather [hbm4b:s29+s18], $0x80, $0x38;
	[tilespmem:$0x1EB80] =	vst v63  }
0x115: {  	s12 =	sld [smem:$0x7F8]  }
0x116: {  	[tilespmem:s31], [sflag:$0x5] =	stream.linear.gather [hbm4b:s11+s18], $0x80, $0x38;
	[tilespmem:$0x1EB80] =	vst v63  }
0x117: {  	s13 =	sld [smem:$0x7F9];
	s11 =	simm.s32 $0x11780  }
0x118: {  	[tilespmem:s11], [sflag:$0x5] =	stream.linear.gather [hbm4b:s12+s18], $0x80, $0x38;
	[tilespmem:$0x1EB80] =	vst v63  }
0x119: {  	s14 =	simm.s32 $0x11B80;
	s17 =	sld [smem:$0x7FA]  }
0x11a: {  	[tilespmem:s14], [sflag:$0x5] =	stream.linear.gather [hbm4b:s13+s18], $0x80, $0x38;
	[tilespmem:$0x1EB80] =	vst v63  }
0x11b: {  	s19 =	simm.s32 $0x11F80;
	s20 =	sld [smem:$0x7FB]  }
0x11c: {  	[tilespmem:s19], [sflag:$0x5] =	stream.linear.gather [hbm4b:s17+s18], $0x80, $0x38;
	[tilespmem:$0x1EB80] =	vst v63  }
0x11d: {  	s21 =	simm.s32 $0x12380;
	s22 =	sld [smem:$0x7FC]  }
0x11e: {  	[tilespmem:s21], [sflag:$0x5] =	stream.linear.gather [hbm4b:s20+s18], $0x80, $0x38;
	[tilespmem:$0x1EB80] =	vst v63  }
0x11f: {  	s23 =	simm.s32 $0x12780  }
0x120: {  	[tilespmem:s23], [sflag:$0x5] =	stream.linear.gather [hbm4b:s22+s18], $0x80, $0x38;
	[tilespmem:$0x1EB80] =	vst v63  }
0x121: {  	_ =	swait.ge [sflag:s5], $0x800  }
0x122: {  	[sflag:s5] =	ssyncset.done $0x0  }
0x123: {  	s24 =	simm.s32 $0xEBC0;
	[sflag:s5] =	ssyncadd.s32 $0xFFFFF800  }
0x124: {  	s19 =	simm.s32 $0x1040;
	v6 =	vld [tilespmem:s24+$0x30]  }
0x125: {  	v7 =	vld [tilespmem:s19+$0x30]  }
0x126: {  	v9 =	vld [tilespmem:s24+$0xFFFFFFD0]  }
0x127: {  	v8 =	vmov s18;
	v11 =	vld [tilespmem:s24+$0xFFFFFFE0]  }
0x128: {  	v8 =	vshll.u32 v8, $0xD;
	s14 =	simm.s32 $0x70;
	v14 =	vld [tilespmem:s24+$0xFFFFFFF0]  }
0x129: {  	v8 =	vor.u32 v2, v8;
	s25 =	simm.s32 $0x10;
	s26 =	simm.s32 $0x20;
	v13 =	vmov s14;
	v17 =	vld [tilespmem:s24+$0x0]  }
0x12a: {  	v10 =	vmov s25;
	v12 =	vmov s26;
	s28 =	simm.s32 $0x30;
	v13 =	vshll.u32 v13, $0xD;
	v21 =	vld [tilespmem:s19+$0xFFFFFFC0]  }
0x12b: {  	v15 =	vmov s28;
	s29 =	simm.s32 $0x40;
	s30 =	simm.s32 $0x50;
	vm0 =	vlt.f32 v6, $0.0e+00;
	v6 =	vor.u32 v2, v13;
	v13 =	vld [tilespmem:s24+$0x10]  }
0x12c: {  	v15 =	vshll.u32 v15, $0xD;
	v16 =	vmov s29;
	v18 =	vmov s30;
	s31 =	simm.s32 $0x60;
	v23 =	vld [tilespmem:s19+$0xFFFFFFE0]  }
0x12d: {  	v16 =	vshll.u32 v16, $0xD;
	v18 =	vshll.u32 v18, $0xD;
	v19 =	vmov s31;
	v24 =	vld [tilespmem:s19+$0x0]  }
0x12e: {  	v16 =	vor.u32 v2, v16;
	vm15 =	vlt.f32 v9, $0.0e+00;
	v9 =	vshll.u32 v19, $0xD;
	v19 =	vld [tilespmem:s19+$0xFFFFFFD0]  }
0x12f: {  	v6 =	vor.u32 v6, v7;
	v7 =	vshll.u32 v10, $0xD;
	v10 =	vshll.u32 v12, $0xD;
	v12 =	vld [tilespmem:s24+$0x20]  }
0x130: {  	v20 =	vsel vm0, $0x80000000, v1;
	vm4 =	vlt.f32 v13, $0.0e+00;
	v13 =	vor.u32 v2, v15;
	v15 =	vld [tilespmem:s19+$0xFFFFFFF0]  }
0x131: {  	vm1 =	vlt.f32 v11, $0.0e+00;
	vm2 =	vlt.f32 v14, $0.0e+00;
	v20 =	vor.u32 v20, v6;
	v6 =	vld [tilespmem:s24+$0xFFFFFFC0]  }
0x132: {  	vm3 =	vlt.f32 v17, $0.0e+00;
	v21 =	vor.u32 v8, v21;
	v16 =	vor.u32 v16, v24  }
0x133: {  	v25 =	vsel vm15, $0x80000000, v1;
	v11 =	vsel vm2, $0x80000000, v1;
	v17 =	vor.u32 v2, v7  }
0x134: {  	v14 =	vld [tilespmem:s19+$0x10];
	v22 =	vor.u32 v2, v10;
	v7 =	vor.u32 v2, v18;
	v26 =	vor.u32 v17, v19  }
0x135: {  	v17 =	vor.u32 v22, v23;
	vm5 =	vlt.f32 v12, $0.0e+00;
	v15 =	vor.u32 v13, v15;
	v13 =	vld [tilespmem:s19+$0x20]  }
0x136: {  	v12 =	vsel vm1, $0x80000000, v1;
	v10 =	vsel vm4, $0x80000000, v1;
	vm6 =	vlt.f32 v6, $0.0e+00  }
0x137: {  	s11 =	simm.s32 $0x1840;
	s13 =	simm.s32 $0x28C0;
	s17 =	simm.s32 $0x3940;
	v6 =	vor.u32 v2, v9;
	v9 =	vsel vm3, $0x80000000, v1;
	v18 =	vsel vm6, $0x80000000, v1  }
0x138: {  	s20 =	simm.s32 $0x0;
	s21 =	simm.s32 $0xEFC0;
	s22 =	simm.s32 $0x1040;
	[tilespmem:s19+$0x30] =	vst v20;
	v8 =	vsel vm5, $0x80000000, v1;
	v19 =	vor.u32 v18, v21;
	v18 =	vor.u32 v25, v26  }
.LBB2_6:
0x139: {  	v20 =	vld [tilespmem:s21+$0x30];
	s20 =	sadd.s32 $0x8, s20;
	[tilespmem:s19+$0xFFFFFFC0] =	vst v19;
	v12 =	vor.u32 v12, v17;
	v11 =	vor.u32 v11, v15;
	v7 =	vor.u32 v7, v14;
	s22 =	sadd.s32 $0x80, s22  }
0x13a: {  	v9 =	vor.u32 v9, v16;
	s18 =	sadd.s32 $0x80, s18;
	v14 =	vld [tilespmem:s22+$0x30];
	p0 =	slt.u32 s20, $0x78;
	[tilespmem:s19+$0xFFFFFFD0] =	vst v18;
	v7 =	vor.u32 v10, v7;
	v6 =	vor.u32 v6, v13  }
0x13b: {  	v10 =	vmov s18;
	s0 =	sadd.s32 $0x10, s18;
	s14 =	sadd.s32 $0x20, s18;
	s23 =	sadd.s32 $0x70, s18;
	v13 =	vld [tilespmem:s21+$0xFFFFFFD0];
	[tilespmem:s19+$0xFFFFFFE0] =	vst v12;
	v6 =	vor.u32 v8, v6  }
0x13c: {  	s24 =	sadd.s32 $0x50, s18;
	v8 =	vmov s0;
	v15 =	vmov s14;
	s0 =	sadd.s32 $0x30, s18;
	s14 =	sadd.s32 $0x40, s18;
	v16 =	vmov s23;
	v12 =	vld [tilespmem:s21+$0xFFFFFFE0]  }
0x13d: {  	v18 =	vmov s0;
	v19 =	vmov s14;
	s0 =	sadd.s32 $0x60, s18;
	v16 =	vshll.u32 v16, $0xD;
	v17 =	vld [tilespmem:s21+$0xFFFFFFF0];
	[tilespmem:s19+$0xFFFFFFF0] =	vst v11  }
0x13e: {  	v21 =	vmov s24;
	v16 =	vor.u32 v2, v16;
	v11 =	vld [tilespmem:s21+$0x0];
	vm0 =	vlt.f32 v20, $0.0e+00;
	[tilespmem:s19+$0x0] =	vst v9  }
0x13f: {  	v20 =	vmov s0;
	v9 =	vld [tilespmem:s21+$0x10];
	v22 =	vsel vm0, $0x80000000, v1;
	v14 =	vor.u32 v16, v14;
	[tilespmem:s19+$0x10] =	vst v7  }
0x140: {  	v7 =	vshll.u32 v8, $0xD;
	v8 =	vshll.u32 v15, $0xD;
	v15 =	vld [tilespmem:s21+$0x20];
	v14 =	vor.u32 v22, v14;
	[tilespmem:s19+$0x20] =	vst v6;
	s19 =	smov.u32 s22  }
0x141: {  	v16 =	vshll.u32 v18, $0xD;
	v18 =	vshll.u32 v19, $0xD;
	v19 =	vshll.u32 v21, $0xD;
	v6 =	vld [tilespmem:s21+$0xFFFFFFC0];
	[tilespmem:s22+$0x30] =	vst v14  }
0x142: {  	v10 =	vshll.u32 v10, $0xD;
	vm0 =	vlt.f32 v13, $0.0e+00;
	v13 =	vshll.u32 v20, $0xD;
	v21 =	vld [tilespmem:s22+$0xFFFFFFC0]  }
0x143: {  	vm1 =	vlt.f32 v12, $0.0e+00;
	vm2 =	vlt.f32 v17, $0.0e+00;
	v20 =	vld [tilespmem:s22+$0xFFFFFFD0];
	vm3 =	vlt.f32 v11, $0.0e+00  }
0x144: {  	v22 =	vor.u32 v2, v8;
	v17 =	vor.u32 v2, v7;
	v23 =	vld [tilespmem:s22+$0xFFFFFFE0];
	vm4 =	vlt.f32 v9, $0.0e+00  }
0x145: {  	v16 =	vor.u32 v2, v16;
	v25 =	vor.u32 v2, v18;
	v24 =	vld [tilespmem:s22+$0xFFFFFFF0];
	vm5 =	vlt.f32 v15, $0.0e+00  }
0x146: {  	v7 =	vor.u32 v2, v19;
	vm6 =	vlt.f32 v6, $0.0e+00;
	v26 =	vld [tilespmem:s22+$0x0];
	v6 =	vor.u32 v2, v13  }
.Ltmp4:
0x147: {  	v8 =	vor.u32 v2, v10;
	v27 =	vsel vm0, $0x80000000, v1;
	v18 =	vsel vm6, $0x80000000, v1;
	v14 =	vld [tilespmem:s22+$0x10];
	(pc) =	sbr.rel @p0 .LBB2_6-.Ltmp4, $4  }
0x148: {  	v12 =	vsel vm1, $0x80000000, v1;
	v11 =	vsel vm2, $0x80000000, v1;
	v9 =	vsel vm3, $0x80000000, v1;
	v13 =	vld [tilespmem:s22+$0x20]  }
0x149: {  	v10 =	vsel vm4, $0x80000000, v1;
	v19 =	vor.u32 v8, v21;
	v8 =	vsel vm5, $0x80000000, v1  }
0x14a: {  	v20 =	vor.u32 v17, v20;
	v17 =	vor.u32 v22, v23;
	v15 =	vor.u32 v16, v24  }
0x14b: {  	s21 =	sadd.s32 $0x400, s21;
	v19 =	vor.u32 v18, v19;
	v18 =	vor.u32 v27, v20;
	v16 =	vor.u32 v25, v26  }
0x14c: {  	[tilespmem:s19+$0xFFFFFFC0] =	vst v19  }
0x14d: {  	v12 =	vor.u32 v12, v17;
	[tilespmem:s19+$0xFFFFFFD0] =	vst v18  }
0x14e: {  	v11 =	vor.u32 v11, v15;
	[tilespmem:s19+$0xFFFFFFE0] =	vst v12  }
0x14f: {  	v7 =	vor.u32 v7, v14;
	v9 =	vor.u32 v9, v16;
	[tilespmem:s19+$0xFFFFFFF0] =	vst v11  }
0x150: {  	v7 =	vor.u32 v10, v7;
	v6 =	vor.u32 v6, v13;
	[tilespmem:s19+$0x0] =	vst v9  }
0x151: {  	v6 =	vor.u32 v8, v6;
	[tilespmem:s19+$0x10] =	vst v7  }
0x152: {  	[tilespmem:s19+$0x20] =	vst v6  }
0x153: {  	[tilespmem:s11+$0xFFFFFFD0] =	vst v3  }
0x154: {  	[tilespmem:s11+$0x0] =	vst v3  }
0x155: {  	[tilespmem:s11+$0xFFFFFFC0] =	vst v3  }
0x156: {  	[tilespmem:s11+$0x30] =	vst v3  }
0x157: {  	[tilespmem:s11+$0xFFFFFFF0] =	vst v3  }
0x158: {  	[tilespmem:s11+$0xFFFFFFE0] =	vst v3  }
0x159: {  	[tilespmem:s11+$0x10] =	vst v3  }
0x15a: {  	[tilespmem:s11+$0x20] =	vst v3  }
0x15b: {  	[tilespmem:s13+$0xFFFFFFC0] =	vst v3  }
0x15c: {  	[tilespmem:s13+$0x30] =	vst v3  }
0x15d: {  	[tilespmem:s13+$0x0] =	vst v3  }
0x15e: {  	[tilespmem:s13+$0x20] =	vst v3  }
0x15f: {  	[tilespmem:s13+$0x10] =	vst v3  }
0x160: {  	[tilespmem:s13+$0xFFFFFFD0] =	vst v3  }
0x161: {  	[tilespmem:s13+$0xFFFFFFE0] =	vst v3  }
0x162: {  	[tilespmem:s13+$0xFFFFFFF0] =	vst v3  }
0x163: {  	[tilespmem:s17+$0xFFFFFFC0] =	vst v3  }
0x164: {  	[tilespmem:s17+$0x30] =	vst v3  }
0x165: {  	[tilespmem:s17+$0x20] =	vst v3  }
0x166: {  	[tilespmem:s17+$0x10] =	vst v3  }
0x167: {  	s0 =	simm.s32 $0x0;
	s14 =	simm.s32 $0x39C0;
	[tilespmem:s17+$0xFFFFFFD0] =	vst v3  }
.LBB2_8:
0x168: {  	s0 =	sadd.s32 $0x8, s0;
	[tilespmem:s17+$0xFFFFFFE0] =	vst v3;
	s11 =	sadd.s32 $0x80, s11;
	s13 =	sadd.s32 $0x80, s13  }
0x169: {  	p0 =	slt.u32 s0, $0xF8;
	[tilespmem:s17+$0x0] =	vst v3  }
0x16a: {  	[tilespmem:s17+$0xFFFFFFF0] =	vst v3;
	s17 =	smov.u32 s14  }
0x16b: {  	[tilespmem:s11+$0xFFFFFFD0] =	vst v3  }
0x16c: {  	[tilespmem:s11+$0x0] =	vst v3  }
0x16d: {  	[tilespmem:s11+$0xFFFFFFC0] =	vst v3  }
0x16e: {  	[tilespmem:s13+$0xFFFFFFC0] =	vst v3  }
0x16f: {  	[tilespmem:s14+$0xFFFFFFC0] =	vst v3  }
0x170: {  	[tilespmem:s11+$0x30] =	vst v3  }
0x171: {  	[tilespmem:s13+$0x30] =	vst v3  }
0x172: {  	[tilespmem:s14+$0x30] =	vst v3  }
0x173: {  	[tilespmem:s13+$0x0] =	vst v3  }
0x174: {  	[tilespmem:s11+$0xFFFFFFF0] =	vst v3  }
0x175: {  	[tilespmem:s11+$0xFFFFFFE0] =	vst v3  }
0x176: {  	[tilespmem:s11+$0x10] =	vst v3  }
0x177: {  	[tilespmem:s11+$0x20] =	vst v3  }
0x178: {  	[tilespmem:s13+$0x20] =	vst v3  }
0x179: {  	[tilespmem:s14+$0x20] =	vst v3  }
0x17a: {  	[tilespmem:s13+$0x10] =	vst v3  }
.Ltmp5:
0x17b: {  	[tilespmem:s14+$0x10] =	vst v3;
	(pc) =	sbr.rel @p0 .LBB2_8-.Ltmp5, $4  }
0x17c: {  	[tilespmem:s13+$0xFFFFFFD0] =	vst v3  }
0x17d: {  	[tilespmem:s13+$0xFFFFFFE0] =	vst v3  }
0x17e: {  	[tilespmem:s14+$0xFFFFFFD0] =	vst v3  }
0x17f: {  	s14 =	sadd.s32 $0x80, s14;
	[tilespmem:s13+$0xFFFFFFF0] =	vst v3  }
0x180: {  	[tilespmem:s17+$0xFFFFFFE0] =	vst v3  }
0x181: {  	[tilespmem:s17+$0x0] =	vst v3  }
0x182: {  	[tilespmem:s17+$0xFFFFFFF0] =	vst v3  }
0x183: {  	[tilespmem:$0x2800] =	vst v3  }
0x184: {  	[tilespmem:$0x3880] =	vst v3  }
0x185: {  	s0 =	simm.s32 $0x40;
	[tilespmem:$0x4900] =	vst v3  }
0x186: {  	v6 =	vld [tilespmem:s0+$0x30]  }
0x187: {  	v7 =	vld [tilespmem:s0+$0xFFFFFFD0]  }
0x188: {  	v8 =	vld [tilespmem:s0+$0xFFFFFFE0]  }
0x189: {  	v9 =	vld [tilespmem:s0+$0xFFFFFFF0]  }
0x18a: {  	v10 =	vld [tilespmem:s0+$0x0]  }
0x18b: {  	v11 =	vld [tilespmem:s0+$0x10];
	v6 =	vand.u32 $0xFFF, v6  }
0x18c: {  	v12 =	vld [tilespmem:s0+$0x20];
	v7 =	vand.u32 $0xFFF, v7  }
0x18d: {  	s11 =	simm.s32 $0xC0;
	v13 =	vld [tilespmem:s0+$0xFFFFFFC0];
	v14 =	vand.u32 $0xFFF, v8  }
0x18e: {  	v16 =	vld [tilespmem:s11+$0x30];
	v9 =	vand.u32 $0xFFF, v9  }
0x18f: {  	v17 =	vld [tilespmem:s11+$0xFFFFFFD0];
	v18 =	vand.u32 $0xFFF, v10  }
0x190: {  	v19 =	vld [tilespmem:s11+$0xFFFFFFE0];
	v20 =	vand.u32 $0xFFF, v11;
	[tilespmem:v6+s2+$0x0] =	vst.idx.msk $0xffff, v4  }
0x191: {  	v8 =	vld [tilespmem:s11+$0xFFFFFFF0];
	v15 =	vand.u32 $0xFFF, v12;
	[tilespmem:v7+s2+$0x0] =	vst.idx.msk $0xffff, v4  }
0x192: {  	v10 =	vand.u32 $0xFFF, v13;
	v6 =	vld [tilespmem:s11+$0x0];
	[tilespmem:v14+s2+$0x0] =	vst.idx.msk $0xffff, v4  }
0x193: {  	v13 =	vand.u32 $0xFFF, v16;
	v7 =	vld [tilespmem:s11+$0x10];
	[tilespmem:v9+s2+$0x0] =	vst.idx.msk $0xffff, v4  }
0x194: {  	v9 =	vld [tilespmem:s11+$0x20];
	[tilespmem:v18+s2+$0x0] =	vst.idx.msk $0xffff, v4;
	v14 =	vand.u32 $0xFFF, v17  }
0x195: {  	s0 =	simm.s32 $0x8;
	v11 =	vld [tilespmem:s11+$0xFFFFFFC0];
	v12 =	vand.u32 $0xFFF, v19;
	s11 =	simm.s32 $0x140;
	[tilespmem:v20+s2+$0x0] =	vst.idx.msk $0xffff, v4  }
.LBB2_10:
0x196: {  	v16 =	vld [tilespmem:s11+$0x30];
	s0 =	sadd.s32 $0x8, s0;
	v17 =	vand.u32 $0xFFF, v8;
	[tilespmem:v15+s2+$0x0] =	vst.idx.msk $0xffff, v4  }
0x197: {  	v18 =	vld [tilespmem:s11+$0xFFFFFFD0];
	p0 =	slt.u32 s0, $0x78;
	v19 =	vand.u32 $0xFFF, v6;
	[tilespmem:v10+s2+$0x0] =	vst.idx.msk $0xffff, v4  }
0x198: {  	v20 =	vld [tilespmem:s11+$0xFFFFFFE0];
	v21 =	vand.u32 $0xFFF, v7;
	[tilespmem:v13+s2+$0x0] =	vst.idx.msk $0xffff, v4  }
.Ltmp6:
0x199: {  	v8 =	vld [tilespmem:s11+$0xFFFFFFF0];
	[tilespmem:v14+s2+$0x0] =	vst.idx.msk $0xffff, v4;
	v15 =	vand.u32 $0xFFF, v9;
	(pc) =	sbr.rel @p0 .LBB2_10-.Ltmp6, $4  }
0x19a: {  	v6 =	vld [tilespmem:s11+$0x0];
	v10 =	vand.u32 $0xFFF, v11;
	[tilespmem:v12+s2+$0x0] =	vst.idx.msk $0xffff, v4  }
0x19b: {  	v7 =	vld [tilespmem:s11+$0x10];
	v13 =	vand.u32 $0xFFF, v16;
	[tilespmem:v17+s2+$0x0] =	vst.idx.msk $0xffff, v4  }
0x19c: {  	v14 =	vand.u32 $0xFFF, v18;
	v9 =	vld [tilespmem:s11+$0x20];
	[tilespmem:v19+s2+$0x0] =	vst.idx.msk $0xffff, v4  }
0x19d: {  	v11 =	vld [tilespmem:s11+$0xFFFFFFC0];
	v12 =	vand.u32 $0xFFF, v20;
	s11 =	sadd.s32 $0x80, s11;
	[tilespmem:v21+s2+$0x0] =	vst.idx.msk $0xffff, v4  }
0x19e: {  	_ =	sdelay $0x3  }
0x19f: {  	v8 =	vand.u32 $0xFFF, v8;
	[tilespmem:v15+s2+$0x0] =	vst.idx.msk $0xffff, v4  }
0x1a0: {  	[tilespmem:v10+s2+$0x0] =	vst.idx.msk $0xffff, v4;
	v6 =	vand.u32 $0xFFF, v6  }
0x1a1: {  	[tilespmem:v13+s2+$0x0] =	vst.idx.msk $0xffff, v4;
	v7 =	vand.u32 $0xFFF, v7  }
0x1a2: {  	[tilespmem:v14+s2+$0x0] =	vst.idx.msk $0xffff, v4;
	v9 =	vand.u32 $0xFFF, v9  }
0x1a3: {  	[tilespmem:v12+s2+$0x0] =	vst.idx.msk $0xffff, v4;
	v10 =	vand.u32 $0xFFF, v11  }
0x1a4: {  	[tilespmem:v8+s2+$0x0] =	vst.idx.msk $0xffff, v4  }
0x1a5: {  	[tilespmem:v6+s2+$0x0] =	vst.idx.msk $0xffff, v4  }
0x1a6: {  	[tilespmem:v7+s2+$0x0] =	vst.idx.msk $0xffff, v4  }
0x1a7: {  	[tilespmem:v9+s2+$0x0] =	vst.idx.msk $0xffff, v4  }
0x1a8: {  	s0 =	simm.s32 $0x840;
	[tilespmem:v10+s2+$0x0] =	vst.idx.msk $0xffff, v4  }
0x1a9: {  	v6 =	vld [tilespmem:s0+$0x30]  }
0x1aa: {  	v7 =	vld [tilespmem:s0+$0xFFFFFFD0]  }
0x1ab: {  	v8 =	vld [tilespmem:s0+$0xFFFFFFE0]  }
0x1ac: {  	v9 =	vld [tilespmem:s0+$0xFFFFFFF0]  }
0x1ad: {  	v10 =	vld [tilespmem:s0+$0x0]  }
0x1ae: {  	v11 =	vld [tilespmem:s0+$0x10];
	v6 =	vand.u32 $0xFFF, v6  }
0x1af: {  	v12 =	vld [tilespmem:s0+$0x20];
	v7 =	vand.u32 $0xFFF, v7  }
0x1b0: {  	s11 =	simm.s32 $0x8C0;
	v13 =	vld [tilespmem:s0+$0xFFFFFFC0];
	v14 =	vand.u32 $0xFFF, v8  }
0x1b1: {  	v16 =	vld [tilespmem:s11+$0x30];
	v9 =	vand.u32 $0xFFF, v9  }
0x1b2: {  	v17 =	vld [tilespmem:s11+$0xFFFFFFD0];
	v18 =	vand.u32 $0xFFF, v10  }
0x1b3: {  	v19 =	vld [tilespmem:s11+$0xFFFFFFE0];
	v20 =	vand.u32 $0xFFF, v11;
	[tilespmem:v6+s8+$0x0] =	vst.idx.msk $0xffff, v4  }
0x1b4: {  	v8 =	vld [tilespmem:s11+$0xFFFFFFF0];
	v15 =	vand.u32 $0xFFF, v12;
	[tilespmem:v7+s8+$0x0] =	vst.idx.msk $0xffff, v4  }
0x1b5: {  	v10 =	vand.u32 $0xFFF, v13;
	v6 =	vld [tilespmem:s11+$0x0];
	[tilespmem:v14+s8+$0x0] =	vst.idx.msk $0xffff, v4  }
0x1b6: {  	v13 =	vand.u32 $0xFFF, v16;
	v7 =	vld [tilespmem:s11+$0x10];
	[tilespmem:v9+s8+$0x0] =	vst.idx.msk $0xffff, v4  }
0x1b7: {  	v9 =	vld [tilespmem:s11+$0x20];
	[tilespmem:v18+s8+$0x0] =	vst.idx.msk $0xffff, v4;
	v14 =	vand.u32 $0xFFF, v17  }
0x1b8: {  	s0 =	simm.s32 $0x8;
	v11 =	vld [tilespmem:s11+$0xFFFFFFC0];
	v12 =	vand.u32 $0xFFF, v19;
	s11 =	simm.s32 $0x940;
	[tilespmem:v20+s8+$0x0] =	vst.idx.msk $0xffff, v4  }
.LBB2_12:
0x1b9: {  	v16 =	vld [tilespmem:s11+$0x30];
	s0 =	sadd.s32 $0x8, s0;
	v17 =	vand.u32 $0xFFF, v8;
	[tilespmem:v15+s8+$0x0] =	vst.idx.msk $0xffff, v4  }
0x1ba: {  	v18 =	vld [tilespmem:s11+$0xFFFFFFD0];
	p0 =	slt.u32 s0, $0x78;
	v19 =	vand.u32 $0xFFF, v6;
	[tilespmem:v10+s8+$0x0] =	vst.idx.msk $0xffff, v4  }
0x1bb: {  	v20 =	vld [tilespmem:s11+$0xFFFFFFE0];
	v21 =	vand.u32 $0xFFF, v7;
	[tilespmem:v13+s8+$0x0] =	vst.idx.msk $0xffff, v4  }
.Ltmp7:
0x1bc: {  	v8 =	vld [tilespmem:s11+$0xFFFFFFF0];
	[tilespmem:v14+s8+$0x0] =	vst.idx.msk $0xffff, v4;
	v15 =	vand.u32 $0xFFF, v9;
	(pc) =	sbr.rel @p0 .LBB2_12-.Ltmp7, $4  }
0x1bd: {  	v6 =	vld [tilespmem:s11+$0x0];
	v10 =	vand.u32 $0xFFF, v11;
	[tilespmem:v12+s8+$0x0] =	vst.idx.msk $0xffff, v4  }
0x1be: {  	v7 =	vld [tilespmem:s11+$0x10];
	v13 =	vand.u32 $0xFFF, v16;
	[tilespmem:v17+s8+$0x0] =	vst.idx.msk $0xffff, v4  }
0x1bf: {  	v14 =	vand.u32 $0xFFF, v18;
	v9 =	vld [tilespmem:s11+$0x20];
	[tilespmem:v19+s8+$0x0] =	vst.idx.msk $0xffff, v4  }
0x1c0: {  	v11 =	vld [tilespmem:s11+$0xFFFFFFC0];
	v12 =	vand.u32 $0xFFF, v20;
	s11 =	sadd.s32 $0x80, s11;
	[tilespmem:v21+s8+$0x0] =	vst.idx.msk $0xffff, v4  }
0x1c1: {  	_ =	sdelay $0x3  }
0x1c2: {  	v8 =	vand.u32 $0xFFF, v8;
	[tilespmem:v15+s8+$0x0] =	vst.idx.msk $0xffff, v4  }
0x1c3: {  	[tilespmem:v10+s8+$0x0] =	vst.idx.msk $0xffff, v4;
	v6 =	vand.u32 $0xFFF, v6  }
0x1c4: {  	[tilespmem:v13+s8+$0x0] =	vst.idx.msk $0xffff, v4;
	v7 =	vand.u32 $0xFFF, v7  }
0x1c5: {  	[tilespmem:v14+s8+$0x0] =	vst.idx.msk $0xffff, v4;
	v9 =	vand.u32 $0xFFF, v9  }
0x1c6: {  	[tilespmem:v12+s8+$0x0] =	vst.idx.msk $0xffff, v4;
	v10 =	vand.u32 $0xFFF, v11  }
0x1c7: {  	[tilespmem:v8+s8+$0x0] =	vst.idx.msk $0xffff, v4  }
0x1c8: {  	[tilespmem:v6+s8+$0x0] =	vst.idx.msk $0xffff, v4  }
0x1c9: {  	[tilespmem:v7+s8+$0x0] =	vst.idx.msk $0xffff, v4  }
0x1ca: {  	[tilespmem:v9+s8+$0x0] =	vst.idx.msk $0xffff, v4  }
0x1cb: {  	s0 =	simm.s32 $0x1040;
	[tilespmem:v10+s8+$0x0] =	vst.idx.msk $0xffff, v4  }
0x1cc: {  	v9 =	vld [tilespmem:s0+$0x30]  }
0x1cd: {  	v11 =	vld [tilespmem:s0+$0xFFFFFFD0]  }
0x1ce: {  	p1 =	por $0x1, $0x1;
	v14 =	vld [tilespmem:s0+$0xFFFFFFE0]  }
.Ltmp8:
0x1cf: {  	v10 =	vld [tilespmem:s0+$0xFFFFFFF0];
	(pc) =	sbr.rel @!p1 .LBB2_14-.Ltmp8, $4  }
0x1d0: {  	v7 =	vld [tilespmem:s0+$0x0]  }
0x1d1: {  	v8 =	vld [tilespmem:s0+$0x10]  }
0x1d2: {  	v6 =	vld [tilespmem:s0+$0x20]  }
0x1d3: {  	s11 =	simm.s32 $0x10C0;
	p0 =	por $0x0, $0x0;
	v13 =	vand.u32 $0xFFF, v9;
	v12 =	vand.u32 $0xFFF, v11;
	v9 =	vld [tilespmem:s0+$0xFFFFFFC0];
	v11 =	vand.u32 $0xFFF, v14  }
0x1d4: {  	_ = 	snop  }
0x1d5: {  	v15 =	vand.u32 $0xFFF, v10  }
0x1d6: {  	v16 =	vld [tilespmem:s11+$0x30]  }
0x1d7: {  	v17 =	vld [tilespmem:s11+$0xFFFFFFD0];
	v18 =	vand.u32 $0xFFF, v7  }
0x1d8: {  	v19 =	vld [tilespmem:s11+$0xFFFFFFE0];
	[tilespmem:v13+s1+$0x0] =	vst.idx.msk $0xffff, v4;
	p2 =	por $0x1, $0x1;
	v20 =	vand.u32 $0xFFF, v8  }
.Ltmp9:
0x1d9: {  	v10 =	vld [tilespmem:s11+$0xFFFFFFF0];
	[tilespmem:v12+s1+$0x0] =	vst.idx.msk $0xffff, v4;
	v14 =	vand.u32 $0xFFF, v6;
	(pc) =	sbr.rel @!p2 .LBB2_17-.Ltmp9, $4  }
0x1da: {  	v7 =	vld [tilespmem:s11+$0x0];
	[tilespmem:v15+s1+$0x0] =	vst.idx.msk $0xffff, v4;
	v15 =	vand.u32 $0xFFF, v9  }
0x1db: {  	[tilespmem:v11+s1+$0x0] =	vst.idx.msk $0xffff, v4;
	v8 =	vld [tilespmem:s11+$0x10];
	v13 =	vand.u32 $0xFFF, v16  }
0x1dc: {  	v6 =	vld [tilespmem:s11+$0x20];
	v12 =	vand.u32 $0xFFF, v17;
	[tilespmem:v18+s1+$0x0] =	vst.idx.msk $0xffff, v4  }
0x1dd: {  	s0 =	simm.s32 $0x8;
	p1 =	por $0x1, $0x1;
	v9 =	vld [tilespmem:s11+$0xFFFFFFC0];
	v11 =	vand.u32 $0xFFF, v19;
	s11 =	simm.s32 $0x1140;
	[tilespmem:v20+s1+$0x0] =	vst.idx.msk $0xffff, v4  }
.LBB2_16:
0x1de: {  	v16 =	vld [tilespmem:s11+$0x30];
	s0 =	sadd.s32 $0x8, s0;
	v17 =	vand.u32 $0xFFF, v10;
	[tilespmem:v14+s1+$0x0] =	vst.idx.msk $0xffff, v4  }
0x1df: {  	v18 =	vld [tilespmem:s11+$0xFFFFFFD0];
	p2 =	slt.u32 s0, $0x78;
	v19 =	vand.u32 $0xFFF, v7;
	[tilespmem:v15+s1+$0x0] =	vst.idx.msk $0xffff, v4  }
0x1e0: {  	v20 =	vld [tilespmem:s11+$0xFFFFFFE0];
	v21 =	vand.u32 $0xFFF, v8;
	[tilespmem:v13+s1+$0x0] =	vst.idx.msk $0xffff, v4  }
.Ltmp10:
0x1e1: {  	v10 =	vld [tilespmem:s11+$0xFFFFFFF0];
	[tilespmem:v12+s1+$0x0] =	vst.idx.msk $0xffff, v4;
	v14 =	vand.u32 $0xFFF, v6;
	(pc) =	sbr.rel @p2 .LBB2_16-.Ltmp10, $4  }
0x1e2: {  	v7 =	vld [tilespmem:s11+$0x0];
	v15 =	vand.u32 $0xFFF, v9;
	[tilespmem:v11+s1+$0x0] =	vst.idx.msk $0xffff, v4  }
0x1e3: {  	v8 =	vld [tilespmem:s11+$0x10];
	v13 =	vand.u32 $0xFFF, v16;
	[tilespmem:v17+s1+$0x0] =	vst.idx.msk $0xffff, v4  }
0x1e4: {  	v12 =	vand.u32 $0xFFF, v18;
	v6 =	vld [tilespmem:s11+$0x20];
	[tilespmem:v19+s1+$0x0] =	vst.idx.msk $0xffff, v4  }
0x1e5: {  	v9 =	vld [tilespmem:s11+$0xFFFFFFC0];
	v11 =	vand.u32 $0xFFF, v20;
	s11 =	sadd.s32 $0x80, s11;
	[tilespmem:v21+s1+$0x0] =	vst.idx.msk $0xffff, v4  }
.LBB2_17:
0x1e6: {  	_ =	sdelay $0x3  }
0x1e7: {  	v10 =	vand.u32 $0xFFF, v10;
	[tilespmem:v14+s1+$0x0] =	vst.idx.msk @p1 $0xffff, v4  }
0x1e8: {  	[tilespmem:v15+s1+$0x0] =	vst.idx.msk @p1 $0xffff, v4;
	v7 =	vand.u32 $0xFFF, v7  }
0x1e9: {  	[tilespmem:v13+s1+$0x0] =	vst.idx.msk $0xffff, v4;
	v8 =	vand.u32 $0xFFF, v8  }
0x1ea: {  	[tilespmem:v12+s1+$0x0] =	vst.idx.msk $0xffff, v4;
	v6 =	vand.u32 $0xFFF, v6  }
0x1eb: {  	[tilespmem:v11+s1+$0x0] =	vst.idx.msk $0xffff, v4;
	v9 =	vand.u32 $0xFFF, v9  }
0x1ec: {  	p1 =	por $0x1, $0x1;
	[tilespmem:v10+s1+$0x0] =	vst.idx.msk $0xffff, v4  }
.Ltmp11:
0x1ed: {  	[tilespmem:v7+s1+$0x0] =	vst.idx.msk $0xffff, v4;
	(pc) =	sbr.rel @!p1 .LBB2_18-.Ltmp11, $4  }
0x1ee: {  	[tilespmem:v8+s1+$0x0] =	vst.idx.msk $0xffff, v4  }
0x1ef: {  	[tilespmem:v6+s1+$0x0] =	vst.idx.msk $0xffff, v4  }
0x1f0: {  	s13 =	simm.s32 $0x0;
	[tilespmem:v9+s1+$0x0] =	vst.idx.msk $0xffff, v4  }
0x1f1: {  	s11 =	simm.s32 $0x0;
	v6 =	vld [tilespmem:s13+$0x0]  }
0x1f2: {  	_ =	sdelay $0x3  }
0x1f3: {  	v7 =	vand.u32 $0xFFF, v6;
	_ =	sdelay $0x4  }
0x1f4: {  	v8 =	vld.idx.msk [tilespmem:v7+s2+$0x0], $0xffff  }
0x1f5: {  	v9 =	vld.idx.msk [tilespmem:v7+s8+$0x0], $0xffff;
	_ =	sdelay $0x1  }
0x1f6: {  	v7 =	vld.idx.msk [tilespmem:v7+s1+$0x0], $0xffff;
	_ =	sdelay $0x2  }
0x1f7: {  	v8 =	vmul.f32 v9, v8;
	_ =	sdelay $0x1  }
0x1f8: {  	v7 =	vmul.f32 v7, v8;
	_ =	sdelay $0x1  }
0x1f9: {  	p1 =	por $0x1, $0x1;
	vm0 =	vgt.f32 v7, $5.000000000e-01  }
.Ltmp12:
0x1fa: {  	v7 =	vmpcnt.ones.xlane vm0;
	(pc) =	sbr.rel @!p1 .LBB2_20-.Ltmp12, $4  }
0x1fb: {  	_ = 	snop  }
0x1fc: {  	[tilespmem:s11+$0x4980] =	vst.msk vm0, v6;
	v6 =	vxor.u32 $0x80000000, v7  }
0x1fd: {  	s0 =	simm.s32 $0x10;
	(xrf0) =	vmax.scan.msk.u32 $0xffff, v6  }
0x1fe: {  	s14 =	simm.s32 $0x80;
	p0 =	por $0x1, $0x1;
	v6 =	vld [tilespmem:s0+$0x0];
	s0 =	simm.s32 $0x0  }
.LBB2_21:
0x1ff: {  	p1 =	sne.s32 s14, $0x1FC0;
	_ =	sdelay $0x3  }
0x200: {  	v7 =	vand.u32 $0xFFF, v6;
	v8, _, _ =	vpop (xrf0)  }
0x201: {  	(v2sf) =	vpush v8, $0xF;
	_ =	sdelay $0x3  }
0x202: {  	v8 =	vld.idx.msk [tilespmem:v7+s2+$0x0], $0xffff  }
0x203: {  	v9 =	vld.idx.msk [tilespmem:v7+s8+$0x0], $0xffff;
	_ =	sdelay $0x1  }
0x204: {  	v7 =	vld.idx.msk [tilespmem:v7+s1+$0x0], $0xffff;
	_ =	sdelay $0x3  }
0x205: {  	v8 =	vmul.f32 v9, v8;
	_ =	sdelay $0x1  }
0x206: {  	v7 =	vmul.f32 v7, v8;
	_ =	sdelay $0x1  }
0x207: {  	vm0 =	vgt.f32 v7, $5.000000000e-01;
	s17 =	spop (v2sf)  }
.Ltmp13:
0x208: {  	v7 =	vmpcnt.ones.xlane vm0;
	s0 =	sadd.s32 s17, s0;
	(pc) =	sbr.rel @p1 .LBB2_21-.Ltmp13, $4  }
0x209: {  	s0 =	sadd.s32 $0x80000000, s0  }
0x20a: {  	[tilespmem:s0+$0x4980] =	vst.msk vm0, v6;
	v6 =	vxor.u32 $0x80000000, v7  }
0x20b: {  	s17 =	sshra.s32 s14, $0x2;
	(xrf0) =	vmax.scan.msk.u32 $0xffff, v6  }
0x20c: {  	s14 =	sadd.s32 $0x40, s14;
	v6 =	vld [tilespmem:s17+$0x0]  }
.LBB2_22:
0x20d: {  	_ =	sdelay $0x3  }
0x20e: {  	v7 =	vand.u32 $0xFFF, v6;
	_ =	sdelay $0x4  }
0x20f: {  	v8 =	vld.idx.msk [tilespmem:v7+s2+$0x0], $0xffff  }
0x210: {  	v9 =	vld.idx.msk [tilespmem:v7+s8+$0x0], $0xffff;
	_ =	sdelay $0x1  }
0x211: {  	v7 =	vld.idx.msk [tilespmem:v7+s1+$0x0], $0xffff;
	_ =	sdelay $0x2  }
0x212: {  	v8 =	vmul.f32 v9, v8;
	_ =	sdelay $0x1  }
0x213: {  	v7 =	vmul.f32 v7, v8;
	_ =	sdelay $0x1  }
0x214: {  	vm0 =	vgt.f32 v7, $5.000000000e-01  }
0x215: {  	v7 =	vmpcnt.ones.xlane vm0;
	_ =	sdelay $0x1  }
0x216: {  	v7 =	vxor.u32 $0x80000000, v7  }
0x217: {  	(xrf0) =	vmax.scan.msk.u32 $0xffff, v7;
	_ =	sdelay $0x2  }
0x218: {  	v7, _, _ =	vpop @p0 (xrf0)  }
0x219: {  	(v2sf) =	vpush @p0 v7, $0xF;
	_ =	sdelay $0x1  }
0x21a: {  	v7, _, _ =	vpop (xrf0)  }
0x21b: {  	(v2sf) =	vpush v7, $0xF;
	_ =	sdelay $0xb  }
0x21c: {  	s14 =	spop @p0 (v2sf)  }
0x21d: {  	s0 =	sadd.s32 @p0 s14, s0  }
0x21e: {  	s14 =	simm.s32 $0x0;
	s0 =	sadd.s32 @p0 $0x80000000, s0  }
0x21f: {  	s14 =	smov.u32 @p0 s0;
	s30 =	spop (v2sf)  }
0x220: {  	s0 =	sadd.s32 s30, s14  }
0x221: {  	[tilespmem:s14+$0x4980] =	vst.msk vm0, v6;
	s17 =	sadd.s32 $0x80000000, s0  }
0x222: {  	[tilespmem:s17+$0x4980] =	vst v5  }
0x223: {  	v6 =	vld [tilespmem:s13+$0x800];
	_ =	sdelay $0x4  }
0x224: {  	v7 =	vand.u32 $0xFFF, v6;
	_ =	sdelay $0x4  }
0x225: {  	v8 =	vld.idx.msk [tilespmem:v7+s2+$0x0], $0xffff  }
0x226: {  	v63 =	vld.idx.msk [tilespmem:v7+s8+$0x0], $0xffff;
	_ =	sdelay $0x1  }
0x227: {  	v7 =	vld.idx.msk [tilespmem:v7+s1+$0x0], $0xffff;
	_ =	sdelay $0x2  }
0x228: {  	v8 =	vmul.f32 v63, v8;
	_ =	sdelay $0x1  }
0x229: {  	v7 =	vmul.f32 v7, v8;
	_ =	sdelay $0x1  }
0x22a: {  	vm15 =	vgt.f32 v7, $5.000000000e-01  }
0x22b: {  	v7 =	vmpcnt.ones.xlane vm15;
	_ =	sdelay $0x1  }
0x22c: {  	[tilespmem:s11+$0x5200] =	vst.msk vm15, v6;
	v6 =	vxor.u32 $0x80000000, v7  }
0x22d: {  	s31 =	simm.s32 $0x10;
	(xrf0) =	vmax.scan.msk.u32 $0xffff, v6  }
0x22e: {  	s0 =	simm.s32 $0x80;
	v6 =	vld [tilespmem:s31+$0x800]  }
.LBB2_23:
0x22f: {  	p0 =	sne.s32 s0, $0x1FC0;
	_ =	sdelay $0x3  }
0x230: {  	v7 =	vand.u32 $0xFFF, v6;
	v8, _, _ =	vpop (xrf0)  }
0x231: {  	(v2sf) =	vpush v8, $0xF;
	_ =	sdelay $0x3  }
0x232: {  	v8 =	vld.idx.msk [tilespmem:v7+s2+$0x0], $0xffff  }
0x233: {  	v9 =	vld.idx.msk [tilespmem:v7+s8+$0x0], $0xffff;
	_ =	sdelay $0x1  }
0x234: {  	v7 =	vld.idx.msk [tilespmem:v7+s1+$0x0], $0xffff;
	_ =	sdelay $0x3  }
0x235: {  	v8 =	vmul.f32 v9, v8;
	_ =	sdelay $0x1  }
0x236: {  	v7 =	vmul.f32 v7, v8;
	_ =	sdelay $0x1  }
0x237: {  	vm0 =	vgt.f32 v7, $5.000000000e-01;
	s13 =	spop (v2sf)  }
.Ltmp14:
0x238: {  	v7 =	vmpcnt.ones.xlane vm0;
	s11 =	sadd.s32 s13, s11;
	(pc) =	sbr.rel @p0 .LBB2_23-.Ltmp14, $4  }
0x239: {  	s11 =	sadd.s32 $0x80000000, s11  }
0x23a: {  	[tilespmem:s11+$0x5200] =	vst.msk vm0, v6;
	v6 =	vxor.u32 $0x80000000, v7  }
0x23b: {  	s13 =	sshra.s32 s0, $0x2;
	(xrf0) =	vmax.scan.msk.u32 $0xffff, v6  }
0x23c: {  	s0 =	sadd.s32 $0x40, s0;
	v6 =	vld [tilespmem:s13+$0x800]  }
0x23d: {  	_ =	sdelay $0x3  }
0x23e: {  	v7 =	vand.u32 $0xFFF, v6;
	_ =	sdelay $0x4  }
0x23f: {  	v8 =	vld.idx.msk [tilespmem:v7+s2+$0x0], $0xffff  }
0x240: {  	v9 =	vld.idx.msk [tilespmem:v7+s8+$0x0], $0xffff;
	_ =	sdelay $0x1  }
0x241: {  	v7 =	vld.idx.msk [tilespmem:v7+s1+$0x0], $0xffff;
	_ =	sdelay $0x2  }
0x242: {  	v8 =	vmul.f32 v9, v8;
	_ =	sdelay $0x1  }
0x243: {  	v7 =	vmul.f32 v7, v8;
	_ =	sdelay $0x1  }
0x244: {  	vm0 =	vgt.f32 v7, $5.000000000e-01  }
0x245: {  	v7 =	vmpcnt.ones.xlane vm0;
	_ =	sdelay $0x1  }
0x246: {  	v7 =	vxor.u32 $0x80000000, v7  }
0x247: {  	(xrf0) =	vmax.scan.msk.u32 $0xffff, v7;
	_ =	sdelay $0x3  }
0x248: {  	v7, _, _ =	vpop (xrf0)  }
0x249: {  	(v2sf) =	vpush v7, $0xF  }
0x24a: {  	v7, _, _ =	vpop (xrf0)  }
0x24b: {  	(v2sf) =	vpush v7, $0xF;
	_ =	sdelay $0xc  }
0x24c: {  	s0 =	spop (v2sf)  }
0x24d: {  	s0 =	sadd.s32 s0, s11  }
0x24e: {  	s0 =	sadd.s32 $0x80000000, s0;
	s29 =	spop (v2sf)  }
0x24f: {  	s11 =	sadd.s32 s29, s0  }
0x250: {  	[tilespmem:s0+$0x5200] =	vst.msk vm0, v6;
	s19 =	sadd.s32 $0x80000000, s11  }
0x251: {  	s30 =	simm.s32 $0x0;
	[tilespmem:s19+$0x5200] =	vst v5  }
0x252: {  	v6 =	vld [tilespmem:s30+$0x1000];
	_ =	sdelay $0x4  }
0x253: {  	v7 =	vand.u32 $0xFFF, v6;
	_ =	sdelay $0x4  }
0x254: {  	v8 =	vld.idx.msk [tilespmem:v7+s2+$0x0], $0xffff  }
0x255: {  	v63 =	vld.idx.msk [tilespmem:v7+s8+$0x0], $0xffff;
	_ =	sdelay $0x1  }
0x256: {  	v7 =	vld.idx.msk [tilespmem:v7+s1+$0x0], $0xffff;
	_ =	sdelay $0x2  }
0x257: {  	v8 =	vmul.f32 v63, v8;
	_ =	sdelay $0x1  }
0x258: {  	v7 =	vmul.f32 v7, v8;
	_ =	sdelay $0x1  }
0x259: {  	vm15 =	vgt.f32 v7, $5.000000000e-01  }
0x25a: {  	v7 =	vmpcnt.ones.xlane vm15  }
0x25b: {  	s0 =	simm.s32 $0x0  }
0x25c: {  	[tilespmem:s0+$0x5A80] =	vst.msk vm15, v6;
	v6 =	vxor.u32 $0x80000000, v7  }
0x25d: {  	s31 =	simm.s32 $0x10;
	(xrf0) =	vmax.scan.msk.u32 $0xffff, v6  }
0x25e: {  	s11 =	simm.s32 $0x80;
	v6 =	vld [tilespmem:s31+$0x1000]  }
.LBB2_25:
0x25f: {  	p0 =	sne.s32 s11, $0x1FC0;
	_ =	sdelay $0x3  }
0x260: {  	v7 =	vand.u32 $0xFFF, v6;
	v8, _, _ =	vpop (xrf0)  }
0x261: {  	(v2sf) =	vpush v8, $0xF;
	_ =	sdelay $0x3  }
0x262: {  	v8 =	vld.idx.msk [tilespmem:v7+s2+$0x0], $0xffff  }
0x263: {  	v9 =	vld.idx.msk [tilespmem:v7+s8+$0x0], $0xffff;
	_ =	sdelay $0x1  }
0x264: {  	v7 =	vld.idx.msk [tilespmem:v7+s1+$0x0], $0xffff;
	_ =	sdelay $0x3  }
0x265: {  	v8 =	vmul.f32 v9, v8;
	_ =	sdelay $0x1  }
0x266: {  	v7 =	vmul.f32 v7, v8;
	_ =	sdelay $0x1  }
0x267: {  	vm0 =	vgt.f32 v7, $5.000000000e-01;
	s13 =	spop (v2sf)  }
.Ltmp15:
0x268: {  	v7 =	vmpcnt.ones.xlane vm0;
	s0 =	sadd.s32 s13, s0;
	(pc) =	sbr.rel @p0 .LBB2_25-.Ltmp15, $4  }
0x269: {  	s0 =	sadd.s32 $0x80000000, s0  }
0x26a: {  	[tilespmem:s0+$0x5A80] =	vst.msk vm0, v6;
	v6 =	vxor.u32 $0x80000000, v7  }
0x26b: {  	s13 =	sshra.s32 s11, $0x2;
	(xrf0) =	vmax.scan.msk.u32 $0xffff, v6  }
0x26c: {  	s11 =	sadd.s32 $0x40, s11;
	v6 =	vld [tilespmem:s13+$0x1000]  }
0x26d: {  	_ =	sdelay $0x3  }
0x26e: {  	v7 =	vand.u32 $0xFFF, v6;
	_ =	sdelay $0x4  }
0x26f: {  	v8 =	vld.idx.msk [tilespmem:v7+s2+$0x0], $0xffff  }
0x270: {  	v9 =	vld.idx.msk [tilespmem:v7+s8+$0x0], $0xffff;
	_ =	sdelay $0x1  }
0x271: {  	v7 =	vld.idx.msk [tilespmem:v7+s1+$0x0], $0xffff;
	_ =	sdelay $0x2  }
0x272: {  	v8 =	vmul.f32 v9, v8;
	_ =	sdelay $0x1  }
0x273: {  	v7 =	vmul.f32 v7, v8;
	_ =	sdelay $0x1  }
0x274: {  	vm0 =	vgt.f32 v7, $5.000000000e-01  }
0x275: {  	v7 =	vmpcnt.ones.xlane vm0;
	_ =	sdelay $0x1  }
0x276: {  	v7 =	vxor.u32 $0x80000000, v7  }
0x277: {  	(xrf0) =	vmax.scan.msk.u32 $0xffff, v7;
	_ =	sdelay $0x3  }
0x278: {  	v7, _, _ =	vpop (xrf0)  }
0x279: {  	(v2sf) =	vpush v7, $0xF  }
0x27a: {  	v7, _, _ =	vpop (xrf0)  }
0x27b: {  	(v2sf) =	vpush v7, $0xF;
	_ =	sdelay $0xc  }
0x27c: {  	s11 =	spop (v2sf)  }
0x27d: {  	s0 =	sadd.s32 s11, s0  }
0x27e: {  	s0 =	sadd.s32 $0x80000000, s0;
	s30 =	spop (v2sf)  }
0x27f: {  	s11 =	sadd.s32 s30, s0  }
0x280: {  	[tilespmem:s0+$0x5A80] =	vst.msk vm0, v6;
	s11 =	sadd.s32 $0x80000000, s11  }
0x281: {  	s31 =	simm.s32 $0x2880;
	[tilespmem:s11+$0x5A80] =	vst v5  }
0x282: {  	s13 =	simm.s32 $0x1800;
	v6 =	vld [tilespmem:s31+$0x0]  }
0x283: {  	v7 =	vld [tilespmem:s13+$0x0]  }
0x284: {  	s0 =	simm.s32 $0x3900  }
0x285: {  	v8 =	vld [tilespmem:s0+$0x0];
	_ =	sdelay $0x2  }
0x286: {  	v6 =	vmul.f32 v6, v7;
	_ =	sdelay $0x1  }
0x287: {  	v6 =	vmul.f32 v8, v6;
	_ =	sdelay $0x1  }
0x288: {  	vm15 =	vgt.f32 v6, $5.000000000e-01  }
0x289: {  	v6 =	vmpcnt.ones.xlane vm15;
	_ =	sdelay $0x1  }
0x28a: {  	v6 =	vxor.u32 $0x80000000, v6  }
0x28b: {  	(xrf0) =	vmax.scan.msk.u32 $0xffff, v6;
	_ =	sdelay $0x2  }
0x28c: {  	s13 =	simm.s32 $0x0  }
0x28d: {  	v6 =	vor.u32 s13, v0  }
0x28e: {  	s18 =	simm.s32 $0x2890;
	[tilespmem:s13+$0x6300] =	vst.msk vm15, v6  }
0x28f: {  	s20 =	simm.s32 $0x1810;
	v6 =	vld [tilespmem:s18+$0x0];
	v8, _, _ =	vpop (xrf0)  }
0x290: {  	s14 =	simm.s32 $0x10;
	s21 =	simm.s32 $0x20;
	v7 =	vld [tilespmem:s20+$0x0];
	(v2sf) =	vpush v8, $0xF  }
.LBB2_27:
0x291: {  	p0 =	sne.s32 s21, $0xFF0;
	s0 =	sadd.s32 $0x10, s0  }
0x292: {  	v8 =	vld [tilespmem:s0+$0x0];
	_ =	sdelay $0x2  }
0x293: {  	v6 =	vmul.f32 v6, v7;
	_ =	sdelay $0x1  }
0x294: {  	v6 =	vmul.f32 v8, v6;
	_ =	sdelay $0x1  }
0x295: {  	vm0 =	vgt.f32 v6, $5.000000000e-01  }
0x296: {  	v6 =	vmpcnt.ones.xlane vm0;
	_ =	sdelay $0x1  }
0x297: {  	v6 =	vxor.u32 $0x80000000, v6  }
0x298: {  	(xrf0) =	vmax.scan.msk.u32 $0xffff, v6;
	_ =	sdelay $0x1  }
0x299: {  	s22 =	spop (v2sf)  }
.Ltmp16:
0x29a: {  	s13 =	sadd.s32 s22, s13;
	(pc) =	sbr.rel @p0 .LBB2_27-.Ltmp16, $4  }
0x29b: {  	v6 =	vor.u32 s14, v0;
	s14 =	smov.u32 s21;
	s13 =	sadd.s32 $0x80000000, s13  }
0x29c: {  	s18 =	sadd.s32 $0x10, s18;
	[tilespmem:s13+$0x6300] =	vst.msk vm0, v6  }
0x29d: {  	s20 =	sadd.s32 $0x10, s20;
	v6 =	vld [tilespmem:s18+$0x0];
	v8, _, _ =	vpop (xrf0)  }
0x29e: {  	s21 =	sadd.s32 $0x10, s21;
	v7 =	vld [tilespmem:s20+$0x0];
	(v2sf) =	vpush v8, $0xF  }
0x29f: {  	s0 =	sadd.s32 $0x10, s0  }
0x2a0: {  	v8 =	vld [tilespmem:s0+$0x0];
	_ =	sdelay $0x2  }
0x2a1: {  	v6 =	vmul.f32 v6, v7;
	_ =	sdelay $0x1  }
0x2a2: {  	v6 =	vmul.f32 v8, v6;
	_ =	sdelay $0x1  }
0x2a3: {  	vm0 =	vgt.f32 v6, $5.000000000e-01  }
0x2a4: {  	v6 =	vmpcnt.ones.xlane vm0;
	_ =	sdelay $0x1  }
0x2a5: {  	v6 =	vxor.u32 $0x80000000, v6  }
0x2a6: {  	(xrf0) =	vmax.scan.msk.u32 $0xffff, v6;
	_ =	sdelay $0x5  }
0x2a7: {  	v6, _, _ =	vpop (xrf0)  }
0x2a8: {  	(v2sf) =	vpush v6, $0xF;
	_ =	sdelay $0xc  }
0x2a9: {  	s28 =	spop (v2sf)  }
0x2aa: {  	s0 =	sadd.s32 s28, s13  }
0x2ab: {  	s0 =	sadd.s32 $0x80000000, s0;
	s29 =	spop (v2sf)  }
0x2ac: {  	v6 =	vor.u32 s14, v0;
	s13 =	sadd.s32 s29, s0  }
0x2ad: {  	[tilespmem:s0+$0x6300] =	vst.msk vm0, v6;
	s13 =	sadd.s32 $0x80000000, s13  }
0x2ae: {  	s30 =	simm.s32 $0x40;
	[tilespmem:s13+$0x6300] =	vst v5  }
0x2af: {  	v6 =	vld [tilespmem:s30+$0x30]  }
0x2b0: {  	v7 =	vld [tilespmem:s30+$0xFFFFFFD0]  }
0x2b1: {  	v8 =	vld [tilespmem:s30+$0xFFFFFFE0]  }
0x2b2: {  	v9 =	vld [tilespmem:s30+$0xFFFFFFF0]  }
0x2b3: {  	v10 =	vld [tilespmem:s30+$0x0]  }
0x2b4: {  	v11 =	vld [tilespmem:s30+$0x10];
	v6 =	vand.u32 $0xFFF, v6  }
0x2b5: {  	v12 =	vld [tilespmem:s30+$0x20];
	v7 =	vand.u32 $0xFFF, v7  }
0x2b6: {  	s31 =	simm.s32 $0xC0;
	v13 =	vld [tilespmem:s30+$0xFFFFFFC0];
	v14 =	vand.u32 $0xFFF, v8  }
0x2b7: {  	v16 =	vld [tilespmem:s31+$0x30];
	v9 =	vand.u32 $0xFFF, v9  }
0x2b8: {  	v17 =	vld [tilespmem:s31+$0xFFFFFFD0];
	v18 =	vand.u32 $0xFFF, v10  }
0x2b9: {  	v19 =	vld [tilespmem:s31+$0xFFFFFFE0];
	v20 =	vand.u32 $0xFFF, v11;
	[tilespmem:v6+s2+$0x0] =	vst.idx.msk $0xffff, v3  }
0x2ba: {  	v8 =	vld [tilespmem:s31+$0xFFFFFFF0];
	v15 =	vand.u32 $0xFFF, v12;
	[tilespmem:v7+s2+$0x0] =	vst.idx.msk $0xffff, v3  }
0x2bb: {  	v10 =	vand.u32 $0xFFF, v13;
	v6 =	vld [tilespmem:s31+$0x0];
	[tilespmem:v14+s2+$0x0] =	vst.idx.msk $0xffff, v3  }
0x2bc: {  	v13 =	vand.u32 $0xFFF, v16;
	v7 =	vld [tilespmem:s31+$0x10];
	[tilespmem:v9+s2+$0x0] =	vst.idx.msk $0xffff, v3  }
0x2bd: {  	v9 =	vld [tilespmem:s31+$0x20];
	[tilespmem:v18+s2+$0x0] =	vst.idx.msk $0xffff, v3;
	v14 =	vand.u32 $0xFFF, v17  }
0x2be: {  	s14 =	simm.s32 $0x140;
	s0 =	simm.s32 $0x8;
	v11 =	vld [tilespmem:s31+$0xFFFFFFC0];
	v12 =	vand.u32 $0xFFF, v19;
	[tilespmem:v20+s2+$0x0] =	vst.idx.msk $0xffff, v3  }
.LBB2_29:
0x2bf: {  	v16 =	vld [tilespmem:s14+$0x30];
	s0 =	sadd.s32 $0x8, s0;
	v17 =	vand.u32 $0xFFF, v8;
	[tilespmem:v15+s2+$0x0] =	vst.idx.msk $0xffff, v3  }
0x2c0: {  	v18 =	vld [tilespmem:s14+$0xFFFFFFD0];
	p0 =	slt.u32 s0, $0x78;
	v19 =	vand.u32 $0xFFF, v6;
	[tilespmem:v10+s2+$0x0] =	vst.idx.msk $0xffff, v3  }
0x2c1: {  	v20 =	vld [tilespmem:s14+$0xFFFFFFE0];
	v21 =	vand.u32 $0xFFF, v7;
	[tilespmem:v13+s2+$0x0] =	vst.idx.msk $0xffff, v3  }
.Ltmp17:
0x2c2: {  	v8 =	vld [tilespmem:s14+$0xFFFFFFF0];
	[tilespmem:v14+s2+$0x0] =	vst.idx.msk $0xffff, v3;
	v15 =	vand.u32 $0xFFF, v9;
	(pc) =	sbr.rel @p0 .LBB2_29-.Ltmp17, $4  }
0x2c3: {  	v6 =	vld [tilespmem:s14+$0x0];
	v10 =	vand.u32 $0xFFF, v11;
	[tilespmem:v12+s2+$0x0] =	vst.idx.msk $0xffff, v3  }
0x2c4: {  	v7 =	vld [tilespmem:s14+$0x10];
	v13 =	vand.u32 $0xFFF, v16;
	[tilespmem:v17+s2+$0x0] =	vst.idx.msk $0xffff, v3  }
0x2c5: {  	v14 =	vand.u32 $0xFFF, v18;
	v9 =	vld [tilespmem:s14+$0x20];
	[tilespmem:v19+s2+$0x0] =	vst.idx.msk $0xffff, v3  }
0x2c6: {  	v11 =	vld [tilespmem:s14+$0xFFFFFFC0];
	v12 =	vand.u32 $0xFFF, v20;
	s14 =	sadd.s32 $0x80, s14;
	[tilespmem:v21+s2+$0x0] =	vst.idx.msk $0xffff, v3  }
0x2c7: {  	_ =	sdelay $0x3  }
0x2c8: {  	v8 =	vand.u32 $0xFFF, v8;
	[tilespmem:v15+s2+$0x0] =	vst.idx.msk $0xffff, v3  }
0x2c9: {  	[tilespmem:v10+s2+$0x0] =	vst.idx.msk $0xffff, v3;
	v6 =	vand.u32 $0xFFF, v6  }
0x2ca: {  	[tilespmem:v13+s2+$0x0] =	vst.idx.msk $0xffff, v3;
	v7 =	vand.u32 $0xFFF, v7  }
0x2cb: {  	[tilespmem:v14+s2+$0x0] =	vst.idx.msk $0xffff, v3;
	v9 =	vand.u32 $0xFFF, v9  }
0x2cc: {  	[tilespmem:v12+s2+$0x0] =	vst.idx.msk $0xffff, v3;
	v10 =	vand.u32 $0xFFF, v11  }
0x2cd: {  	[tilespmem:v8+s2+$0x0] =	vst.idx.msk $0xffff, v3  }
0x2ce: {  	[tilespmem:v6+s2+$0x0] =	vst.idx.msk $0xffff, v3  }
0x2cf: {  	[tilespmem:v7+s2+$0x0] =	vst.idx.msk $0xffff, v3  }
0x2d0: {  	[tilespmem:v9+s2+$0x0] =	vst.idx.msk $0xffff, v3  }
0x2d1: {  	s0 =	simm.s32 $0x840;
	[tilespmem:v10+s2+$0x0] =	vst.idx.msk $0xffff, v3  }
0x2d2: {  	v6 =	vld [tilespmem:s0+$0x30]  }
0x2d3: {  	v7 =	vld [tilespmem:s0+$0xFFFFFFD0]  }
0x2d4: {  	v8 =	vld [tilespmem:s0+$0xFFFFFFE0]  }
0x2d5: {  	v9 =	vld [tilespmem:s0+$0xFFFFFFF0]  }
0x2d6: {  	v10 =	vld [tilespmem:s0+$0x0]  }
0x2d7: {  	v11 =	vld [tilespmem:s0+$0x10];
	v6 =	vand.u32 $0xFFF, v6  }
0x2d8: {  	v12 =	vld [tilespmem:s0+$0x20];
	v7 =	vand.u32 $0xFFF, v7  }
0x2d9: {  	s14 =	simm.s32 $0x8C0;
	v13 =	vld [tilespmem:s0+$0xFFFFFFC0];
	v14 =	vand.u32 $0xFFF, v8  }
0x2da: {  	v16 =	vld [tilespmem:s14+$0x30];
	v9 =	vand.u32 $0xFFF, v9  }
0x2db: {  	v17 =	vld [tilespmem:s14+$0xFFFFFFD0];
	v18 =	vand.u32 $0xFFF, v10  }
0x2dc: {  	v19 =	vld [tilespmem:s14+$0xFFFFFFE0];
	v20 =	vand.u32 $0xFFF, v11;
	[tilespmem:v6+s8+$0x0] =	vst.idx.msk $0xffff, v3  }
0x2dd: {  	v8 =	vld [tilespmem:s14+$0xFFFFFFF0];
	v15 =	vand.u32 $0xFFF, v12;
	[tilespmem:v7+s8+$0x0] =	vst.idx.msk $0xffff, v3  }
0x2de: {  	v10 =	vand.u32 $0xFFF, v13;
	v6 =	vld [tilespmem:s14+$0x0];
	[tilespmem:v14+s8+$0x0] =	vst.idx.msk $0xffff, v3  }
0x2df: {  	v13 =	vand.u32 $0xFFF, v16;
	v7 =	vld [tilespmem:s14+$0x10];
	[tilespmem:v9+s8+$0x0] =	vst.idx.msk $0xffff, v3  }
0x2e0: {  	v9 =	vld [tilespmem:s14+$0x20];
	[tilespmem:v18+s8+$0x0] =	vst.idx.msk $0xffff, v3;
	v14 =	vand.u32 $0xFFF, v17  }
0x2e1: {  	s0 =	simm.s32 $0x8;
	v11 =	vld [tilespmem:s14+$0xFFFFFFC0];
	v12 =	vand.u32 $0xFFF, v19;
	s14 =	simm.s32 $0x940;
	[tilespmem:v20+s8+$0x0] =	vst.idx.msk $0xffff, v3  }
.LBB2_31:
0x2e2: {  	v16 =	vld [tilespmem:s14+$0x30];
	s0 =	sadd.s32 $0x8, s0;
	v17 =	vand.u32 $0xFFF, v8;
	[tilespmem:v15+s8+$0x0] =	vst.idx.msk $0xffff, v3  }
0x2e3: {  	v18 =	vld [tilespmem:s14+$0xFFFFFFD0];
	p0 =	slt.u32 s0, $0x78;
	v19 =	vand.u32 $0xFFF, v6;
	[tilespmem:v10+s8+$0x0] =	vst.idx.msk $0xffff, v3  }
0x2e4: {  	v20 =	vld [tilespmem:s14+$0xFFFFFFE0];
	v21 =	vand.u32 $0xFFF, v7;
	[tilespmem:v13+s8+$0x0] =	vst.idx.msk $0xffff, v3  }
.Ltmp18:
0x2e5: {  	v8 =	vld [tilespmem:s14+$0xFFFFFFF0];
	[tilespmem:v14+s8+$0x0] =	vst.idx.msk $0xffff, v3;
	v15 =	vand.u32 $0xFFF, v9;
	(pc) =	sbr.rel @p0 .LBB2_31-.Ltmp18, $4  }
0x2e6: {  	v6 =	vld [tilespmem:s14+$0x0];
	v10 =	vand.u32 $0xFFF, v11;
	[tilespmem:v12+s8+$0x0] =	vst.idx.msk $0xffff, v3  }
0x2e7: {  	v7 =	vld [tilespmem:s14+$0x10];
	v13 =	vand.u32 $0xFFF, v16;
	[tilespmem:v17+s8+$0x0] =	vst.idx.msk $0xffff, v3  }
0x2e8: {  	v14 =	vand.u32 $0xFFF, v18;
	v9 =	vld [tilespmem:s14+$0x20];
	[tilespmem:v19+s8+$0x0] =	vst.idx.msk $0xffff, v3  }
0x2e9: {  	v11 =	vld [tilespmem:s14+$0xFFFFFFC0];
	v12 =	vand.u32 $0xFFF, v20;
	s14 =	sadd.s32 $0x80, s14;
	[tilespmem:v21+s8+$0x0] =	vst.idx.msk $0xffff, v3  }
0x2ea: {  	_ =	sdelay $0x3  }
0x2eb: {  	v8 =	vand.u32 $0xFFF, v8;
	[tilespmem:v15+s8+$0x0] =	vst.idx.msk $0xffff, v3  }
0x2ec: {  	[tilespmem:v10+s8+$0x0] =	vst.idx.msk $0xffff, v3;
	v6 =	vand.u32 $0xFFF, v6  }
0x2ed: {  	[tilespmem:v13+s8+$0x0] =	vst.idx.msk $0xffff, v3;
	v7 =	vand.u32 $0xFFF, v7  }
0x2ee: {  	[tilespmem:v14+s8+$0x0] =	vst.idx.msk $0xffff, v3;
	v9 =	vand.u32 $0xFFF, v9  }
0x2ef: {  	[tilespmem:v12+s8+$0x0] =	vst.idx.msk $0xffff, v3;
	v10 =	vand.u32 $0xFFF, v11  }
0x2f0: {  	[tilespmem:v8+s8+$0x0] =	vst.idx.msk $0xffff, v3  }
0x2f1: {  	[tilespmem:v6+s8+$0x0] =	vst.idx.msk $0xffff, v3  }
0x2f2: {  	[tilespmem:v7+s8+$0x0] =	vst.idx.msk $0xffff, v3  }
0x2f3: {  	[tilespmem:v9+s8+$0x0] =	vst.idx.msk $0xffff, v3  }
0x2f4: {  	s0 =	simm.s32 $0x1040;
	[tilespmem:v10+s8+$0x0] =	vst.idx.msk $0xffff, v3  }
0x2f5: {  	v9 =	vld [tilespmem:s0+$0x30]  }
0x2f6: {  	v11 =	vld [tilespmem:s0+$0xFFFFFFD0]  }
0x2f7: {  	p1 =	por $0x1, $0x1;
	v14 =	vld [tilespmem:s0+$0xFFFFFFE0]  }
.Ltmp19:
0x2f8: {  	v10 =	vld [tilespmem:s0+$0xFFFFFFF0];
	(pc) =	sbr.rel @!p1 .LBB2_33-.Ltmp19, $4  }
0x2f9: {  	v7 =	vld [tilespmem:s0+$0x0]  }
0x2fa: {  	v8 =	vld [tilespmem:s0+$0x10]  }
0x2fb: {  	v6 =	vld [tilespmem:s0+$0x20]  }
0x2fc: {  	s18 =	simm.s32 $0x0;
	s14 =	simm.s32 $0x10C0;
	p0 =	por $0x0, $0x0;
	v13 =	vand.u32 $0xFFF, v9;
	v12 =	vand.u32 $0xFFF, v11;
	v9 =	vld [tilespmem:s0+$0xFFFFFFC0];
	v11 =	vand.u32 $0xFFF, v14  }
0x2fd: {  	_ = 	snop  }
0x2fe: {  	v15 =	vand.u32 $0xFFF, v10  }
0x2ff: {  	v16 =	vld [tilespmem:s14+$0x30]  }
0x300: {  	v17 =	vld [tilespmem:s14+$0xFFFFFFD0];
	v18 =	vand.u32 $0xFFF, v7  }
0x301: {  	v19 =	vld [tilespmem:s14+$0xFFFFFFE0];
	[tilespmem:v13+s1+$0x0] =	vst.idx.msk $0xffff, v3;
	p1 =	por $0x1, $0x1;
	v20 =	vand.u32 $0xFFF, v8  }
.Ltmp20:
0x302: {  	v10 =	vld [tilespmem:s14+$0xFFFFFFF0];
	[tilespmem:v12+s1+$0x0] =	vst.idx.msk $0xffff, v3;
	v14 =	vand.u32 $0xFFF, v6;
	(pc) =	sbr.rel @!p1 .LBB2_36-.Ltmp20, $4  }
0x303: {  	v7 =	vld [tilespmem:s14+$0x0];
	[tilespmem:v15+s1+$0x0] =	vst.idx.msk $0xffff, v3;
	v15 =	vand.u32 $0xFFF, v9  }
0x304: {  	[tilespmem:v11+s1+$0x0] =	vst.idx.msk $0xffff, v3;
	v8 =	vld [tilespmem:s14+$0x10];
	v13 =	vand.u32 $0xFFF, v16  }
0x305: {  	v6 =	vld [tilespmem:s14+$0x20];
	v12 =	vand.u32 $0xFFF, v17;
	[tilespmem:v18+s1+$0x0] =	vst.idx.msk $0xffff, v3  }
0x306: {  	s0 =	simm.s32 $0x8;
	p0 =	por $0x1, $0x1;
	v9 =	vld [tilespmem:s14+$0xFFFFFFC0];
	v11 =	vand.u32 $0xFFF, v19;
	s14 =	simm.s32 $0x1140;
	[tilespmem:v20+s1+$0x0] =	vst.idx.msk $0xffff, v3  }
.LBB2_35:
0x307: {  	v16 =	vld [tilespmem:s14+$0x30];
	s0 =	sadd.s32 $0x8, s0;
	v17 =	vand.u32 $0xFFF, v10;
	[tilespmem:v14+s1+$0x0] =	vst.idx.msk $0xffff, v3  }
0x308: {  	v18 =	vld [tilespmem:s14+$0xFFFFFFD0];
	p1 =	slt.u32 s0, $0x78;
	v19 =	vand.u32 $0xFFF, v7;
	[tilespmem:v15+s1+$0x0] =	vst.idx.msk $0xffff, v3  }
0x309: {  	v20 =	vld [tilespmem:s14+$0xFFFFFFE0];
	v21 =	vand.u32 $0xFFF, v8;
	[tilespmem:v13+s1+$0x0] =	vst.idx.msk $0xffff, v3  }
.Ltmp21:
0x30a: {  	v10 =	vld [tilespmem:s14+$0xFFFFFFF0];
	[tilespmem:v12+s1+$0x0] =	vst.idx.msk $0xffff, v3;
	v14 =	vand.u32 $0xFFF, v6;
	(pc) =	sbr.rel @p1 .LBB2_35-.Ltmp21, $4  }
0x30b: {  	v7 =	vld [tilespmem:s14+$0x0];
	v15 =	vand.u32 $0xFFF, v9;
	[tilespmem:v11+s1+$0x0] =	vst.idx.msk $0xffff, v3  }
0x30c: {  	v8 =	vld [tilespmem:s14+$0x10];
	v13 =	vand.u32 $0xFFF, v16;
	[tilespmem:v17+s1+$0x0] =	vst.idx.msk $0xffff, v3  }
0x30d: {  	v12 =	vand.u32 $0xFFF, v18;
	v6 =	vld [tilespmem:s14+$0x20];
	[tilespmem:v19+s1+$0x0] =	vst.idx.msk $0xffff, v3  }
0x30e: {  	v9 =	vld [tilespmem:s14+$0xFFFFFFC0];
	v11 =	vand.u32 $0xFFF, v20;
	s14 =	sadd.s32 $0x80, s14;
	[tilespmem:v21+s1+$0x0] =	vst.idx.msk $0xffff, v3  }
.LBB2_36:
0x30f: {  	_ =	sdelay $0x3  }
0x310: {  	v10 =	vand.u32 $0xFFF, v10;
	[tilespmem:v14+s1+$0x0] =	vst.idx.msk @p0 $0xffff, v3  }
0x311: {  	[tilespmem:v15+s1+$0x0] =	vst.idx.msk @p0 $0xffff, v3;
	v7 =	vand.u32 $0xFFF, v7  }
0x312: {  	[tilespmem:v13+s1+$0x0] =	vst.idx.msk $0xffff, v3;
	v8 =	vand.u32 $0xFFF, v8  }
0x313: {  	[tilespmem:v12+s1+$0x0] =	vst.idx.msk $0xffff, v3;
	v6 =	vand.u32 $0xFFF, v6  }
0x314: {  	[tilespmem:v11+s1+$0x0] =	vst.idx.msk $0xffff, v3;
	v9 =	vand.u32 $0xFFF, v9  }
0x315: {  	[tilespmem:v10+s1+$0x0] =	vst.idx.msk $0xffff, v3  }
0x316: {  	[tilespmem:v7+s1+$0x0] =	vst.idx.msk $0xffff, v3  }
0x317: {  	[tilespmem:v8+s1+$0x0] =	vst.idx.msk $0xffff, v3  }
0x318: {  	[tilespmem:v6+s1+$0x0] =	vst.idx.msk $0xffff, v3  }
0x319: {  	s14 =	simm.s32 $0xEBC0;
	[tilespmem:v9+s1+$0x0] =	vst.idx.msk $0xffff, v3  }
0x31a: {  	[tilespmem:s14+$0xFFFFFFC0] =	vst v3  }
0x31b: {  	p0 =	por $0x1, $0x1;
	[tilespmem:s14+$0x30] =	vst v3  }
.Ltmp22:
0x31c: {  	[tilespmem:s14+$0x20] =	vst v3;
	(pc) =	sbr.rel @!p0 .LBB2_38-.Ltmp22, $4  }
0x31d: {  	[tilespmem:s14+$0x10] =	vst v3  }
0x31e: {  	[tilespmem:s14+$0x0] =	vst v3  }
0x31f: {  	[tilespmem:s14+$0xFFFFFFF0] =	vst v3  }
0x320: {  	s0 =	simm.s32 $0xEC70;
	[tilespmem:s14+$0xFFFFFFE0] =	vst v3  }
.LBB2_37:
0x321: {  	s18 =	sadd.s32 $0x8, s18;
	[tilespmem:s14+$0xFFFFFFD0] =	vst v3;
	s14 =	sadd.s32 $0x400, s14  }
0x322: {  	[tilespmem:s14+$0xFFFFFFC0] =	vst v3;
	p0 =	slt.u32 s18, $0xF8  }
0x323: {  	[tilespmem:s14+$0x30] =	vst v3  }
.Ltmp23:
0x324: {  	[tilespmem:s14+$0x20] =	vst v3;
	(pc) =	sbr.rel @p0 .LBB2_37-.Ltmp23, $4  }
0x325: {  	[tilespmem:s14+$0x10] =	vst v3  }
0x326: {  	[tilespmem:s14+$0x0] =	vst v3  }
0x327: {  	[tilespmem:s14+$0xFFFFFFF0] =	vst v3  }
0x328: {  	[tilespmem:s14+$0xFFFFFFE0] =	vst v3  }
.LBB2_38:
0x329: {  	[tilespmem:s14+$0xFFFFFFD0] =	vst v3  }
0x32a: {  	[tilespmem:s0+$0xFFFFFF90] =	vst v3  }
0x32b: {  	[tilespmem:s0+$0x0] =	vst v3  }
0x32c: {  	[tilespmem:s0+$0xFFFFFFF0] =	vst v3  }
0x32d: {  	[tilespmem:s0+$0xFFFFFFE0] =	vst v3  }
0x32e: {  	[tilespmem:s0+$0xFFFFFFD0] =	vst v3  }
0x32f: {  	[tilespmem:s0+$0xFFFFFFC0] =	vst v3  }
0x330: {  	s18 =	simm.s32 $0x0;
	[tilespmem:s0+$0xFFFFFFB0] =	vst v3  }
.LBB2_39:
0x331: {  	s18 =	sadd.s32 $0x8, s18;
	[tilespmem:s0+$0xFFFFFFA0] =	vst v3;
	s0 =	sadd.s32 $0x400, s0;
	s14 =	simm.s32 $0xECF0  }
0x332: {  	[tilespmem:s0+$0xFFFFFF90] =	vst v3;
	p0 =	slt.u32 s18, $0xF8  }
0x333: {  	[tilespmem:s0+$0x0] =	vst v3  }
.Ltmp24:
0x334: {  	[tilespmem:s0+$0xFFFFFFF0] =	vst v3;
	(pc) =	sbr.rel @p0 .LBB2_39-.Ltmp24, $4  }
0x335: {  	[tilespmem:s0+$0xFFFFFFE0] =	vst v3  }
0x336: {  	[tilespmem:s0+$0xFFFFFFD0] =	vst v3  }
0x337: {  	[tilespmem:s0+$0xFFFFFFC0] =	vst v3  }
0x338: {  	[tilespmem:s0+$0xFFFFFFB0] =	vst v3  }
0x339: {  	[tilespmem:s0+$0xFFFFFFA0] =	vst v3  }
0x33a: {  	[tilespmem:s14+$0xFFFFFF90] =	vst v3  }
0x33b: {  	[tilespmem:s14+$0x0] =	vst v3  }
0x33c: {  	[tilespmem:s14+$0xFFFFFFF0] =	vst v3  }
0x33d: {  	[tilespmem:s14+$0xFFFFFFE0] =	vst v3  }
0x33e: {  	[tilespmem:s14+$0xFFFFFFD0] =	vst v3  }
0x33f: {  	[tilespmem:s14+$0xFFFFFFC0] =	vst v3  }
0x340: {  	s18 =	simm.s32 $0x0;
	[tilespmem:s14+$0xFFFFFFB0] =	vst v3;
	s0 =	simm.s32 $0xED70  }
.LBB2_41:
0x341: {  	s18 =	sadd.s32 $0x8, s18;
	[tilespmem:s14+$0xFFFFFFA0] =	vst v3;
	s14 =	sadd.s32 $0x400, s14  }
0x342: {  	[tilespmem:s14+$0xFFFFFF90] =	vst v3;
	p0 =	slt.u32 s18, $0xF8  }
0x343: {  	[tilespmem:s14+$0x0] =	vst v3  }
.Ltmp25:
0x344: {  	[tilespmem:s14+$0xFFFFFFF0] =	vst v3;
	(pc) =	sbr.rel @p0 .LBB2_41-.Ltmp25, $4  }
0x345: {  	[tilespmem:s14+$0xFFFFFFE0] =	vst v3  }
0x346: {  	[tilespmem:s14+$0xFFFFFFD0] =	vst v3  }
0x347: {  	[tilespmem:s14+$0xFFFFFFC0] =	vst v3  }
0x348: {  	[tilespmem:s14+$0xFFFFFFB0] =	vst v3  }
0x349: {  	[tilespmem:s14+$0xFFFFFFA0] =	vst v3  }
0x34a: {  	[tilespmem:s0+$0xFFFFFF90] =	vst v3  }
0x34b: {  	[tilespmem:s0+$0x0] =	vst v3  }
0x34c: {  	[tilespmem:s0+$0xFFFFFFF0] =	vst v3  }
0x34d: {  	[tilespmem:s0+$0xFFFFFFE0] =	vst v3  }
0x34e: {  	[tilespmem:s0+$0xFFFFFFD0] =	vst v3  }
0x34f: {  	[tilespmem:s0+$0xFFFFFFC0] =	vst v3  }
0x350: {  	s18 =	simm.s32 $0x0;
	[tilespmem:s0+$0xFFFFFFB0] =	vst v3  }
.LBB2_43:
0x351: {  	s18 =	sadd.s32 $0x8, s18;
	[tilespmem:s0+$0xFFFFFFA0] =	vst v3;
	s0 =	sadd.s32 $0x400, s0;
	s14 =	simm.s32 $0xEDF0  }
0x352: {  	[tilespmem:s0+$0xFFFFFF90] =	vst v3;
	p0 =	slt.u32 s18, $0xF8  }
0x353: {  	[tilespmem:s0+$0x0] =	vst v3  }
.Ltmp26:
0x354: {  	[tilespmem:s0+$0xFFFFFFF0] =	vst v3;
	(pc) =	sbr.rel @p0 .LBB2_43-.Ltmp26, $4  }
0x355: {  	[tilespmem:s0+$0xFFFFFFE0] =	vst v3  }
0x356: {  	[tilespmem:s0+$0xFFFFFFD0] =	vst v3  }
0x357: {  	[tilespmem:s0+$0xFFFFFFC0] =	vst v3  }
0x358: {  	[tilespmem:s0+$0xFFFFFFB0] =	vst v3  }
0x359: {  	[tilespmem:s0+$0xFFFFFFA0] =	vst v3  }
0x35a: {  	[tilespmem:s14+$0xFFFFFF90] =	vst v3  }
0x35b: {  	[tilespmem:s14+$0x0] =	vst v3  }
0x35c: {  	[tilespmem:s14+$0xFFFFFFF0] =	vst v3  }
0x35d: {  	[tilespmem:s14+$0xFFFFFFE0] =	vst v3  }
0x35e: {  	[tilespmem:s14+$0xFFFFFFD0] =	vst v3  }
0x35f: {  	[tilespmem:s14+$0xFFFFFFC0] =	vst v3  }
0x360: {  	s18 =	simm.s32 $0x0;
	[tilespmem:s14+$0xFFFFFFB0] =	vst v3;
	s0 =	simm.s32 $0xEE70  }
.LBB2_45:
0x361: {  	s18 =	sadd.s32 $0x8, s18;
	[tilespmem:s14+$0xFFFFFFA0] =	vst v3;
	s14 =	sadd.s32 $0x400, s14  }
0x362: {  	[tilespmem:s14+$0xFFFFFF90] =	vst v3;
	p0 =	slt.u32 s18, $0xF8  }
0x363: {  	[tilespmem:s14+$0x0] =	vst v3  }
.Ltmp27:
0x364: {  	[tilespmem:s14+$0xFFFFFFF0] =	vst v3;
	(pc) =	sbr.rel @p0 .LBB2_45-.Ltmp27, $4  }
0x365: {  	[tilespmem:s14+$0xFFFFFFE0] =	vst v3  }
0x366: {  	[tilespmem:s14+$0xFFFFFFD0] =	vst v3  }
0x367: {  	[tilespmem:s14+$0xFFFFFFC0] =	vst v3  }
0x368: {  	[tilespmem:s14+$0xFFFFFFB0] =	vst v3  }
0x369: {  	[tilespmem:s14+$0xFFFFFFA0] =	vst v3  }
0x36a: {  	[tilespmem:s0+$0xFFFFFF90] =	vst v3  }
0x36b: {  	[tilespmem:s0+$0x0] =	vst v3  }
0x36c: {  	[tilespmem:s0+$0xFFFFFFF0] =	vst v3  }
0x36d: {  	[tilespmem:s0+$0xFFFFFFE0] =	vst v3  }
0x36e: {  	[tilespmem:s0+$0xFFFFFFD0] =	vst v3  }
0x36f: {  	[tilespmem:s0+$0xFFFFFFC0] =	vst v3  }
0x370: {  	s18 =	simm.s32 $0x0;
	[tilespmem:s0+$0xFFFFFFB0] =	vst v3  }
.LBB2_47:
0x371: {  	s18 =	sadd.s32 $0x8, s18;
	[tilespmem:s0+$0xFFFFFFA0] =	vst v3;
	s0 =	sadd.s32 $0x400, s0;
	s14 =	simm.s32 $0xEEF0  }
0x372: {  	[tilespmem:s0+$0xFFFFFF90] =	vst v3;
	p0 =	slt.u32 s18, $0xF8  }
0x373: {  	[tilespmem:s0+$0x0] =	vst v3  }
.Ltmp28:
0x374: {  	[tilespmem:s0+$0xFFFFFFF0] =	vst v3;
	(pc) =	sbr.rel @p0 .LBB2_47-.Ltmp28, $4  }
0x375: {  	[tilespmem:s0+$0xFFFFFFE0] =	vst v3  }
0x376: {  	[tilespmem:s0+$0xFFFFFFD0] =	vst v3  }
0x377: {  	[tilespmem:s0+$0xFFFFFFC0] =	vst v3  }
0x378: {  	[tilespmem:s0+$0xFFFFFFB0] =	vst v3  }
0x379: {  	[tilespmem:s0+$0xFFFFFFA0] =	vst v3  }
0x37a: {  	[tilespmem:s14+$0xFFFFFF90] =	vst v3  }
0x37b: {  	[tilespmem:s14+$0x0] =	vst v3  }
0x37c: {  	[tilespmem:s14+$0xFFFFFFF0] =	vst v3  }
0x37d: {  	[tilespmem:s14+$0xFFFFFFE0] =	vst v3  }
0x37e: {  	[tilespmem:s14+$0xFFFFFFD0] =	vst v3  }
0x37f: {  	[tilespmem:s14+$0xFFFFFFC0] =	vst v3  }
0x380: {  	s18 =	simm.s32 $0x0;
	[tilespmem:s14+$0xFFFFFFB0] =	vst v3;
	s0 =	simm.s32 $0xEF70  }
.LBB2_49:
0x381: {  	s18 =	sadd.s32 $0x8, s18;
	[tilespmem:s14+$0xFFFFFFA0] =	vst v3;
	s14 =	sadd.s32 $0x400, s14  }
0x382: {  	[tilespmem:s14+$0xFFFFFF90] =	vst v3;
	p0 =	slt.u32 s18, $0xF8  }
0x383: {  	[tilespmem:s14+$0x0] =	vst v3  }
.Ltmp29:
0x384: {  	[tilespmem:s14+$0xFFFFFFF0] =	vst v3;
	(pc) =	sbr.rel @p0 .LBB2_49-.Ltmp29, $4  }
0x385: {  	[tilespmem:s14+$0xFFFFFFE0] =	vst v3  }
0x386: {  	[tilespmem:s14+$0xFFFFFFD0] =	vst v3  }
0x387: {  	[tilespmem:s14+$0xFFFFFFC0] =	vst v3  }
0x388: {  	[tilespmem:s14+$0xFFFFFFB0] =	vst v3  }
0x389: {  	[tilespmem:s14+$0xFFFFFFA0] =	vst v3  }
0x38a: {  	[tilespmem:s0+$0xFFFFFF90] =	vst v3  }
0x38b: {  	[tilespmem:s0+$0x0] =	vst v3  }
0x38c: {  	[tilespmem:s0+$0xFFFFFFF0] =	vst v3  }
0x38d: {  	[tilespmem:s0+$0xFFFFFFE0] =	vst v3  }
0x38e: {  	[tilespmem:s0+$0xFFFFFFD0] =	vst v3  }
0x38f: {  	[tilespmem:s0+$0xFFFFFFC0] =	vst v3  }
0x390: {  	s18 =	simm.s32 $0x0;
	[tilespmem:s0+$0xFFFFFFB0] =	vst v3  }
.LBB2_51:
0x391: {  	s18 =	sadd.s32 $0x8, s18;
	[tilespmem:s0+$0xFFFFFFA0] =	vst v3;
	s0 =	sadd.s32 $0x400, s0;
	s14 =	simm.s32 $0x16BC0  }
0x392: {  	[tilespmem:s0+$0xFFFFFF90] =	vst v3;
	p0 =	slt.u32 s18, $0xF8  }
0x393: {  	[tilespmem:s0+$0x0] =	vst v3  }
.Ltmp30:
0x394: {  	[tilespmem:s0+$0xFFFFFFF0] =	vst v3;
	(pc) =	sbr.rel @p0 .LBB2_51-.Ltmp30, $4  }
0x395: {  	[tilespmem:s0+$0xFFFFFFE0] =	vst v3  }
0x396: {  	[tilespmem:s0+$0xFFFFFFD0] =	vst v3  }
0x397: {  	[tilespmem:s0+$0xFFFFFFC0] =	vst v3  }
0x398: {  	[tilespmem:s0+$0xFFFFFFB0] =	vst v3  }
0x399: {  	[tilespmem:s0+$0xFFFFFFA0] =	vst v3  }
0x39a: {  	[tilespmem:s14+$0xFFFFFFC0] =	vst v3  }
0x39b: {  	[tilespmem:s14+$0x30] =	vst v3  }
0x39c: {  	[tilespmem:s14+$0x20] =	vst v3  }
0x39d: {  	[tilespmem:s14+$0x10] =	vst v3  }
0x39e: {  	[tilespmem:s14+$0x0] =	vst v3  }
0x39f: {  	[tilespmem:s14+$0xFFFFFFF0] =	vst v3  }
0x3a0: {  	s18 =	simm.s32 $0x0;
	s0 =	simm.s32 $0x16C70;
	[tilespmem:s14+$0xFFFFFFE0] =	vst v3  }
.LBB2_53:
0x3a1: {  	s18 =	sadd.s32 $0x8, s18;
	[tilespmem:s14+$0xFFFFFFD0] =	vst v3;
	s14 =	sadd.s32 $0x400, s14  }
0x3a2: {  	[tilespmem:s14+$0xFFFFFFC0] =	vst v3;
	p0 =	slt.u32 s18, $0xF8  }
0x3a3: {  	[tilespmem:s14+$0x30] =	vst v3  }
.Ltmp31:
0x3a4: {  	[tilespmem:s14+$0x20] =	vst v3;
	(pc) =	sbr.rel @p0 .LBB2_53-.Ltmp31, $4  }
0x3a5: {  	[tilespmem:s14+$0x10] =	vst v3  }
0x3a6: {  	[tilespmem:s14+$0x0] =	vst v3  }
0x3a7: {  	[tilespmem:s14+$0xFFFFFFF0] =	vst v3  }
0x3a8: {  	[tilespmem:s14+$0xFFFFFFE0] =	vst v3  }
0x3a9: {  	[tilespmem:s14+$0xFFFFFFD0] =	vst v3  }
0x3aa: {  	[tilespmem:s0+$0xFFFFFF90] =	vst v3  }
0x3ab: {  	[tilespmem:s0+$0x0] =	vst v3  }
0x3ac: {  	[tilespmem:s0+$0xFFFFFFF0] =	vst v3  }
0x3ad: {  	[tilespmem:s0+$0xFFFFFFE0] =	vst v3  }
0x3ae: {  	[tilespmem:s0+$0xFFFFFFD0] =	vst v3  }
0x3af: {  	[tilespmem:s0+$0xFFFFFFC0] =	vst v3  }
0x3b0: {  	s18 =	simm.s32 $0x0;
	[tilespmem:s0+$0xFFFFFFB0] =	vst v3  }
.LBB2_55:
0x3b1: {  	s18 =	sadd.s32 $0x8, s18;
	[tilespmem:s0+$0xFFFFFFA0] =	vst v3;
	s0 =	sadd.s32 $0x400, s0;
	s14 =	simm.s32 $0x16CF0  }
0x3b2: {  	[tilespmem:s0+$0xFFFFFF90] =	vst v3;
	p0 =	slt.u32 s18, $0xF8  }
0x3b3: {  	[tilespmem:s0+$0x0] =	vst v3  }
.Ltmp32:
0x3b4: {  	[tilespmem:s0+$0xFFFFFFF0] =	vst v3;
	(pc) =	sbr.rel @p0 .LBB2_55-.Ltmp32, $4  }
0x3b5: {  	[tilespmem:s0+$0xFFFFFFE0] =	vst v3  }
0x3b6: {  	[tilespmem:s0+$0xFFFFFFD0] =	vst v3  }
0x3b7: {  	[tilespmem:s0+$0xFFFFFFC0] =	vst v3  }
0x3b8: {  	[tilespmem:s0+$0xFFFFFFB0] =	vst v3  }
0x3b9: {  	[tilespmem:s0+$0xFFFFFFA0] =	vst v3  }
0x3ba: {  	[tilespmem:s14+$0xFFFFFF90] =	vst v3  }
0x3bb: {  	[tilespmem:s14+$0x0] =	vst v3  }
0x3bc: {  	[tilespmem:s14+$0xFFFFFFF0] =	vst v3  }
0x3bd: {  	[tilespmem:s14+$0xFFFFFFE0] =	vst v3  }
0x3be: {  	[tilespmem:s14+$0xFFFFFFD0] =	vst v3  }
0x3bf: {  	[tilespmem:s14+$0xFFFFFFC0] =	vst v3  }
0x3c0: {  	s18 =	simm.s32 $0x0;
	[tilespmem:s14+$0xFFFFFFB0] =	vst v3;
	s0 =	simm.s32 $0x16D70  }
.LBB2_57:
0x3c1: {  	s18 =	sadd.s32 $0x8, s18;
	[tilespmem:s14+$0xFFFFFFA0] =	vst v3;
	s14 =	sadd.s32 $0x400, s14  }
0x3c2: {  	[tilespmem:s14+$0xFFFFFF90] =	vst v3;
	p0 =	slt.u32 s18, $0xF8  }
0x3c3: {  	[tilespmem:s14+$0x0] =	vst v3  }
.Ltmp33:
0x3c4: {  	[tilespmem:s14+$0xFFFFFFF0] =	vst v3;
	(pc) =	sbr.rel @p0 .LBB2_57-.Ltmp33, $4  }
0x3c5: {  	[tilespmem:s14+$0xFFFFFFE0] =	vst v3  }
0x3c6: {  	[tilespmem:s14+$0xFFFFFFD0] =	vst v3  }
0x3c7: {  	[tilespmem:s14+$0xFFFFFFC0] =	vst v3  }
0x3c8: {  	[tilespmem:s14+$0xFFFFFFB0] =	vst v3  }
0x3c9: {  	[tilespmem:s14+$0xFFFFFFA0] =	vst v3  }
0x3ca: {  	[tilespmem:s0+$0xFFFFFF90] =	vst v3  }
0x3cb: {  	[tilespmem:s0+$0x0] =	vst v3  }
0x3cc: {  	[tilespmem:s0+$0xFFFFFFF0] =	vst v3  }
0x3cd: {  	[tilespmem:s0+$0xFFFFFFE0] =	vst v3  }
0x3ce: {  	[tilespmem:s0+$0xFFFFFFD0] =	vst v3  }
0x3cf: {  	[tilespmem:s0+$0xFFFFFFC0] =	vst v3  }
0x3d0: {  	s18 =	simm.s32 $0x0;
	[tilespmem:s0+$0xFFFFFFB0] =	vst v3  }
.LBB2_59:
0x3d1: {  	s18 =	sadd.s32 $0x8, s18;
	[tilespmem:s0+$0xFFFFFFA0] =	vst v3;
	s0 =	sadd.s32 $0x400, s0;
	s14 =	simm.s32 $0x16DF0  }
0x3d2: {  	[tilespmem:s0+$0xFFFFFF90] =	vst v3;
	p0 =	slt.u32 s18, $0xF8  }
0x3d3: {  	[tilespmem:s0+$0x0] =	vst v3  }
.Ltmp34:
0x3d4: {  	[tilespmem:s0+$0xFFFFFFF0] =	vst v3;
	(pc) =	sbr.rel @p0 .LBB2_59-.Ltmp34, $4  }
0x3d5: {  	[tilespmem:s0+$0xFFFFFFE0] =	vst v3  }
0x3d6: {  	[tilespmem:s0+$0xFFFFFFD0] =	vst v3  }
0x3d7: {  	[tilespmem:s0+$0xFFFFFFC0] =	vst v3  }
0x3d8: {  	[tilespmem:s0+$0xFFFFFFB0] =	vst v3  }
0x3d9: {  	[tilespmem:s0+$0xFFFFFFA0] =	vst v3  }
0x3da: {  	[tilespmem:s14+$0xFFFFFF90] =	vst v3  }
0x3db: {  	[tilespmem:s14+$0x0] =	vst v3  }
0x3dc: {  	[tilespmem:s14+$0xFFFFFFF0] =	vst v3  }
0x3dd: {  	[tilespmem:s14+$0xFFFFFFE0] =	vst v3  }
0x3de: {  	[tilespmem:s14+$0xFFFFFFD0] =	vst v3  }
0x3df: {  	[tilespmem:s14+$0xFFFFFFC0] =	vst v3  }
0x3e0: {  	s18 =	simm.s32 $0x0;
	[tilespmem:s14+$0xFFFFFFB0] =	vst v3;
	s0 =	simm.s32 $0x16E70  }
.LBB2_61:
0x3e1: {  	s18 =	sadd.s32 $0x8, s18;
	[tilespmem:s14+$0xFFFFFFA0] =	vst v3;
	s14 =	sadd.s32 $0x400, s14  }
0x3e2: {  	[tilespmem:s14+$0xFFFFFF90] =	vst v3;
	p0 =	slt.u32 s18, $0xF8  }
0x3e3: {  	[tilespmem:s14+$0x0] =	vst v3  }
.Ltmp35:
0x3e4: {  	[tilespmem:s14+$0xFFFFFFF0] =	vst v3;
	(pc) =	sbr.rel @p0 .LBB2_61-.Ltmp35, $4  }
0x3e5: {  	[tilespmem:s14+$0xFFFFFFE0] =	vst v3  }
0x3e6: {  	[tilespmem:s14+$0xFFFFFFD0] =	vst v3  }
0x3e7: {  	[tilespmem:s14+$0xFFFFFFC0] =	vst v3  }
0x3e8: {  	[tilespmem:s14+$0xFFFFFFB0] =	vst v3  }
0x3e9: {  	[tilespmem:s14+$0xFFFFFFA0] =	vst v3  }
0x3ea: {  	[tilespmem:s0+$0xFFFFFF90] =	vst v3  }
0x3eb: {  	[tilespmem:s0+$0x0] =	vst v3  }
0x3ec: {  	[tilespmem:s0+$0xFFFFFFF0] =	vst v3  }
0x3ed: {  	[tilespmem:s0+$0xFFFFFFE0] =	vst v3  }
0x3ee: {  	[tilespmem:s0+$0xFFFFFFD0] =	vst v3  }
0x3ef: {  	[tilespmem:s0+$0xFFFFFFC0] =	vst v3  }
0x3f0: {  	s18 =	simm.s32 $0x0;
	[tilespmem:s0+$0xFFFFFFB0] =	vst v3  }
.LBB2_63:
0x3f1: {  	s18 =	sadd.s32 $0x8, s18;
	[tilespmem:s0+$0xFFFFFFA0] =	vst v3;
	s0 =	sadd.s32 $0x400, s0;
	s14 =	simm.s32 $0x16EF0  }
0x3f2: {  	[tilespmem:s0+$0xFFFFFF90] =	vst v3;
	p0 =	slt.u32 s18, $0xF8  }
0x3f3: {  	[tilespmem:s0+$0x0] =	vst v3  }
.Ltmp36:
0x3f4: {  	[tilespmem:s0+$0xFFFFFFF0] =	vst v3;
	(pc) =	sbr.rel @p0 .LBB2_63-.Ltmp36, $4  }
0x3f5: {  	[tilespmem:s0+$0xFFFFFFE0] =	vst v3  }
0x3f6: {  	[tilespmem:s0+$0xFFFFFFD0] =	vst v3  }
0x3f7: {  	[tilespmem:s0+$0xFFFFFFC0] =	vst v3  }
0x3f8: {  	[tilespmem:s0+$0xFFFFFFB0] =	vst v3  }
0x3f9: {  	[tilespmem:s0+$0xFFFFFFA0] =	vst v3  }
0x3fa: {  	[tilespmem:s14+$0xFFFFFF90] =	vst v3  }
0x3fb: {  	[tilespmem:s14+$0x0] =	vst v3  }
0x3fc: {  	[tilespmem:s14+$0xFFFFFFF0] =	vst v3  }
0x3fd: {  	[tilespmem:s14+$0xFFFFFFE0] =	vst v3  }
0x3fe: {  	[tilespmem:s14+$0xFFFFFFD0] =	vst v3  }
0x3ff: {  	[tilespmem:s14+$0xFFFFFFC0] =	vst v3  }
0x400: {  	s18 =	simm.s32 $0x0;
	[tilespmem:s14+$0xFFFFFFB0] =	vst v3;
	s0 =	simm.s32 $0x16F70  }
.LBB2_65:
0x401: {  	s18 =	sadd.s32 $0x8, s18;
	[tilespmem:s14+$0xFFFFFFA0] =	vst v3;
	s14 =	sadd.s32 $0x400, s14  }
0x402: {  	[tilespmem:s14+$0xFFFFFF90] =	vst v3;
	p0 =	slt.u32 s18, $0xF8  }
0x403: {  	[tilespmem:s14+$0x0] =	vst v3  }
.Ltmp37:
0x404: {  	[tilespmem:s14+$0xFFFFFFF0] =	vst v3;
	(pc) =	sbr.rel @p0 .LBB2_65-.Ltmp37, $4  }
0x405: {  	[tilespmem:s14+$0xFFFFFFE0] =	vst v3  }
0x406: {  	[tilespmem:s14+$0xFFFFFFD0] =	vst v3  }
0x407: {  	[tilespmem:s14+$0xFFFFFFC0] =	vst v3  }
0x408: {  	[tilespmem:s14+$0xFFFFFFB0] =	vst v3  }
0x409: {  	[tilespmem:s14+$0xFFFFFFA0] =	vst v3  }
0x40a: {  	[tilespmem:s0+$0xFFFFFF90] =	vst v3  }
0x40b: {  	[tilespmem:s0+$0x0] =	vst v3  }
0x40c: {  	[tilespmem:s0+$0xFFFFFFF0] =	vst v3  }
0x40d: {  	[tilespmem:s0+$0xFFFFFFE0] =	vst v3  }
0x40e: {  	[tilespmem:s0+$0xFFFFFFD0] =	vst v3  }
0x40f: {  	[tilespmem:s0+$0xFFFFFFC0] =	vst v3  }
0x410: {  	s14 =	simm.s32 $0x0;
	[tilespmem:s0+$0xFFFFFFB0] =	vst v3  }
.LBB2_67:
0x411: {  	s14 =	sadd.s32 $0x8, s14;
	[tilespmem:s0+$0xFFFFFFA0] =	vst v3;
	s0 =	sadd.s32 $0x400, s0  }
0x412: {  	[tilespmem:s0+$0xFFFFFF90] =	vst v3;
	p0 =	slt.u32 s14, $0xF8  }
0x413: {  	[tilespmem:s0+$0x0] =	vst v3  }
.Ltmp38:
0x414: {  	[tilespmem:s0+$0xFFFFFFF0] =	vst v3;
	(pc) =	sbr.rel @p0 .LBB2_67-.Ltmp38, $4  }
0x415: {  	[tilespmem:s0+$0xFFFFFFE0] =	vst v3  }
0x416: {  	[tilespmem:s0+$0xFFFFFFD0] =	vst v3  }
0x417: {  	[tilespmem:s0+$0xFFFFFFC0] =	vst v3  }
0x418: {  	[tilespmem:s0+$0xFFFFFFB0] =	vst v3  }
0x419: {  	s14 =	sadd.s32 $0xF, s17;
	s18 =	sadd.s32 $0xF, s19  }
0x41a: {  	s11 =	sadd.s32 $0xF, s11;
	s13 =	sadd.s32 $0xF, s13;
	s28 =	simm.s32 $0x0  }
0x41b: {  	s17 =	sshra.s32 s14, $0x4;
	s14 =	sshrl.u32 s14, $0x1F;
	s21 =	sshra.s32 s18, $0x4  }
0x41c: {  	s23 =	sshra.s32 s11, $0x4;
	s18 =	sshrl.u32 s18, $0x1F;
	s24 =	sshra.s32 s13, $0x4  }
0x41d: {  	s11 =	sshrl.u32 s11, $0x1F;
	s13 =	sshrl.u32 s13, $0x1F;
	s14 =	sadd.s32 s14, s17  }
0x41e: {  	s18 =	sadd.s32 s18, s21;
	s11 =	sadd.s32 s11, s23;
	s13 =	sadd.s32 s13, s24  }
0x41f: {  	s19 =	sand.u32 $0xFFFFFFFE, s14;
	s20 =	sand.u32 $0xFFFFFFFE, s18;
	s22 =	sand.u32 $0xFFFFFFFE, s13  }
0x420: {  	s14 =	sshll.u32 s14, $0x6;
	s26 =	sshll.u32 s18, $0x6;
	p1 =	slt.s32 s19, $0x1  }
0x421: {  	s13 =	sshll.u32 s13, $0x6;
	s17 =	ssub.s32 s17, s19;
	s5 =	simm.s32 @!p1 $0x0  }
0x422: {  	s29 =	ssub.s32 s21, s20;
	s5 =	simm.s32 @p1 $0x1;
	p1 =	slt.s32 s20, $0x1  }
0x423: {  	s21 =	sand.u32 $0xFFFFFFFE, s11;
	[smem:$0x7DC] =	sst s5;
	s5 =	simm.s32 @!p1 $0x0  }
0x424: {  	s31 =	ssub.s32 s24, s22;
	s5 =	simm.s32 @p1 $0x1;
	p1 =	slt.s32 s21, $0x1  }
0x425: {  	s11 =	sshll.u32 s11, $0x6;
	[smem:$0x7DD] =	sst s5;
	s5 =	simm.s32 @!p1 $0x0  }
0x426: {  	s24 =	sand.u32 $0xFFFFFF80, s26;
	s26 =	sand.u32 $0xFFFFFF80, s13;
	s5 =	simm.s32 @p1 $0x1  }
0x427: {  	s30 =	ssub.s32 s23, s21;
	p1 =	slt.s32 s22, $0x1;
	[smem:$0x7DE] =	sst s5  }
0x428: {  	s23 =	sand.u32 $0xFFFFFF80, s14;
	s25 =	sand.u32 $0xFFFFFF80, s11;
	[tilespmem:s0+$0xFFFFFFA0] =	vst v3;
	s0 =	simm.s32 @!p1 $0x0  }
0x429: {  	p0 =	slt.s32 s17, $0x1;
	p3 =	slt.s32 s29, $0x1;
	s0 =	simm.s32 @p1 $0x1  }
0x42a: {  	p5 =	slt.s32 s30, $0x1;
	p1 =	slt.s32 s31, $0x1;
	[smem:$0x7DF] =	sst s0  }
.LBB2_69:
0x42b: {  	_ =	swait.ge [sflag:s3], $0x4000  }
.Ltmp39:
0x42c: {  	p2 =	seq.s32 s28, $0x0;
	[sflag:s3] =	ssyncset.done $0x0;
	(pc) =	sbr.rel .LBB2_70-.Ltmp39, $4  }
0x42d: {  	s0 =	simm.s32 @!p2 $0x3;
	[sflag:s3] =	ssyncadd.s32 $0xFFFFC000  }
0x42e: {  	s5 =	simm.s32 @!p2 $0x0;
	_ =	swait.ge @!p2 [sflag:s0], $0x8000  }
0x42f: {  	s29 =	sshll.u32 s28, $0x1;
	s5 =	simm.s32 @p2 $0x1;
	[sflag:s0] =	ssyncset.done @!p2 $0x0  }
0x430: {  	s11 =	simm.s32 $0x0;
	[smem:$0x7DB] =	sst s5;
	[sflag:s0] =	ssyncadd.s32 @!p2 $0xFFFF8000  }
.LBB2_102:
0x431: {  	v9 =	vmov v11;
	v8 =	vmov v10;
	v16 =	vmov v11  }
.LBB2_109:
0x432: {  	_ =	sdelay $0x2  }
0x433: {  	v14 =	vmul.f32 @p2 v17, v14;
	v15 =	vand.u32 @p2 $0xFFFFFC00, v25  }
0x434: {  	[tilespmem:v29+s8+$0x0] =	vst.idx.msk @p4 $0xffff, v3;
	vm1 =	vlt.s32 @p2 v10, $0x1000;
	v15 =	vor.u32 @p2 v15, v27  }
0x435: {  	v53 =	vld.idx.msk [tilespmem:v16+s2+$0x0], $0xffff;
	[tilespmem:v30+s1+$0x0] =	vst.idx.msk @p4 $0xffff, v3;
	v14 =	vmul.f32 @p2 v24, v14;
	v15 =	vor.u32 @p2 v7, v15  }
0x436: {  	v21 =	vld.idx.msk [tilespmem:v16+s8+$0x0], $0xffff;
	v11 =	vpsel p2, v11, v0;
	[tilespmem:v29+s1+$0x0] =	vst.idx.msk @p4 $0xffff, v3;
	v13 =	vmul.f32 @p2 v18, v13  }
0x437: {  	v54 =	vld.idx.msk [tilespmem:v9+s1+$0x0], $0xffff;
	[tilespmem:v20+s15+$0x0] =	vst.idx.msk @p2 vm0, v14  }
0x438: {  	v55 =	vld.idx.msk [tilespmem:v8+s2+$0x0], $0xffff;
	v13 =	vmul.f32 @p2 v19, v13;
	v14 =	vpsel p2, v10, v0;
	[tilespmem:v22+s2+$0x0] =	vst.idx.msk @p2 $0xffff, v3  }
0x439: {  	vm14 =	vlt.s32 v16, $0x1000;
	v56 =	vld.idx.msk [tilespmem:v8+s8+$0x0], $0xffff;
	[tilespmem:v23+s8+$0x0] =	vst.idx.msk @p2 $0xffff, v3  }
0x43a: {  	v57 =	vshll.u32 v8, $0x3;
	v12 =	vor.u32 v7, v12;
	[tilespmem:v15+s15+$0x0] =	vst.idx.msk @p2 vm1, v13  }
0x43b: {  	v58 =	vand.u32 $0x7F, v8;
	v59 =	vld.idx.msk [tilespmem:v8+s1+$0x0], $0xffff;
	v61 =	vand.u32 $0xFFFFFC00, v57;
	v60 =	vmul.f32 v21, v53;
	[tilespmem:v11+s1+$0x0] =	vst.idx.msk @p2 $0xffff, v3  }
0x43c: {  	vm15 =	vlt.s32 v8, $0x1000;
	v13 =	vor.u32 v61, v58;
	[tilespmem:v10+s2+$0x0] =	vst.idx.msk @p2 $0xffff, v3  }
0x43d: {  	v10 =	vmul.f32 v54, v60;
	v7 =	vor.u32 v7, v13;
	[tilespmem:v14+s8+$0x0] =	vst.idx.msk @p2 $0xffff, v3  }
0x43e: {  	v62 =	vmul.f32 v56, v55;
	[tilespmem:v14+s1+$0x0] =	vst.idx.msk @p2 $0xffff, v3  }
0x43f: {  	[tilespmem:v12+s15+$0x0] =	vst.idx.msk vm14, v10  }
0x440: {  	v63 =	vmul.f32 v59, v62;
	[tilespmem:v9+s2+$0x0] =	vst.idx.msk $0xffff, v3  }
0x441: {  	[tilespmem:v9+s8+$0x0] =	vst.idx.msk $0xffff, v3  }
0x442: {  	[tilespmem:v7+s15+$0x0] =	vst.idx.msk vm15, v63  }
0x443: {  	[tilespmem:v16+s1+$0x0] =	vst.idx.msk $0xffff, v3  }
0x444: {  	[tilespmem:v8+s2+$0x0] =	vst.idx.msk $0xffff, v3  }
0x445: {  	[tilespmem:v8+s8+$0x0] =	vst.idx.msk $0xffff, v3  }
0x446: {  	[tilespmem:v8+s1+$0x0] =	vst.idx.msk $0xffff, v3  }
.LBB2_110:
0x447: {  	s18 =	sshra.s32 @!p1 s26, $0x2  }
0x448: {  	v7 =	vld @!p1 [tilespmem:s18+$0x6300];
	_ =	sdelay $0x6  }
0x449: {  	s0 =	simm.s32 @!p1 $0x1800  }
0x44a: {  	s13 =	simm.s32 @!p1 $0x2880;
	v8 =	vld.idx.msk @!p1 [tilespmem:v7+s0+$0x0], $0xffff  }
0x44b: {  	v9 =	vld.idx.msk @!p1 [tilespmem:v7+s13+$0x0], $0xffff  }
0x44c: {  	s14 =	simm.s32 @!p1 $0x3900;
	v10 =	vshll.u32 @!p1 v7, $0x3  }
0x44d: {  	v6 =	vshll.u32 @!p1 v6, $0x7;
	v10 =	vand.u32 @!p1 $0xFFFFFC00, v10;
	v11 =	vld.idx.msk @!p1 [tilespmem:v7+s14+$0x0], $0xffff  }
0x44e: {  	vm0 =	vlt.s32 @!p1 v7, $0x1000;
	v6 =	vadd.s32 @!p1 v6, v10;
	v10 =	vand.u32 @!p1 $0x7F, v7  }
0x44f: {  	v6 =	vor.u32 @!p1 v10, v6  }
0x450: {  	v8 =	vmul.f32 @!p1 v9, v8  }
0x451: {  	s11 =	sadd.s32 $0x1, s11  }
0x452: {  	p2 =	sne.s32 s11, $0x8;
	v8 =	vmul.f32 @!p1 v11, v8  }
.Ltmp40:
0x453: {  	s12 =	simm.s32 @!p1 $0xEB80;
	(pc) =	sbr.rel @!p2 .LBB2_111-.Ltmp40, $4  }
0x454: {  	[tilespmem:v6+s12+$0x0] =	vst.idx.msk @!p1 vm0, v8;
	v6 =	vimm.f32 @!p1 $0.0e+00  }
0x455: {  	[tilespmem:v7+s0+$0x0] =	vst.idx.msk @!p1 $0xffff, v6  }
0x456: {  	[tilespmem:v7+s13+$0x0] =	vst.idx.msk @!p1 $0xffff, v6  }
0x457: {  	[tilespmem:v7+s14+$0x0] =	vst.idx.msk @!p1 $0xffff, v6  }
.LBB2_70:
0x458: {  	s0 =	sld [smem:$0x7DC];
	_ =	sdelay $0x2  }
0x459: {  	p2 =	seq.s32 s0, $0x1  }
.Ltmp41:
0x45a: {  	_ = 	snop;
	(pc) =	sbr.rel @p2 .LBB2_80-.Ltmp41, $3  }
0x45b: {  	_ =	sdelay $0x1  }
0x45c: {  	v6 =	vmov s11  }
0x45d: {  	v7 =	vshll.u32 v6, $0x7  }
0x45e: {  	p6 =	sgt.s32 s19, $0x2  }
.Ltmp42:
0x45f: {  	_ = 	snop;
	(pc) =	sbr.rel @!p6 .LBB2_72-.Ltmp42, $4  }
0x460: {  	_ = 	snop  }
0x461: {  	s0 =	simm.s32 $0x4990  }
0x462: {  	v13 =	vld [tilespmem:s0+$0x0]  }
0x463: {  	p2 =	por $0x0, $0x0;
	p4 =	por $0x0, $0x0;
	v9 =	vld [tilespmem:s0+$0xFFFFFFF0];
	s0 =	simm.s32 $0x49B0  }
0x464: {  	_ =	sdelay $0x2  }
0x465: {  	p6 =	sgt.s32 s19, $0x4;
	v8 =	vshrl.u32 v13, $0xD  }
.Ltmp43:
0x466: {  	v10 =	vshrl.u32 v13, $0xA;
	v8 =	vand.u32 $0x7F, v8;
	(pc) =	sbr.rel @!p6 .LBB2_74-.Ltmp43, $4  }
0x467: {  	v10 =	vand.u32 $0x3C00, v10;
	v11 =	vshrl.u32 v9, $0xD;
	v12 =	vshrl.u32 v9, $0xA  }
0x468: {  	v8 =	vor.u32 v10, v8;
	v10 =	vand.u32 $0x7F, v11;
	v11 =	vand.u32 $0x3C00, v12  }
0x469: {  	v17 =	vld [tilespmem:s0+$0x0];
	v14 =	vor.u32 v7, v8;
	v8 =	vor.u32 v11, v10  }
0x46a: {  	v18 =	vld [tilespmem:s0+$0xFFFFFFF0];
	s13 =	simm.s32 $0x49D0;
	p2 =	por $0x1, $0x1;
	vm1 =	vlt.s32 v9, $0x0;
	v10 =	vand.u32 $0x1FFF, v9;
	v12 =	vor.u32 v7, v8  }
0x46b: {  	_ =	sdelay $0x2  }
0x46c: {  	v8 =	vshrl.u32 v17, $0xD;
	v9 =	vshrl.u32 v17, $0xA  }
0x46d: {  	p6 =	sgt.s32 s19, $0x6;
	v8 =	vand.u32 $0x7F, v8;
	v9 =	vand.u32 $0x3C00, v9  }
.Ltmp44:
0x46e: {  	v15 =	vshrl.u32 v18, $0xD;
	v16 =	vshrl.u32 v18, $0xA;
	v9 =	vor.u32 v9, v8;
	v8 =	vld [tilespmem:s13+$0x0];
	(pc) =	sbr.rel @!p6 .LBB2_76-.Ltmp44, $4  }
0x46f: {  	v11 =	vld.idx.msk [tilespmem:v14+s6+$0x0], $0xffff;
	v14 =	vand.u32 $0x7F, v15;
	v15 =	vand.u32 $0x3C00, v16  }
0x470: {  	v19 =	vor.u32 v15, v14;
	v14 =	vor.u32 v7, v9;
	v9 =	vld [tilespmem:s13+$0xFFFFFFF0]  }
0x471: {  	vm0 =	vmmov vm1;
	vm2 =	vlt.s32 v13, $0x0;
	v15 =	vand.u32 $0x1FFF, v13  }
0x472: {  	s0 =	simm.s32 $0x6;
	p4 =	por $0x1, $0x1;
	vm1 =	vlt.s32 v18, $0x0;
	v18 =	vand.u32 $0x1FFF, v18;
	v16 =	vld.idx.msk [tilespmem:v12+s6+$0x0], $0xffff;
	s13 =	simm.s32 $0x49F0;
	v12 =	vor.u32 v7, v19  }
.LBB2_77:
0x473: {  	v19 =	vshrl.u32 v8, $0xD;
	v20 =	vshrl.u32 v8, $0xA  }
0x474: {  	v13 =	vld [tilespmem:s13+$0x0];
	v21 =	vxor.u32 $0x80000000, v11;
	vm3 =	vmmov vm0;
	vm0 =	vmmov vm1;
	s0 =	sadd.s32 $0x2, s0  }
0x475: {  	v25 =	vand.u32 $0x7F, v19;
	v20 =	vand.u32 $0x3C00, v20;
	v21 =	vsel vm2, v21, v11;
	v11 =	vld.idx.msk [tilespmem:v14+s6+$0x0], $0xffff;
	v22 =	vmovc v9;
	p6 =	slt.s32 s0, s19  }
.Ltmp45:
0x476: {  	v14 =	vshrl.u32 v22, $0xD;
	v23 =	vshrl.u32 v22, $0xA;
	v24 =	vor.u32 v20, v25;
	[tilespmem:v15+s2+$0x0] =	vst.idx.add.f32.msk $0xffff, v21;
	(pc) =	sbr.rel @p6 .LBB2_77-.Ltmp45, $4  }
0x477: {  	v9 =	vld [tilespmem:s13+$0xFFFFFFF0];
	v15 =	vand.u32 $0x7F, v14;
	v20 =	vand.u32 $0x3C00, v23;
	v14 =	vor.u32 v7, v24;
	v19 =	vmovc v16  }
0x478: {  	v20 =	vor.u32 v20, v15;
	v16 =	vld.idx.msk [tilespmem:v12+s6+$0x0], $0xffff;
	v15 =	vand.u32 $0x1FFF, v17;
	v21 =	vxor.u32 $0x80000000, v19  }
0x479: {  	vm1 =	vlt.s32 v22, $0x0;
	v12 =	vor.u32 v7, v20;
	v19 =	vsel vm3, v21, v19  }
0x47a: {  	vm2 =	vlt.s32 v17, $0x0;
	s13 =	sadd.s32 $0x20, s13;
	v17 =	vmovc v8;
	v8 =	vmovc v13;
	[tilespmem:v10+s2+$0x0] =	vst.idx.add.f32.msk $0xffff, v19;
	v10 =	vmov v18;
	v18 =	vand.u32 $0x1FFF, v22  }
0x47b: {  	v19 =	vmov v10;
	v13 =	vmov v17;
	v10 =	vmov v18  }
.LBB2_79:
0x47c: {  	v17 =	vshrl.u32 v8, $0xD;
	v18 =	vshrl.u32 v8, $0xA;
	v20 =	vshrl.u32 v9, $0xD  }
0x47d: {  	v21 =	vshrl.u32 v9, $0xA;
	v17 =	vand.u32 $0x7F, v17;
	v18 =	vand.u32 $0x3C00, v18  }
0x47e: {  	v58 =	vand.u32 $0x7F, v20;
	v59 =	vand.u32 $0x3C00, v21;
	v17 =	vor.u32 v18, v17  }
0x47f: {  	v18 =	vor.u32 v59, v58;
	v17 =	vor.u32 v7, v17  }
0x480: {  	v18 =	vor.u32 v7, v18  }
0x481: {  	v14 =	vld.idx.msk @p2 [tilespmem:v14+s6+$0x0], $0xffff;
	vm0 =	vmmov @p4 vm0  }
0x482: {  	v12 =	vld.idx.msk @p2 [tilespmem:v12+s6+$0x0], $0xffff;
	vm1 =	vmmov @p2 vm1;
	vm14 =	vlt.s32 v9, $0x0;
	v20 =	vxor.u32 @p4 $0x80000000, v11  }
0x483: {  	v21 =	vand.u32 @p2 $0x1FFF, v13;
	v11 =	vsel @p4 vm2, v20, v11;
	v20 =	vxor.u32 @p4 $0x80000000, v16  }
0x484: {  	v60 =	vand.u32 $0x1FFF, v9;
	v16 =	vsel @p4 vm0, v20, v16;
	v20 =	vpsel p2, v21, v0;
	v17 =	vld.idx.msk [tilespmem:v17+s6+$0x0], $0xffff  }
0x485: {  	v10 =	vpsel p2, v10, v0;
	v62 =	vand.u32 $0x1FFF, v8;
	vm15 =	vlt.s32 v8, $0x0;
	v61 =	vld.idx.msk [tilespmem:v18+s6+$0x0], $0xffff  }
0x486: {  	vm1 =	vmmov @p2 vm1;
	vm2 =	vlt.s32 @p2 v13, $0x0;
	v13 =	vpsel p2, v14, v0  }
0x487: {  	[tilespmem:v15+s2+$0x0] =	vst.idx.add.f32.msk @p4 $0xffff, v11;
	vm2 =	vmmov @p2 vm2;
	v12 =	vpsel p2, v12, v0;
	v11 =	vxor.u32 @p2 $0x80000000, v13  }
0x488: {  	vm1 =	vmmov @p2 vm1;
	[tilespmem:v19+s2+$0x0] =	vst.idx.add.f32.msk @p4 $0xffff, v16;
	v11 =	vsel @p2 vm2, v11, v13;
	v13 =	vxor.u32 @p2 $0x80000000, v12  }
0x489: {  	vm0 =	vmmov vm14;
	[tilespmem:v20+s2+$0x0] =	vst.idx.add.f32.msk @p2 $0xffff, v11;
	v11 =	vsel @p2 vm1, v13, v12;
	v8 =	vxor.u32 $0x80000000, v17  }
0x48a: {  	vm0 =	vmmov vm0;
	[tilespmem:v10+s2+$0x0] =	vst.idx.add.f32.msk @p2 $0xffff, v11;
	v63 =	vxor.u32 $0x80000000, v61;
	v8 =	vsel vm15, v8, v17  }
0x48b: {  	[tilespmem:v62+s2+$0x0] =	vst.idx.add.f32.msk $0xffff, v8;
	v8 =	vsel vm0, v63, v61  }
0x48c: {  	[tilespmem:v60+s2+$0x0] =	vst.idx.add.f32.msk $0xffff, v8  }
.LBB2_80:
0x48d: {  	s30 =	sshra.s32 @!p0 s23, $0x2  }
0x48e: {  	v8 =	vld @!p0 [tilespmem:s30+$0x4980];
	_ =	sdelay $0x4  }
0x48f: {  	v9 =	vshrl.u32 @!p0 v8, $0xA  }
0x490: {  	v10 =	vshll.u32 @!p0 v6, $0x7;
	v11 =	vshrl.u32 @!p0 v8, $0xD;
	v9 =	vand.u32 @!p0 $0x3C00, v9  }
0x491: {  	v11 =	vand.u32 @!p0 $0x7F, v11;
	v9 =	vadd.s32 @!p0 v10, v9  }
0x492: {  	v9 =	vor.u32 @!p0 v11, v9;
	_ =	sdelay $0x3  }
0x493: {  	s0 =	simm.s32 @!p0 $0x6B80;
	s31 =	sld [smem:$0x7DD]  }
0x494: {  	v9 =	vld.idx.msk @!p0 [tilespmem:v9+s0+$0x0], $0xffff;
	_ =	sdelay $0x1  }
0x495: {  	p2 =	seq.s32 s31, $0x1;
	v10 =	vand.u32 @!p0 $0x1FFF, v8  }
.Ltmp46:
0x496: {  	_ = 	snop;
	(pc) =	sbr.rel @p2 .LBB2_90-.Ltmp46, $4  }
0x497: {  	_ = 	snop  }
0x498: {  	vm0 =	vlt.s32 @!p0 v8, $0x0;
	v8 =	vxor.u32 @!p0 $0x80000000, v9  }
0x499: {  	s0 =	simm.s32 @!p0 $0x1800;
	v8 =	vsel @!p0 vm0, v8, v9  }
0x49a: {  	[tilespmem:v10+s0+$0x0] =	vst.idx.add.f32.msk @!p0 $0xffff, v8  }
0x49b: {  	p6 =	sgt.s32 s20, $0x2  }
.Ltmp47:
0x49c: {  	_ = 	snop;
	(pc) =	sbr.rel @!p6 .LBB2_82-.Ltmp47, $4  }
0x49d: {  	_ = 	snop  }
0x49e: {  	s0 =	simm.s32 $0x5210  }
0x49f: {  	v13 =	vld [tilespmem:s0+$0x0]  }
0x4a0: {  	p2 =	por $0x0, $0x0;
	p4 =	por $0x0, $0x0;
	v9 =	vld [tilespmem:s0+$0xFFFFFFF0];
	s0 =	simm.s32 $0x5230  }
0x4a1: {  	_ =	sdelay $0x2  }
0x4a2: {  	p6 =	sgt.s32 s20, $0x4;
	v8 =	vshrl.u32 v13, $0xD  }
.Ltmp48:
0x4a3: {  	v10 =	vshrl.u32 v13, $0xA;
	v8 =	vand.u32 $0x7F, v8;
	(pc) =	sbr.rel @!p6 .LBB2_84-.Ltmp48, $4  }
0x4a4: {  	v10 =	vand.u32 $0x3C00, v10;
	v11 =	vshrl.u32 v9, $0xD;
	v12 =	vshrl.u32 v9, $0xA  }
0x4a5: {  	v8 =	vor.u32 v10, v8;
	v10 =	vand.u32 $0x7F, v11;
	v11 =	vand.u32 $0x3C00, v12  }
0x4a6: {  	v17 =	vld [tilespmem:s0+$0x0];
	v14 =	vor.u32 v7, v8;
	v8 =	vor.u32 v11, v10  }
0x4a7: {  	v18 =	vld [tilespmem:s0+$0xFFFFFFF0];
	s13 =	simm.s32 $0x5250;
	p2 =	por $0x1, $0x1;
	vm1 =	vlt.s32 v9, $0x0;
	v10 =	vand.u32 $0x1FFF, v9;
	v12 =	vor.u32 v7, v8  }
0x4a8: {  	_ =	sdelay $0x2  }
0x4a9: {  	v8 =	vshrl.u32 v17, $0xD;
	v9 =	vshrl.u32 v17, $0xA  }
0x4aa: {  	p6 =	sgt.s32 s20, $0x6;
	v8 =	vand.u32 $0x7F, v8;
	v9 =	vand.u32 $0x3C00, v9  }
.Ltmp49:
0x4ab: {  	v15 =	vshrl.u32 v18, $0xD;
	v16 =	vshrl.u32 v18, $0xA;
	v9 =	vor.u32 v9, v8;
	v8 =	vld [tilespmem:s13+$0x0];
	(pc) =	sbr.rel @!p6 .LBB2_86-.Ltmp49, $4  }
0x4ac: {  	v11 =	vld.idx.msk [tilespmem:v14+s6+$0x0], $0xffff;
	v14 =	vand.u32 $0x7F, v15;
	v15 =	vand.u32 $0x3C00, v16  }
0x4ad: {  	v19 =	vor.u32 v15, v14;
	v14 =	vor.u32 v7, v9;
	v9 =	vld [tilespmem:s13+$0xFFFFFFF0]  }
0x4ae: {  	vm0 =	vmmov vm1;
	vm2 =	vlt.s32 v13, $0x0;
	v15 =	vand.u32 $0x1FFF, v13  }
0x4af: {  	s0 =	simm.s32 $0x6;
	p4 =	por $0x1, $0x1;
	vm1 =	vlt.s32 v18, $0x0;
	v18 =	vand.u32 $0x1FFF, v18;
	v16 =	vld.idx.msk [tilespmem:v12+s6+$0x0], $0xffff;
	s13 =	simm.s32 $0x5270;
	v12 =	vor.u32 v7, v19  }
.LBB2_87:
0x4b0: {  	v19 =	vshrl.u32 v8, $0xD;
	v20 =	vshrl.u32 v8, $0xA  }
0x4b1: {  	v13 =	vld [tilespmem:s13+$0x0];
	v21 =	vxor.u32 $0x80000000, v11;
	vm3 =	vmmov vm0;
	vm0 =	vmmov vm1;
	s0 =	sadd.s32 $0x2, s0  }
0x4b2: {  	v25 =	vand.u32 $0x7F, v19;
	v20 =	vand.u32 $0x3C00, v20;
	v21 =	vsel vm2, v21, v11;
	v11 =	vld.idx.msk [tilespmem:v14+s6+$0x0], $0xffff;
	v22 =	vmovc v9;
	p6 =	slt.s32 s0, s20  }
.Ltmp50:
0x4b3: {  	v14 =	vshrl.u32 v22, $0xD;
	v23 =	vshrl.u32 v22, $0xA;
	v24 =	vor.u32 v20, v25;
	[tilespmem:v15+s8+$0x0] =	vst.idx.add.f32.msk $0xffff, v21;
	(pc) =	sbr.rel @p6 .LBB2_87-.Ltmp50, $4  }
0x4b4: {  	v9 =	vld [tilespmem:s13+$0xFFFFFFF0];
	v15 =	vand.u32 $0x7F, v14;
	v20 =	vand.u32 $0x3C00, v23;
	v14 =	vor.u32 v7, v24;
	v19 =	vmovc v16  }
0x4b5: {  	v20 =	vor.u32 v20, v15;
	v16 =	vld.idx.msk [tilespmem:v12+s6+$0x0], $0xffff;
	v15 =	vand.u32 $0x1FFF, v17;
	v21 =	vxor.u32 $0x80000000, v19  }
0x4b6: {  	vm1 =	vlt.s32 v22, $0x0;
	v12 =	vor.u32 v7, v20;
	v19 =	vsel vm3, v21, v19  }
0x4b7: {  	vm2 =	vlt.s32 v17, $0x0;
	s13 =	sadd.s32 $0x20, s13;
	v17 =	vmovc v8;
	v8 =	vmovc v13;
	[tilespmem:v10+s8+$0x0] =	vst.idx.add.f32.msk $0xffff, v19;
	v10 =	vmov v18;
	v18 =	vand.u32 $0x1FFF, v22  }
0x4b8: {  	v19 =	vmov v10;
	v13 =	vmov v17;
	v10 =	vmov v18  }
.LBB2_89:
0x4b9: {  	v17 =	vshrl.u32 v8, $0xD;
	v18 =	vshrl.u32 v8, $0xA;
	v20 =	vshrl.u32 v9, $0xD  }
0x4ba: {  	v21 =	vshrl.u32 v9, $0xA;
	v17 =	vand.u32 $0x7F, v17;
	v18 =	vand.u32 $0x3C00, v18  }
0x4bb: {  	v58 =	vand.u32 $0x7F, v20;
	v59 =	vand.u32 $0x3C00, v21;
	v17 =	vor.u32 v18, v17  }
0x4bc: {  	v18 =	vor.u32 v59, v58;
	v17 =	vor.u32 v7, v17  }
0x4bd: {  	v18 =	vor.u32 v7, v18  }
0x4be: {  	v14 =	vld.idx.msk @p2 [tilespmem:v14+s6+$0x0], $0xffff;
	vm0 =	vmmov @p4 vm0  }
0x4bf: {  	v12 =	vld.idx.msk @p2 [tilespmem:v12+s6+$0x0], $0xffff;
	vm1 =	vmmov @p2 vm1;
	vm14 =	vlt.s32 v9, $0x0;
	v20 =	vxor.u32 @p4 $0x80000000, v11  }
0x4c0: {  	v21 =	vand.u32 @p2 $0x1FFF, v13;
	v11 =	vsel @p4 vm2, v20, v11;
	v20 =	vxor.u32 @p4 $0x80000000, v16  }
0x4c1: {  	v60 =	vand.u32 $0x1FFF, v9;
	v16 =	vsel @p4 vm0, v20, v16;
	v20 =	vpsel p2, v21, v0;
	v17 =	vld.idx.msk [tilespmem:v17+s6+$0x0], $0xffff  }
0x4c2: {  	v10 =	vpsel p2, v10, v0;
	v62 =	vand.u32 $0x1FFF, v8;
	vm15 =	vlt.s32 v8, $0x0;
	v61 =	vld.idx.msk [tilespmem:v18+s6+$0x0], $0xffff  }
0x4c3: {  	vm1 =	vmmov @p2 vm1;
	vm2 =	vlt.s32 @p2 v13, $0x0;
	v13 =	vpsel p2, v14, v0  }
0x4c4: {  	[tilespmem:v15+s8+$0x0] =	vst.idx.add.f32.msk @p4 $0xffff, v11;
	vm2 =	vmmov @p2 vm2;
	v12 =	vpsel p2, v12, v0;
	v11 =	vxor.u32 @p2 $0x80000000, v13  }
0x4c5: {  	vm1 =	vmmov @p2 vm1;
	[tilespmem:v19+s8+$0x0] =	vst.idx.add.f32.msk @p4 $0xffff, v16;
	v11 =	vsel @p2 vm2, v11, v13;
	v13 =	vxor.u32 @p2 $0x80000000, v12  }
0x4c6: {  	vm0 =	vmmov vm14;
	[tilespmem:v20+s8+$0x0] =	vst.idx.add.f32.msk @p2 $0xffff, v11;
	v11 =	vsel @p2 vm1, v13, v12;
	v8 =	vxor.u32 $0x80000000, v17  }
0x4c7: {  	vm0 =	vmmov vm0;
	[tilespmem:v10+s8+$0x0] =	vst.idx.add.f32.msk @p2 $0xffff, v11;
	v63 =	vxor.u32 $0x80000000, v61;
	v8 =	vsel vm15, v8, v17  }
0x4c8: {  	[tilespmem:v62+s8+$0x0] =	vst.idx.add.f32.msk $0xffff, v8;
	v8 =	vsel vm0, v63, v61  }
0x4c9: {  	[tilespmem:v60+s8+$0x0] =	vst.idx.add.f32.msk $0xffff, v8  }
.LBB2_90:
0x4ca: {  	s31 =	sshra.s32 @!p3 s24, $0x2  }
0x4cb: {  	v8 =	vld @!p3 [tilespmem:s31+$0x5200];
	_ =	sdelay $0x4  }
0x4cc: {  	v9 =	vshrl.u32 @!p3 v8, $0xA  }
0x4cd: {  	v10 =	vshll.u32 @!p3 v6, $0x7;
	v11 =	vshrl.u32 @!p3 v8, $0xD;
	v9 =	vand.u32 @!p3 $0x3C00, v9  }
0x4ce: {  	v11 =	vand.u32 @!p3 $0x7F, v11;
	v9 =	vadd.s32 @!p3 v10, v9  }
0x4cf: {  	v9 =	vor.u32 @!p3 v11, v9;
	_ =	sdelay $0x3  }
0x4d0: {  	s0 =	simm.s32 @!p3 $0x6B80;
	s18 =	sld [smem:$0x7DE]  }
0x4d1: {  	v9 =	vld.idx.msk @!p3 [tilespmem:v9+s0+$0x0], $0xffff;
	_ =	sdelay $0x1  }
0x4d2: {  	p2 =	seq.s32 s18, $0x1;
	v10 =	vand.u32 @!p3 $0x1FFF, v8  }
.Ltmp51:
0x4d3: {  	_ = 	snop;
	(pc) =	sbr.rel @p2 .LBB2_100-.Ltmp51, $4  }
0x4d4: {  	_ = 	snop  }
0x4d5: {  	vm0 =	vlt.s32 @!p3 v8, $0x0;
	v8 =	vxor.u32 @!p3 $0x80000000, v9  }
0x4d6: {  	s0 =	simm.s32 @!p3 $0x2880;
	v8 =	vsel @!p3 vm0, v8, v9  }
0x4d7: {  	[tilespmem:v10+s0+$0x0] =	vst.idx.add.f32.msk @!p3 $0xffff, v8  }
0x4d8: {  	p6 =	sgt.s32 s21, $0x2  }
.Ltmp52:
0x4d9: {  	_ = 	snop;
	(pc) =	sbr.rel @!p6 .LBB2_92-.Ltmp52, $4  }
0x4da: {  	_ = 	snop  }
0x4db: {  	s0 =	simm.s32 $0x5A90  }
0x4dc: {  	v13 =	vld [tilespmem:s0+$0x0]  }
0x4dd: {  	p2 =	por $0x0, $0x0;
	p4 =	por $0x0, $0x0;
	v9 =	vld [tilespmem:s0+$0xFFFFFFF0];
	s0 =	simm.s32 $0x5AB0  }
0x4de: {  	_ =	sdelay $0x2  }
0x4df: {  	p6 =	sgt.s32 s21, $0x4;
	v8 =	vshrl.u32 v13, $0xD  }
.Ltmp53:
0x4e0: {  	v10 =	vshrl.u32 v13, $0xA;
	v8 =	vand.u32 $0x7F, v8;
	(pc) =	sbr.rel @!p6 .LBB2_94-.Ltmp53, $4  }
0x4e1: {  	v10 =	vand.u32 $0x3C00, v10;
	v11 =	vshrl.u32 v9, $0xD;
	v12 =	vshrl.u32 v9, $0xA  }
0x4e2: {  	v8 =	vor.u32 v10, v8;
	v10 =	vand.u32 $0x7F, v11;
	v11 =	vand.u32 $0x3C00, v12  }
0x4e3: {  	v17 =	vld [tilespmem:s0+$0x0];
	v14 =	vor.u32 v7, v8;
	v8 =	vor.u32 v11, v10  }
0x4e4: {  	v18 =	vld [tilespmem:s0+$0xFFFFFFF0];
	s13 =	simm.s32 $0x5AD0;
	p2 =	por $0x1, $0x1;
	vm1 =	vlt.s32 v9, $0x0;
	v10 =	vand.u32 $0x1FFF, v9;
	v12 =	vor.u32 v7, v8  }
0x4e5: {  	_ =	sdelay $0x2  }
0x4e6: {  	v8 =	vshrl.u32 v17, $0xD;
	v9 =	vshrl.u32 v17, $0xA  }
0x4e7: {  	p6 =	sgt.s32 s21, $0x6;
	v8 =	vand.u32 $0x7F, v8;
	v9 =	vand.u32 $0x3C00, v9  }
.Ltmp54:
0x4e8: {  	v15 =	vshrl.u32 v18, $0xD;
	v16 =	vshrl.u32 v18, $0xA;
	v9 =	vor.u32 v9, v8;
	v8 =	vld [tilespmem:s13+$0x0];
	(pc) =	sbr.rel @!p6 .LBB2_96-.Ltmp54, $4  }
0x4e9: {  	v11 =	vld.idx.msk [tilespmem:v14+s6+$0x0], $0xffff;
	v14 =	vand.u32 $0x7F, v15;
	v15 =	vand.u32 $0x3C00, v16  }
0x4ea: {  	v19 =	vor.u32 v15, v14;
	v14 =	vor.u32 v7, v9;
	v9 =	vld [tilespmem:s13+$0xFFFFFFF0]  }
0x4eb: {  	vm0 =	vmmov vm1;
	vm2 =	vlt.s32 v13, $0x0;
	v15 =	vand.u32 $0x1FFF, v13  }
0x4ec: {  	s0 =	simm.s32 $0x6;
	p4 =	por $0x1, $0x1;
	vm1 =	vlt.s32 v18, $0x0;
	v18 =	vand.u32 $0x1FFF, v18;
	v16 =	vld.idx.msk [tilespmem:v12+s6+$0x0], $0xffff;
	s13 =	simm.s32 $0x5AF0;
	v12 =	vor.u32 v7, v19  }
.LBB2_97:
0x4ed: {  	v19 =	vshrl.u32 v8, $0xD;
	v20 =	vshrl.u32 v8, $0xA  }
0x4ee: {  	v13 =	vld [tilespmem:s13+$0x0];
	v21 =	vxor.u32 $0x80000000, v11;
	vm3 =	vmmov vm0;
	vm0 =	vmmov vm1;
	s0 =	sadd.s32 $0x2, s0  }
0x4ef: {  	v25 =	vand.u32 $0x7F, v19;
	v20 =	vand.u32 $0x3C00, v20;
	v21 =	vsel vm2, v21, v11;
	v11 =	vld.idx.msk [tilespmem:v14+s6+$0x0], $0xffff;
	v22 =	vmovc v9;
	p6 =	slt.s32 s0, s21  }
.Ltmp55:
0x4f0: {  	v14 =	vshrl.u32 v22, $0xD;
	v23 =	vshrl.u32 v22, $0xA;
	v24 =	vor.u32 v20, v25;
	[tilespmem:v15+s1+$0x0] =	vst.idx.add.f32.msk $0xffff, v21;
	(pc) =	sbr.rel @p6 .LBB2_97-.Ltmp55, $4  }
0x4f1: {  	v9 =	vld [tilespmem:s13+$0xFFFFFFF0];
	v15 =	vand.u32 $0x7F, v14;
	v20 =	vand.u32 $0x3C00, v23;
	v14 =	vor.u32 v7, v24;
	v19 =	vmovc v16  }
0x4f2: {  	v20 =	vor.u32 v20, v15;
	v16 =	vld.idx.msk [tilespmem:v12+s6+$0x0], $0xffff;
	v15 =	vand.u32 $0x1FFF, v17;
	v21 =	vxor.u32 $0x80000000, v19  }
0x4f3: {  	vm1 =	vlt.s32 v22, $0x0;
	v12 =	vor.u32 v7, v20;
	v19 =	vsel vm3, v21, v19  }
0x4f4: {  	vm2 =	vlt.s32 v17, $0x0;
	s13 =	sadd.s32 $0x20, s13;
	v17 =	vmovc v8;
	v8 =	vmovc v13;
	[tilespmem:v10+s1+$0x0] =	vst.idx.add.f32.msk $0xffff, v19;
	v10 =	vmov v18;
	v18 =	vand.u32 $0x1FFF, v22  }
0x4f5: {  	v19 =	vmov v10;
	v13 =	vmov v17;
	v10 =	vmov v18  }
.LBB2_99:
0x4f6: {  	v17 =	vshrl.u32 v8, $0xD;
	v18 =	vshrl.u32 v8, $0xA;
	v20 =	vshrl.u32 v9, $0xD  }
0x4f7: {  	v21 =	vshrl.u32 v9, $0xA;
	v17 =	vand.u32 $0x7F, v17;
	v18 =	vand.u32 $0x3C00, v18  }
0x4f8: {  	v58 =	vand.u32 $0x7F, v20;
	v59 =	vand.u32 $0x3C00, v21;
	v17 =	vor.u32 v18, v17  }
0x4f9: {  	v18 =	vor.u32 v59, v58;
	v17 =	vor.u32 v7, v17  }
0x4fa: {  	v18 =	vor.u32 v7, v18  }
0x4fb: {  	v14 =	vld.idx.msk @p2 [tilespmem:v14+s6+$0x0], $0xffff;
	vm0 =	vmmov @p4 vm0  }
0x4fc: {  	v12 =	vld.idx.msk @p2 [tilespmem:v12+s6+$0x0], $0xffff;
	vm1 =	vmmov @p2 vm1;
	vm14 =	vlt.s32 v9, $0x0;
	v20 =	vxor.u32 @p4 $0x80000000, v11  }
0x4fd: {  	v21 =	vand.u32 @p2 $0x1FFF, v13;
	v11 =	vsel @p4 vm2, v20, v11;
	v20 =	vxor.u32 @p4 $0x80000000, v16  }
0x4fe: {  	v60 =	vand.u32 $0x1FFF, v9;
	v16 =	vsel @p4 vm0, v20, v16;
	v20 =	vpsel p2, v21, v0;
	v17 =	vld.idx.msk [tilespmem:v17+s6+$0x0], $0xffff  }
0x4ff: {  	v10 =	vpsel p2, v10, v0;
	v62 =	vand.u32 $0x1FFF, v8;
	vm15 =	vlt.s32 v8, $0x0;
	v61 =	vld.idx.msk [tilespmem:v18+s6+$0x0], $0xffff  }
0x500: {  	vm1 =	vmmov @p2 vm1;
	vm2 =	vlt.s32 @p2 v13, $0x0;
	v13 =	vpsel p2, v14, v0  }
0x501: {  	[tilespmem:v15+s1+$0x0] =	vst.idx.add.f32.msk @p4 $0xffff, v11;
	vm2 =	vmmov @p2 vm2;
	v12 =	vpsel p2, v12, v0;
	v11 =	vxor.u32 @p2 $0x80000000, v13  }
0x502: {  	vm1 =	vmmov @p2 vm1;
	[tilespmem:v19+s1+$0x0] =	vst.idx.add.f32.msk @p4 $0xffff, v16;
	v11 =	vsel @p2 vm2, v11, v13;
	v13 =	vxor.u32 @p2 $0x80000000, v12  }
0x503: {  	vm0 =	vmmov vm14;
	[tilespmem:v20+s1+$0x0] =	vst.idx.add.f32.msk @p2 $0xffff, v11;
	v11 =	vsel @p2 vm1, v13, v12;
	v8 =	vxor.u32 $0x80000000, v17  }
0x504: {  	vm0 =	vmmov vm0;
	[tilespmem:v10+s1+$0x0] =	vst.idx.add.f32.msk @p2 $0xffff, v11;
	v63 =	vxor.u32 $0x80000000, v61;
	v8 =	vsel vm15, v8, v17  }
0x505: {  	[tilespmem:v62+s1+$0x0] =	vst.idx.add.f32.msk $0xffff, v8;
	v8 =	vsel vm0, v63, v61  }
0x506: {  	[tilespmem:v60+s1+$0x0] =	vst.idx.add.f32.msk $0xffff, v8  }
.LBB2_100:
0x507: {  	s17 =	sshra.s32 @!p5 s25, $0x2  }
0x508: {  	v8 =	vld @!p5 [tilespmem:s17+$0x5A80];
	_ =	sdelay $0x4  }
0x509: {  	v9 =	vshrl.u32 @!p5 v8, $0xA  }
0x50a: {  	v10 =	vshll.u32 @!p5 v6, $0x7;
	v11 =	vshrl.u32 @!p5 v8, $0xD;
	v9 =	vand.u32 @!p5 $0x3C00, v9  }
0x50b: {  	v11 =	vand.u32 @!p5 $0x7F, v11;
	v9 =	vadd.s32 @!p5 v10, v9  }
0x50c: {  	v9 =	vor.u32 @!p5 v11, v9;
	_ =	sdelay $0x3  }
0x50d: {  	s0 =	simm.s32 @!p5 $0x6B80;
	s18 =	sld [smem:$0x7DF]  }
0x50e: {  	v9 =	vld.idx.msk @!p5 [tilespmem:v9+s0+$0x0], $0xffff;
	_ =	sdelay $0x1  }
0x50f: {  	p2 =	seq.s32 s18, $0x1;
	v10 =	vand.u32 @!p5 $0x1FFF, v8  }
.Ltmp56:
0x510: {  	_ = 	snop;
	(pc) =	sbr.rel @p2 .LBB2_110-.Ltmp56, $4  }
0x511: {  	_ = 	snop  }
0x512: {  	vm0 =	vlt.s32 @!p5 v8, $0x0;
	v8 =	vxor.u32 @!p5 $0x80000000, v9  }
0x513: {  	s0 =	simm.s32 @!p5 $0x3900;
	v8 =	vsel @!p5 vm0, v8, v9  }
0x514: {  	[tilespmem:v10+s0+$0x0] =	vst.idx.add.f32.msk @!p5 $0xffff, v8  }
0x515: {  	s0 =	simm.s32 $0x6310  }
0x516: {  	v11 =	vld [tilespmem:s0+$0xFFFFFFF0]  }
0x517: {  	v10 =	vld [tilespmem:s0+$0x0]  }
0x518: {  	p6 =	sgt.s32 s22, $0x2  }
.Ltmp57:
0x519: {  	_ = 	snop;
	(pc) =	sbr.rel @!p6 .LBB2_102-.Ltmp57, $4  }
0x51a: {  	_ = 	snop  }
0x51b: {  	v8 =	vshll.u32 v11, $0x3  }
0x51c: {  	v9 =	vand.u32 $0x7F, v11;
	v8 =	vand.u32 $0xFFFFFC00, v8  }
0x51d: {  	p2 =	por $0x0, $0x0;
	p4 =	por $0x0, $0x0;
	v12 =	vor.u32 v8, v9  }
0x51e: {  	_ =	sdelay $0x1  }
0x51f: {  	s0 =	simm.s32 $0x6330  }
0x520: {  	v15 =	vld [tilespmem:s0+$0xFFFFFFF0]  }
0x521: {  	v24 =	vld.idx.msk [tilespmem:v11+s1+$0x0], $0xffff  }
0x522: {  	v14 =	vld.idx.msk [tilespmem:v11+s2+$0x0], $0xffff;
	p6 =	sgt.s32 s22, $0x4  }
.Ltmp58:
0x523: {  	v17 =	vld.idx.msk [tilespmem:v11+s8+$0x0], $0xffff;
	(pc) =	sbr.rel @!p6 .LBB2_104-.Ltmp58, $4  }
0x524: {  	v13 =	vld.idx.msk [tilespmem:v10+s2+$0x0], $0xffff  }
0x525: {  	v27 =	vand.u32 $0x7F, v10;
	v21 =	vld [tilespmem:s0+$0x0];
	v8 =	vshll.u32 v15, $0x3  }
0x526: {  	vm0 =	vlt.s32 v11, $0x1000;
	v18 =	vld.idx.msk [tilespmem:v10+s8+$0x0], $0xffff;
	v9 =	vand.u32 $0x7F, v15;
	v8 =	vand.u32 $0xFFFFFC00, v8  }
0x527: {  	v25 =	vshll.u32 v10, $0x3;
	v20 =	vor.u32 v7, v12;
	v19 =	vld.idx.msk [tilespmem:v10+s1+$0x0], $0xffff;
	p2 =	por $0x1, $0x1;
	v28 =	vor.u32 v8, v9  }
0x528: {  	_ =	sdelay $0x1  }
0x529: {  	s13 =	simm.s32 $0x6350;
	v8 =	vmul.f32 v17, v14;
	v12 =	vand.u32 $0xFFFFFC00, v25  }
0x52a: {  	vm1 =	vlt.s32 v10, $0x1000;
	v9 =	vld [tilespmem:s13+$0xFFFFFFF0];
	v12 =	vor.u32 v12, v27;
	v13 =	vmul.f32 v18, v13  }
0x52b: {  	v26 =	vld.idx.msk [tilespmem:v15+s1+$0x0], $0xffff;
	v8 =	vmul.f32 v24, v8;
	v12 =	vor.u32 v7, v12  }
0x52c: {  	v14 =	vld.idx.msk [tilespmem:v15+s2+$0x0], $0xffff;
	p6 =	sgt.s32 s22, $0x6;
	v16 =	vmul.f32 v19, v13  }
.Ltmp59:
0x52d: {  	v17 =	vld.idx.msk [tilespmem:v15+s8+$0x0], $0xffff;
	[tilespmem:v20+s15+$0x0] =	vst.idx.msk vm0, v8;
	(pc) =	sbr.rel @!p6 .LBB2_106-.Ltmp59, $4  }
0x52e: {  	v22 =	vmov v15;
	v8 =	vld [tilespmem:s13+$0x0];
	[tilespmem:v11+s2+$0x0] =	vst.idx.msk $0xffff, v3  }
0x52f: {  	v23 =	vmovc v15;
	v24 =	vand.u32 $0x7F, v21;
	v25 =	vshll.u32 v21, $0x3;
	v18 =	vld.idx.msk [tilespmem:v21+s8+$0x0], $0xffff;
	v19 =	vshll.u32 v9, $0x3;
	[tilespmem:v11+s8+$0x0] =	vst.idx.msk $0xffff, v3  }
0x530: {  	vm0 =	vlt.s32 v15, $0x1000;
	v13 =	vld.idx.msk [tilespmem:v21+s2+$0x0], $0xffff;
	v20 =	vand.u32 $0x7F, v9;
	v19 =	vand.u32 $0xFFFFFC00, v19;
	[tilespmem:v12+s15+$0x0] =	vst.idx.msk vm1, v16;
	v16 =	vmovc v9  }
0x531: {  	s0 =	simm.s32 $0x6;
	p4 =	por $0x1, $0x1;
	v12 =	vor.u32 v19, v20;
	v20 =	vor.u32 v7, v28;
	v19 =	vld.idx.msk [tilespmem:v21+s1+$0x0], $0xffff;
	[tilespmem:v10+s2+$0x0] =	vst.idx.msk $0xffff, v3  }
.LBB2_107:
0x532: {  	v27 =	vmov v9;
	v17 =	vmul.f32 v17, v14  }
0x533: {  	s0 =	sadd.s32 $0x2, s0;
	v29 =	vand.u32 $0x7F, v8;
	s13 =	sadd.s32 $0x20, s13;
	v14 =	vand.u32 $0xFFFFFC00, v25;
	v25 =	vmovc v8;
	v30 =	vmov v8;
	v28 =	vld.idx.msk [tilespmem:v9+s1+$0x0], $0xffff;
	[tilespmem:v10+s8+$0x0] =	vst.idx.msk $0xffff, v3  }
0x534: {  	vm1 =	vlt.s32 v21, $0x1000;
	p6 =	slt.s32 s0, s22;
	v31 =	vor.u32 v14, v24;
	v24 =	vmovc v29;
	v9 =	vld [tilespmem:s13+$0xFFFFFFF0];
	[tilespmem:v10+s1+$0x0] =	vst.idx.msk $0xffff, v3;
	v10 =	vmov v21  }
0x535: {  	v26 =	vmul.f32 v26, v17;
	v29 =	vor.u32 v7, v31;
	v14 =	vld.idx.msk [tilespmem:v16+s2+$0x0], $0xffff;
	[tilespmem:v11+s1+$0x0] =	vst.idx.msk $0xffff, v3  }
0x536: {  	v18 =	vmul.f32 v18, v13;
	v21 =	vmovc v8;
	v11 =	vmov v15;
	v15 =	vmov v16;
	v17 =	vld.idx.msk [tilespmem:v16+s8+$0x0], $0xffff  }
.Ltmp60:
0x537: {  	v8 =	vld [tilespmem:s13+$0x0];
	[tilespmem:v20+s15+$0x0] =	vst.idx.msk vm0, v26;
	(pc) =	sbr.rel @p6 .LBB2_107-.Ltmp60, $4  }
0x538: {  	v19 =	vmul.f32 v19, v18;
	v13 =	vld.idx.msk [tilespmem:v30+s2+$0x0], $0xffff;
	[tilespmem:v22+s2+$0x0] =	vst.idx.msk $0xffff, v3;
	v22 =	vmov v27  }
0x539: {  	vm0 =	vlt.s32 v15, $0x1000;
	v26 =	vmovc v28;
	v20 =	vshll.u32 v9, $0x3;
	v18 =	vld.idx.msk [tilespmem:v25+s8+$0x0], $0xffff;
	[tilespmem:v23+s8+$0x0] =	vst.idx.msk $0xffff, v3;
	v16 =	vmov v9  }
0x53a: {  	v25 =	vshll.u32 v21, $0x3;
	v23 =	vmovc v27;
	v28 =	vand.u32 $0x7F, v16;
	v30 =	vand.u32 $0xFFFFFC00, v20;
	[tilespmem:v29+s15+$0x0] =	vst.idx.msk vm1, v19  }
0x53b: {  	v20 =	vor.u32 v7, v12;
	v12 =	vor.u32 v30, v28;
	v19 =	vld.idx.msk [tilespmem:v21+s1+$0x0], $0xffff;
	[tilespmem:v10+s2+$0x0] =	vst.idx.msk $0xffff, v3  }
.Ltmp61:
0x53c: {  	(pc) =	sbr.rel .LBB2_109-.Ltmp61, $3  }
0x53d: {  	_ =	sdelay $0x1  }
0x53e: {  	v29 =	vmov v10  }
0x53f: {  	v30 =	vmovc v11;
	v10 =	vmovc v21;
	v27 =	vmov v24;
	v24 =	vmov v26;
	v11 =	vmov v15  }
.LBB2_72:
.Ltmp62:
0x540: {  	(pc) =	sbr.rel .LBB2_79-.Ltmp62, $2  }
0x541: {  	_ =	sdelay $0x2  }
0x542: {  	v8 =	vmov v13  }
.LBB2_82:
.Ltmp63:
0x543: {  	(pc) =	sbr.rel .LBB2_89-.Ltmp63, $2  }
0x544: {  	_ =	sdelay $0x2  }
0x545: {  	v8 =	vmov v13  }
.LBB2_92:
.Ltmp64:
0x546: {  	(pc) =	sbr.rel .LBB2_99-.Ltmp64, $2  }
0x547: {  	_ =	sdelay $0x2  }
0x548: {  	v8 =	vmov v13  }
.LBB2_74:
.Ltmp65:
0x549: {  	_ = 	snop;
	(pc) =	sbr.rel .LBB2_79-.Ltmp65, $2  }
0x54a: {  	_ =	sdelay $0x2  }
0x54b: {  	v8 =	vmov v17;
	v9 =	vmov v18  }
.LBB2_84:
.Ltmp66:
0x54c: {  	_ = 	snop;
	(pc) =	sbr.rel .LBB2_89-.Ltmp66, $2  }
0x54d: {  	_ =	sdelay $0x2  }
0x54e: {  	v8 =	vmov v17;
	v9 =	vmov v18  }
.LBB2_94:
.Ltmp67:
0x54f: {  	_ = 	snop;
	(pc) =	sbr.rel .LBB2_99-.Ltmp67, $2  }
0x550: {  	_ =	sdelay $0x2  }
0x551: {  	v8 =	vmov v17;
	v9 =	vmov v18  }
.LBB2_104:
.Ltmp68:
0x552: {  	(pc) =	sbr.rel .LBB2_109-.Ltmp68, $3  }
0x553: {  	_ =	sdelay $0x1  }
0x554: {  	v9 =	vmov v15  }
0x555: {  	v16 =	vmovc v15;
	v22 =	vmovc v11;
	v23 =	vmov v11;
	v12 =	vmov v28;
	v8 =	vmov v21  }
.LBB2_76:
.Ltmp69:
0x556: {  	(pc) =	sbr.rel .LBB2_79-.Ltmp69, $2  }
0x557: {  	_ =	sdelay $0x2  }
0x558: {  	v19 =	vmov v10;
	v13 =	vmov v17;
	v10 =	vmov v18  }
.LBB2_86:
.Ltmp70:
0x559: {  	(pc) =	sbr.rel .LBB2_89-.Ltmp70, $2  }
0x55a: {  	_ =	sdelay $0x2  }
0x55b: {  	v19 =	vmov v10;
	v13 =	vmov v17;
	v10 =	vmov v18  }
.LBB2_96:
.Ltmp71:
0x55c: {  	(pc) =	sbr.rel .LBB2_99-.Ltmp71, $2  }
0x55d: {  	_ =	sdelay $0x2  }
0x55e: {  	v19 =	vmov v10;
	v13 =	vmov v17;
	v10 =	vmov v18  }
.LBB2_106:
.Ltmp72:
0x55f: {  	(pc) =	sbr.rel .LBB2_109-.Ltmp72, $3  }
0x560: {  	_ =	sdelay $0x1  }
0x561: {  	v29 =	vmovc v10;
	v30 =	vmov v11;
	v10 =	vmov v21;
	v27 =	vmov v24  }
0x562: {  	v16 =	vmovc v9;
	v24 =	vmovc v26;
	v11 =	vmov v15;
	v22 =	vmov v15;
	v23 =	vmov v15  }
.LBB2_111:
0x563: {  	p2 =	sne.s32 s28, $0x7  }
.Ltmp73:
0x564: {  	_ = 	snop;
	(pc) =	sbr.rel @p2 .LBB2_113-.Ltmp73, $4  }
0x565: {  	_ = 	snop  }
0x566: {  	s11 =	sshll.u32 s28, $0xD;
	s0 =	rddreg [dreg:$0xb]  }
0x567: {  	s0 =	sadd.s32 s11, s0  }
0x568: {  	[hbm4b:s0+s9] =	stream.linear.scatter [tilespmem:s15], [sflag:$0x3], $0x8000, $0x38;
	[tilespmem:$0x1EB80] =	vst v63  }
.Ltmp74:
0x569: {  	(pc) =	sbr.rel .LBB2_114-.Ltmp74, $4  }
0x56a: {  	_ = 	snop  }
0x56b: {  	_ =	swait.ge [sflag:s4], $0x4000  }
0x56c: {  	[sflag:s4] =	ssyncset.done $0x0  }
0x56d: {  	[sflag:s4] =	ssyncadd.s32 $0xFFFFC000  }
.LBB2_113:
0x56e: {  	s0 =	rddreg [dreg:$0xc]  }
0x56f: {  	s0 =	sadd.s32 s29, s0  }
0x570: {  	s0 =	sshll.u32 s0, $0xB  }
0x571: {  	s5 =	rddreg [dreg:$0x0];
	s0 =	sand.u32 $0x1FFFF000, s0  }
0x572: {  	s0 =	sadd.s32 s5, s0  }
0x573: {  	[tilespmem:s6], [sflag:$0x1] =	stream.linear.gather [hbm4b:s0+s9], $0x4000, $0x38;
	[tilespmem:$0x1EB80] =	vst v63  }
0x574: {  	_ =	swait.ge [sflag:s4], $0x4000  }
0x575: {  	s14 =	sld [smem:$0x7DB];
	_ =	sdelay $0x2  }
0x576: {  	p2 =	seq.s32 s14, $0x1  }
.Ltmp75:
0x577: {  	_ = 	snop;
	(pc) =	sbr.rel @p2 .LBB2_115-.Ltmp75, $3  }
0x578: {  	_ =	sdelay $0x1  }
0x579: {  	[sflag:s4] =	ssyncset.done $0x0  }
0x57a: {  	[sflag:s4] =	ssyncadd.s32 $0xFFFFC000  }
.LBB2_114:
0x57b: {  	_ =	swait.ge [sflag:s10], $0x8000  }
0x57c: {  	[sflag:s10] =	ssyncset.done $0x0  }
0x57d: {  	[sflag:s10] =	ssyncadd.s32 $0xFFFF8000  }
.LBB2_115:
.Ltmp76:
0x57e: {  	(pc) =	sbr.rel .LBB2_116-.Ltmp76, $2  }
0x57f: {  	_ =	sdelay $0x2  }
0x580: {  	s13 =	simm.s32 $0x0  }
.LBB2_148:
0x581: {  	v9 =	vmov v11;
	v8 =	vmov v10;
	v16 =	vmov v11  }
.LBB2_155:
0x582: {  	_ =	sdelay $0x2  }
0x583: {  	v14 =	vmul.f32 @p2 v17, v14;
	v15 =	vand.u32 @p2 $0xFFFFFC00, v25  }
0x584: {  	[tilespmem:v29+s8+$0x0] =	vst.idx.msk @p4 $0xffff, v3;
	vm1 =	vlt.s32 @p2 v10, $0x1000;
	v15 =	vor.u32 @p2 v15, v27  }
0x585: {  	v53 =	vld.idx.msk [tilespmem:v16+s2+$0x0], $0xffff;
	[tilespmem:v30+s1+$0x0] =	vst.idx.msk @p4 $0xffff, v3;
	v14 =	vmul.f32 @p2 v24, v14;
	v15 =	vor.u32 @p2 v7, v15  }
0x586: {  	v21 =	vld.idx.msk [tilespmem:v16+s8+$0x0], $0xffff;
	v11 =	vpsel p2, v11, v0;
	[tilespmem:v29+s1+$0x0] =	vst.idx.msk @p4 $0xffff, v3;
	v13 =	vmul.f32 @p2 v18, v13  }
0x587: {  	v54 =	vld.idx.msk [tilespmem:v9+s1+$0x0], $0xffff;
	[tilespmem:v20+s16+$0x0] =	vst.idx.msk @p2 vm0, v14  }
0x588: {  	v55 =	vld.idx.msk [tilespmem:v8+s2+$0x0], $0xffff;
	v13 =	vmul.f32 @p2 v19, v13;
	v14 =	vpsel p2, v10, v0;
	[tilespmem:v22+s2+$0x0] =	vst.idx.msk @p2 $0xffff, v3  }
0x589: {  	vm14 =	vlt.s32 v16, $0x1000;
	v56 =	vld.idx.msk [tilespmem:v8+s8+$0x0], $0xffff;
	[tilespmem:v23+s8+$0x0] =	vst.idx.msk @p2 $0xffff, v3  }
0x58a: {  	v57 =	vshll.u32 v8, $0x3;
	v12 =	vor.u32 v7, v12;
	[tilespmem:v15+s16+$0x0] =	vst.idx.msk @p2 vm1, v13  }
0x58b: {  	v58 =	vand.u32 $0x7F, v8;
	v59 =	vld.idx.msk [tilespmem:v8+s1+$0x0], $0xffff;
	v61 =	vand.u32 $0xFFFFFC00, v57;
	v60 =	vmul.f32 v21, v53;
	[tilespmem:v11+s1+$0x0] =	vst.idx.msk @p2 $0xffff, v3  }
0x58c: {  	vm15 =	vlt.s32 v8, $0x1000;
	v13 =	vor.u32 v61, v58;
	[tilespmem:v10+s2+$0x0] =	vst.idx.msk @p2 $0xffff, v3  }
0x58d: {  	v10 =	vmul.f32 v54, v60;
	v7 =	vor.u32 v7, v13;
	[tilespmem:v14+s8+$0x0] =	vst.idx.msk @p2 $0xffff, v3  }
0x58e: {  	v62 =	vmul.f32 v56, v55;
	[tilespmem:v14+s1+$0x0] =	vst.idx.msk @p2 $0xffff, v3  }
0x58f: {  	[tilespmem:v12+s16+$0x0] =	vst.idx.msk vm14, v10  }
0x590: {  	v63 =	vmul.f32 v59, v62;
	[tilespmem:v9+s2+$0x0] =	vst.idx.msk $0xffff, v3  }
0x591: {  	[tilespmem:v9+s8+$0x0] =	vst.idx.msk $0xffff, v3  }
0x592: {  	[tilespmem:v7+s16+$0x0] =	vst.idx.msk vm15, v63  }
0x593: {  	[tilespmem:v16+s1+$0x0] =	vst.idx.msk $0xffff, v3  }
0x594: {  	[tilespmem:v8+s2+$0x0] =	vst.idx.msk $0xffff, v3  }
0x595: {  	[tilespmem:v8+s8+$0x0] =	vst.idx.msk $0xffff, v3  }
0x596: {  	[tilespmem:v8+s1+$0x0] =	vst.idx.msk $0xffff, v3  }
.LBB2_156:
0x597: {  	v7 =	vld @!p1 [tilespmem:s18+$0x6300];
	_ =	sdelay $0x6  }
0x598: {  	s0 =	simm.s32 @!p1 $0x1800  }
0x599: {  	s12 =	simm.s32 @!p1 $0x2880;
	v8 =	vld.idx.msk @!p1 [tilespmem:v7+s0+$0x0], $0xffff  }
0x59a: {  	v9 =	vld.idx.msk @!p1 [tilespmem:v7+s12+$0x0], $0xffff  }
0x59b: {  	s14 =	simm.s32 @!p1 $0x3900;
	v10 =	vshll.u32 @!p1 v7, $0x3  }
0x59c: {  	v6 =	vshll.u32 @!p1 v6, $0x7;
	v10 =	vand.u32 @!p1 $0xFFFFFC00, v10;
	v11 =	vld.idx.msk @!p1 [tilespmem:v7+s14+$0x0], $0xffff  }
0x59d: {  	vm0 =	vlt.s32 @!p1 v7, $0x1000;
	v6 =	vadd.s32 @!p1 v6, v10;
	v10 =	vand.u32 @!p1 $0x7F, v7  }
0x59e: {  	v6 =	vor.u32 @!p1 v10, v6  }
0x59f: {  	v8 =	vmul.f32 @!p1 v9, v8  }
0x5a0: {  	s13 =	sadd.s32 $0x1, s13  }
0x5a1: {  	p2 =	sne.s32 s13, $0x8;
	v8 =	vmul.f32 @!p1 v11, v8  }
.Ltmp77:
0x5a2: {  	s5 =	simm.s32 @!p1 $0x16B80;
	(pc) =	sbr.rel @!p2 .LBB2_157-.Ltmp77, $4  }
0x5a3: {  	[tilespmem:v6+s5+$0x0] =	vst.idx.msk @!p1 vm0, v8;
	v6 =	vimm.f32 @!p1 $0.0e+00  }
0x5a4: {  	[tilespmem:v7+s0+$0x0] =	vst.idx.msk @!p1 $0xffff, v6  }
0x5a5: {  	[tilespmem:v7+s12+$0x0] =	vst.idx.msk @!p1 $0xffff, v6  }
0x5a6: {  	[tilespmem:v7+s14+$0x0] =	vst.idx.msk @!p1 $0xffff, v6  }
.LBB2_116:
0x5a7: {  	s0 =	sld [smem:$0x7DC];
	_ =	sdelay $0x2  }
0x5a8: {  	p2 =	seq.s32 s0, $0x1  }
.Ltmp78:
0x5a9: {  	_ = 	snop;
	(pc) =	sbr.rel @p2 .LBB2_126-.Ltmp78, $3  }
0x5aa: {  	_ =	sdelay $0x1  }
0x5ab: {  	v6 =	vmov s13  }
0x5ac: {  	v7 =	vshll.u32 v6, $0x7  }
0x5ad: {  	p6 =	sgt.s32 s19, $0x2  }
.Ltmp79:
0x5ae: {  	_ = 	snop;
	(pc) =	sbr.rel @!p6 .LBB2_118-.Ltmp79, $4  }
0x5af: {  	_ = 	snop  }
0x5b0: {  	s0 =	simm.s32 $0x4990  }
0x5b1: {  	v13 =	vld [tilespmem:s0+$0x0]  }
0x5b2: {  	p2 =	por $0x0, $0x0;
	p4 =	por $0x0, $0x0;
	v9 =	vld [tilespmem:s0+$0xFFFFFFF0];
	s0 =	simm.s32 $0x49B0  }
0x5b3: {  	_ =	sdelay $0x2  }
0x5b4: {  	p6 =	sgt.s32 s19, $0x4;
	v8 =	vshrl.u32 v13, $0xD  }
.Ltmp80:
0x5b5: {  	v10 =	vshrl.u32 v13, $0xA;
	v8 =	vand.u32 $0x7F, v8;
	(pc) =	sbr.rel @!p6 .LBB2_120-.Ltmp80, $4  }
0x5b6: {  	v10 =	vand.u32 $0x3C00, v10;
	v11 =	vshrl.u32 v9, $0xD;
	v12 =	vshrl.u32 v9, $0xA  }
0x5b7: {  	v8 =	vor.u32 v10, v8;
	v10 =	vand.u32 $0x7F, v11;
	v11 =	vand.u32 $0x3C00, v12  }
0x5b8: {  	v17 =	vld [tilespmem:s0+$0x0];
	v14 =	vor.u32 v7, v8;
	v8 =	vor.u32 v11, v10  }
0x5b9: {  	v18 =	vld [tilespmem:s0+$0xFFFFFFF0];
	s14 =	simm.s32 $0x49D0;
	p2 =	por $0x1, $0x1;
	vm1 =	vlt.s32 v9, $0x0;
	v10 =	vand.u32 $0x1FFF, v9;
	v12 =	vor.u32 v7, v8  }
0x5ba: {  	_ =	sdelay $0x2  }
0x5bb: {  	v8 =	vshrl.u32 v17, $0xD;
	v9 =	vshrl.u32 v17, $0xA  }
0x5bc: {  	p6 =	sgt.s32 s19, $0x6;
	v8 =	vand.u32 $0x7F, v8;
	v9 =	vand.u32 $0x3C00, v9  }
.Ltmp81:
0x5bd: {  	v15 =	vshrl.u32 v18, $0xD;
	v16 =	vshrl.u32 v18, $0xA;
	v9 =	vor.u32 v9, v8;
	v8 =	vld [tilespmem:s14+$0x0];
	(pc) =	sbr.rel @!p6 .LBB2_122-.Ltmp81, $4  }
0x5be: {  	v11 =	vld.idx.msk [tilespmem:v14+s7+$0x0], $0xffff;
	v14 =	vand.u32 $0x7F, v15;
	v15 =	vand.u32 $0x3C00, v16  }
0x5bf: {  	v19 =	vor.u32 v15, v14;
	v14 =	vor.u32 v7, v9;
	v9 =	vld [tilespmem:s14+$0xFFFFFFF0]  }
0x5c0: {  	vm0 =	vmmov vm1;
	vm2 =	vlt.s32 v13, $0x0;
	v15 =	vand.u32 $0x1FFF, v13  }
0x5c1: {  	s0 =	simm.s32 $0x6;
	p4 =	por $0x1, $0x1;
	vm1 =	vlt.s32 v18, $0x0;
	v18 =	vand.u32 $0x1FFF, v18;
	v16 =	vld.idx.msk [tilespmem:v12+s7+$0x0], $0xffff;
	s14 =	simm.s32 $0x49F0;
	v12 =	vor.u32 v7, v19  }
.LBB2_123:
0x5c2: {  	v19 =	vshrl.u32 v8, $0xD;
	v20 =	vshrl.u32 v8, $0xA  }
0x5c3: {  	v13 =	vld [tilespmem:s14+$0x0];
	v21 =	vxor.u32 $0x80000000, v11;
	vm3 =	vmmov vm0;
	vm0 =	vmmov vm1;
	s0 =	sadd.s32 $0x2, s0  }
0x5c4: {  	v25 =	vand.u32 $0x7F, v19;
	v20 =	vand.u32 $0x3C00, v20;
	v21 =	vsel vm2, v21, v11;
	v11 =	vld.idx.msk [tilespmem:v14+s7+$0x0], $0xffff;
	v22 =	vmovc v9;
	p6 =	slt.s32 s0, s19  }
.Ltmp82:
0x5c5: {  	v14 =	vshrl.u32 v22, $0xD;
	v23 =	vshrl.u32 v22, $0xA;
	v24 =	vor.u32 v20, v25;
	[tilespmem:v15+s2+$0x0] =	vst.idx.add.f32.msk $0xffff, v21;
	(pc) =	sbr.rel @p6 .LBB2_123-.Ltmp82, $4  }
0x5c6: {  	v9 =	vld [tilespmem:s14+$0xFFFFFFF0];
	v15 =	vand.u32 $0x7F, v14;
	v20 =	vand.u32 $0x3C00, v23;
	v14 =	vor.u32 v7, v24;
	v19 =	vmovc v16  }
0x5c7: {  	v20 =	vor.u32 v20, v15;
	v16 =	vld.idx.msk [tilespmem:v12+s7+$0x0], $0xffff;
	v15 =	vand.u32 $0x1FFF, v17;
	v21 =	vxor.u32 $0x80000000, v19  }
0x5c8: {  	vm1 =	vlt.s32 v22, $0x0;
	v12 =	vor.u32 v7, v20;
	v19 =	vsel vm3, v21, v19  }
0x5c9: {  	vm2 =	vlt.s32 v17, $0x0;
	s14 =	sadd.s32 $0x20, s14;
	v17 =	vmovc v8;
	v8 =	vmovc v13;
	[tilespmem:v10+s2+$0x0] =	vst.idx.add.f32.msk $0xffff, v19;
	v10 =	vmov v18;
	v18 =	vand.u32 $0x1FFF, v22  }
0x5ca: {  	v19 =	vmov v10;
	v13 =	vmov v17;
	v10 =	vmov v18  }
.LBB2_125:
0x5cb: {  	v17 =	vshrl.u32 v8, $0xD;
	v18 =	vshrl.u32 v8, $0xA;
	v20 =	vshrl.u32 v9, $0xD  }
0x5cc: {  	v21 =	vshrl.u32 v9, $0xA;
	v17 =	vand.u32 $0x7F, v17;
	v18 =	vand.u32 $0x3C00, v18  }
0x5cd: {  	v58 =	vand.u32 $0x7F, v20;
	v59 =	vand.u32 $0x3C00, v21;
	v17 =	vor.u32 v18, v17  }
0x5ce: {  	v18 =	vor.u32 v59, v58;
	v17 =	vor.u32 v7, v17  }
0x5cf: {  	v18 =	vor.u32 v7, v18  }
0x5d0: {  	v14 =	vld.idx.msk @p2 [tilespmem:v14+s7+$0x0], $0xffff;
	vm0 =	vmmov @p4 vm0  }
0x5d1: {  	v12 =	vld.idx.msk @p2 [tilespmem:v12+s7+$0x0], $0xffff;
	vm1 =	vmmov @p2 vm1;
	vm14 =	vlt.s32 v9, $0x0;
	v20 =	vxor.u32 @p4 $0x80000000, v11  }
0x5d2: {  	v21 =	vand.u32 @p2 $0x1FFF, v13;
	v11 =	vsel @p4 vm2, v20, v11;
	v20 =	vxor.u32 @p4 $0x80000000, v16  }
0x5d3: {  	v60 =	vand.u32 $0x1FFF, v9;
	v16 =	vsel @p4 vm0, v20, v16;
	v20 =	vpsel p2, v21, v0;
	v17 =	vld.idx.msk [tilespmem:v17+s7+$0x0], $0xffff  }
0x5d4: {  	v10 =	vpsel p2, v10, v0;
	v62 =	vand.u32 $0x1FFF, v8;
	vm15 =	vlt.s32 v8, $0x0;
	v61 =	vld.idx.msk [tilespmem:v18+s7+$0x0], $0xffff  }
0x5d5: {  	vm1 =	vmmov @p2 vm1;
	vm2 =	vlt.s32 @p2 v13, $0x0;
	v13 =	vpsel p2, v14, v0  }
0x5d6: {  	[tilespmem:v15+s2+$0x0] =	vst.idx.add.f32.msk @p4 $0xffff, v11;
	vm2 =	vmmov @p2 vm2;
	v12 =	vpsel p2, v12, v0;
	v11 =	vxor.u32 @p2 $0x80000000, v13  }
0x5d7: {  	vm1 =	vmmov @p2 vm1;
	[tilespmem:v19+s2+$0x0] =	vst.idx.add.f32.msk @p4 $0xffff, v16;
	v11 =	vsel @p2 vm2, v11, v13;
	v13 =	vxor.u32 @p2 $0x80000000, v12  }
0x5d8: {  	vm0 =	vmmov vm14;
	[tilespmem:v20+s2+$0x0] =	vst.idx.add.f32.msk @p2 $0xffff, v11;
	v11 =	vsel @p2 vm1, v13, v12;
	v8 =	vxor.u32 $0x80000000, v17  }
0x5d9: {  	vm0 =	vmmov vm0;
	[tilespmem:v10+s2+$0x0] =	vst.idx.add.f32.msk @p2 $0xffff, v11;
	v63 =	vxor.u32 $0x80000000, v61;
	v8 =	vsel vm15, v8, v17  }
0x5da: {  	[tilespmem:v62+s2+$0x0] =	vst.idx.add.f32.msk $0xffff, v8;
	v8 =	vsel vm0, v63, v61  }
0x5db: {  	[tilespmem:v60+s2+$0x0] =	vst.idx.add.f32.msk $0xffff, v8  }
.LBB2_126:
0x5dc: {  	v8 =	vld @!p0 [tilespmem:s30+$0x4980];
	_ =	sdelay $0x4  }
0x5dd: {  	v9 =	vshrl.u32 @!p0 v8, $0xA  }
0x5de: {  	v10 =	vshll.u32 @!p0 v6, $0x7;
	v11 =	vshrl.u32 @!p0 v8, $0xD;
	v9 =	vand.u32 @!p0 $0x3C00, v9  }
0x5df: {  	v11 =	vand.u32 @!p0 $0x7F, v11;
	v9 =	vadd.s32 @!p0 v10, v9  }
0x5e0: {  	v9 =	vor.u32 @!p0 v11, v9;
	_ =	sdelay $0x3  }
0x5e1: {  	s0 =	simm.s32 @!p0 $0xAB80;
	s14 =	sld [smem:$0x7DD]  }
0x5e2: {  	v9 =	vld.idx.msk @!p0 [tilespmem:v9+s0+$0x0], $0xffff;
	_ =	sdelay $0x1  }
0x5e3: {  	p2 =	seq.s32 s14, $0x1;
	v10 =	vand.u32 @!p0 $0x1FFF, v8  }
.Ltmp83:
0x5e4: {  	_ = 	snop;
	(pc) =	sbr.rel @p2 .LBB2_136-.Ltmp83, $4  }
0x5e5: {  	_ = 	snop  }
0x5e6: {  	vm0 =	vlt.s32 @!p0 v8, $0x0;
	v8 =	vxor.u32 @!p0 $0x80000000, v9  }
0x5e7: {  	s0 =	simm.s32 @!p0 $0x1800;
	v8 =	vsel @!p0 vm0, v8, v9  }
0x5e8: {  	[tilespmem:v10+s0+$0x0] =	vst.idx.add.f32.msk @!p0 $0xffff, v8  }
0x5e9: {  	p6 =	sgt.s32 s20, $0x2  }
.Ltmp84:
0x5ea: {  	_ = 	snop;
	(pc) =	sbr.rel @!p6 .LBB2_128-.Ltmp84, $4  }
0x5eb: {  	_ = 	snop  }
0x5ec: {  	s0 =	simm.s32 $0x5210  }
0x5ed: {  	v13 =	vld [tilespmem:s0+$0x0]  }
0x5ee: {  	p2 =	por $0x0, $0x0;
	p4 =	por $0x0, $0x0;
	v9 =	vld [tilespmem:s0+$0xFFFFFFF0];
	s0 =	simm.s32 $0x5230  }
0x5ef: {  	_ =	sdelay $0x2  }
0x5f0: {  	p6 =	sgt.s32 s20, $0x4;
	v8 =	vshrl.u32 v13, $0xD  }
.Ltmp85:
0x5f1: {  	v10 =	vshrl.u32 v13, $0xA;
	v8 =	vand.u32 $0x7F, v8;
	(pc) =	sbr.rel @!p6 .LBB2_130-.Ltmp85, $4  }
0x5f2: {  	v10 =	vand.u32 $0x3C00, v10;
	v11 =	vshrl.u32 v9, $0xD;
	v12 =	vshrl.u32 v9, $0xA  }
0x5f3: {  	v8 =	vor.u32 v10, v8;
	v10 =	vand.u32 $0x7F, v11;
	v11 =	vand.u32 $0x3C00, v12  }
0x5f4: {  	v17 =	vld [tilespmem:s0+$0x0];
	v14 =	vor.u32 v7, v8;
	v8 =	vor.u32 v11, v10  }
0x5f5: {  	v18 =	vld [tilespmem:s0+$0xFFFFFFF0];
	s14 =	simm.s32 $0x5250;
	p2 =	por $0x1, $0x1;
	vm1 =	vlt.s32 v9, $0x0;
	v10 =	vand.u32 $0x1FFF, v9;
	v12 =	vor.u32 v7, v8  }
0x5f6: {  	_ =	sdelay $0x2  }
0x5f7: {  	v8 =	vshrl.u32 v17, $0xD;
	v9 =	vshrl.u32 v17, $0xA  }
0x5f8: {  	p6 =	sgt.s32 s20, $0x6;
	v8 =	vand.u32 $0x7F, v8;
	v9 =	vand.u32 $0x3C00, v9  }
.Ltmp86:
0x5f9: {  	v15 =	vshrl.u32 v18, $0xD;
	v16 =	vshrl.u32 v18, $0xA;
	v9 =	vor.u32 v9, v8;
	v8 =	vld [tilespmem:s14+$0x0];
	(pc) =	sbr.rel @!p6 .LBB2_132-.Ltmp86, $4  }
0x5fa: {  	v11 =	vld.idx.msk [tilespmem:v14+s7+$0x0], $0xffff;
	v14 =	vand.u32 $0x7F, v15;
	v15 =	vand.u32 $0x3C00, v16  }
0x5fb: {  	v19 =	vor.u32 v15, v14;
	v14 =	vor.u32 v7, v9;
	v9 =	vld [tilespmem:s14+$0xFFFFFFF0]  }
0x5fc: {  	vm0 =	vmmov vm1;
	vm2 =	vlt.s32 v13, $0x0;
	v15 =	vand.u32 $0x1FFF, v13  }
0x5fd: {  	s0 =	simm.s32 $0x6;
	p4 =	por $0x1, $0x1;
	vm1 =	vlt.s32 v18, $0x0;
	v18 =	vand.u32 $0x1FFF, v18;
	v16 =	vld.idx.msk [tilespmem:v12+s7+$0x0], $0xffff;
	s14 =	simm.s32 $0x5270;
	v12 =	vor.u32 v7, v19  }
.LBB2_133:
0x5fe: {  	v19 =	vshrl.u32 v8, $0xD;
	v20 =	vshrl.u32 v8, $0xA  }
0x5ff: {  	v13 =	vld [tilespmem:s14+$0x0];
	v21 =	vxor.u32 $0x80000000, v11;
	vm3 =	vmmov vm0;
	vm0 =	vmmov vm1;
	s0 =	sadd.s32 $0x2, s0  }
0x600: {  	v25 =	vand.u32 $0x7F, v19;
	v20 =	vand.u32 $0x3C00, v20;
	v21 =	vsel vm2, v21, v11;
	v11 =	vld.idx.msk [tilespmem:v14+s7+$0x0], $0xffff;
	v22 =	vmovc v9;
	p6 =	slt.s32 s0, s20  }
.Ltmp87:
0x601: {  	v14 =	vshrl.u32 v22, $0xD;
	v23 =	vshrl.u32 v22, $0xA;
	v24 =	vor.u32 v20, v25;
	[tilespmem:v15+s8+$0x0] =	vst.idx.add.f32.msk $0xffff, v21;
	(pc) =	sbr.rel @p6 .LBB2_133-.Ltmp87, $4  }
0x602: {  	v9 =	vld [tilespmem:s14+$0xFFFFFFF0];
	v15 =	vand.u32 $0x7F, v14;
	v20 =	vand.u32 $0x3C00, v23;
	v14 =	vor.u32 v7, v24;
	v19 =	vmovc v16  }
0x603: {  	v20 =	vor.u32 v20, v15;
	v16 =	vld.idx.msk [tilespmem:v12+s7+$0x0], $0xffff;
	v15 =	vand.u32 $0x1FFF, v17;
	v21 =	vxor.u32 $0x80000000, v19  }
0x604: {  	vm1 =	vlt.s32 v22, $0x0;
	v12 =	vor.u32 v7, v20;
	v19 =	vsel vm3, v21, v19  }
0x605: {  	vm2 =	vlt.s32 v17, $0x0;
	s14 =	sadd.s32 $0x20, s14;
	v17 =	vmovc v8;
	v8 =	vmovc v13;
	[tilespmem:v10+s8+$0x0] =	vst.idx.add.f32.msk $0xffff, v19;
	v10 =	vmov v18;
	v18 =	vand.u32 $0x1FFF, v22  }
0x606: {  	v19 =	vmov v10;
	v13 =	vmov v17;
	v10 =	vmov v18  }
.LBB2_135:
0x607: {  	v17 =	vshrl.u32 v8, $0xD;
	v18 =	vshrl.u32 v8, $0xA;
	v20 =	vshrl.u32 v9, $0xD  }
0x608: {  	v21 =	vshrl.u32 v9, $0xA;
	v17 =	vand.u32 $0x7F, v17;
	v18 =	vand.u32 $0x3C00, v18  }
0x609: {  	v58 =	vand.u32 $0x7F, v20;
	v59 =	vand.u32 $0x3C00, v21;
	v17 =	vor.u32 v18, v17  }
0x60a: {  	v18 =	vor.u32 v59, v58;
	v17 =	vor.u32 v7, v17  }
0x60b: {  	v18 =	vor.u32 v7, v18  }
0x60c: {  	v14 =	vld.idx.msk @p2 [tilespmem:v14+s7+$0x0], $0xffff;
	vm0 =	vmmov @p4 vm0  }
0x60d: {  	v12 =	vld.idx.msk @p2 [tilespmem:v12+s7+$0x0], $0xffff;
	vm1 =	vmmov @p2 vm1;
	vm14 =	vlt.s32 v9, $0x0;
	v20 =	vxor.u32 @p4 $0x80000000, v11  }
0x60e: {  	v21 =	vand.u32 @p2 $0x1FFF, v13;
	v11 =	vsel @p4 vm2, v20, v11;
	v20 =	vxor.u32 @p4 $0x80000000, v16  }
0x60f: {  	v60 =	vand.u32 $0x1FFF, v9;
	v16 =	vsel @p4 vm0, v20, v16;
	v20 =	vpsel p2, v21, v0;
	v17 =	vld.idx.msk [tilespmem:v17+s7+$0x0], $0xffff  }
0x610: {  	v10 =	vpsel p2, v10, v0;
	v62 =	vand.u32 $0x1FFF, v8;
	vm15 =	vlt.s32 v8, $0x0;
	v61 =	vld.idx.msk [tilespmem:v18+s7+$0x0], $0xffff  }
0x611: {  	vm1 =	vmmov @p2 vm1;
	vm2 =	vlt.s32 @p2 v13, $0x0;
	v13 =	vpsel p2, v14, v0  }
0x612: {  	[tilespmem:v15+s8+$0x0] =	vst.idx.add.f32.msk @p4 $0xffff, v11;
	vm2 =	vmmov @p2 vm2;
	v12 =	vpsel p2, v12, v0;
	v11 =	vxor.u32 @p2 $0x80000000, v13  }
0x613: {  	vm1 =	vmmov @p2 vm1;
	[tilespmem:v19+s8+$0x0] =	vst.idx.add.f32.msk @p4 $0xffff, v16;
	v11 =	vsel @p2 vm2, v11, v13;
	v13 =	vxor.u32 @p2 $0x80000000, v12  }
0x614: {  	vm0 =	vmmov vm14;
	[tilespmem:v20+s8+$0x0] =	vst.idx.add.f32.msk @p2 $0xffff, v11;
	v11 =	vsel @p2 vm1, v13, v12;
	v8 =	vxor.u32 $0x80000000, v17  }
0x615: {  	vm0 =	vmmov vm0;
	[tilespmem:v10+s8+$0x0] =	vst.idx.add.f32.msk @p2 $0xffff, v11;
	v63 =	vxor.u32 $0x80000000, v61;
	v8 =	vsel vm15, v8, v17  }
0x616: {  	[tilespmem:v62+s8+$0x0] =	vst.idx.add.f32.msk $0xffff, v8;
	v8 =	vsel vm0, v63, v61  }
0x617: {  	[tilespmem:v60+s8+$0x0] =	vst.idx.add.f32.msk $0xffff, v8  }
.LBB2_136:
0x618: {  	v8 =	vld @!p3 [tilespmem:s31+$0x5200];
	_ =	sdelay $0x4  }
0x619: {  	v9 =	vshrl.u32 @!p3 v8, $0xA  }
0x61a: {  	v10 =	vshll.u32 @!p3 v6, $0x7;
	v11 =	vshrl.u32 @!p3 v8, $0xD;
	v9 =	vand.u32 @!p3 $0x3C00, v9  }
0x61b: {  	v11 =	vand.u32 @!p3 $0x7F, v11;
	v9 =	vadd.s32 @!p3 v10, v9  }
0x61c: {  	v9 =	vor.u32 @!p3 v11, v9;
	_ =	sdelay $0x3  }
0x61d: {  	s0 =	simm.s32 @!p3 $0xAB80;
	s14 =	sld [smem:$0x7DE]  }
0x61e: {  	v9 =	vld.idx.msk @!p3 [tilespmem:v9+s0+$0x0], $0xffff;
	_ =	sdelay $0x1  }
0x61f: {  	p2 =	seq.s32 s14, $0x1;
	v10 =	vand.u32 @!p3 $0x1FFF, v8  }
.Ltmp88:
0x620: {  	_ = 	snop;
	(pc) =	sbr.rel @p2 .LBB2_146-.Ltmp88, $4  }
0x621: {  	_ = 	snop  }
0x622: {  	vm0 =	vlt.s32 @!p3 v8, $0x0;
	v8 =	vxor.u32 @!p3 $0x80000000, v9  }
0x623: {  	s0 =	simm.s32 @!p3 $0x2880;
	v8 =	vsel @!p3 vm0, v8, v9  }
0x624: {  	[tilespmem:v10+s0+$0x0] =	vst.idx.add.f32.msk @!p3 $0xffff, v8  }
0x625: {  	p6 =	sgt.s32 s21, $0x2  }
.Ltmp89:
0x626: {  	_ = 	snop;
	(pc) =	sbr.rel @!p6 .LBB2_138-.Ltmp89, $4  }
0x627: {  	_ = 	snop  }
0x628: {  	s0 =	simm.s32 $0x5A90  }
0x629: {  	v13 =	vld [tilespmem:s0+$0x0]  }
0x62a: {  	p2 =	por $0x0, $0x0;
	p4 =	por $0x0, $0x0;
	v9 =	vld [tilespmem:s0+$0xFFFFFFF0];
	s0 =	simm.s32 $0x5AB0  }
0x62b: {  	_ =	sdelay $0x2  }
0x62c: {  	p6 =	sgt.s32 s21, $0x4;
	v8 =	vshrl.u32 v13, $0xD  }
.Ltmp90:
0x62d: {  	v10 =	vshrl.u32 v13, $0xA;
	v8 =	vand.u32 $0x7F, v8;
	(pc) =	sbr.rel @!p6 .LBB2_140-.Ltmp90, $4  }
0x62e: {  	v10 =	vand.u32 $0x3C00, v10;
	v11 =	vshrl.u32 v9, $0xD;
	v12 =	vshrl.u32 v9, $0xA  }
0x62f: {  	v8 =	vor.u32 v10, v8;
	v10 =	vand.u32 $0x7F, v11;
	v11 =	vand.u32 $0x3C00, v12  }
0x630: {  	v17 =	vld [tilespmem:s0+$0x0];
	v14 =	vor.u32 v7, v8;
	v8 =	vor.u32 v11, v10  }
0x631: {  	v18 =	vld [tilespmem:s0+$0xFFFFFFF0];
	s14 =	simm.s32 $0x5AD0;
	p2 =	por $0x1, $0x1;
	vm1 =	vlt.s32 v9, $0x0;
	v10 =	vand.u32 $0x1FFF, v9;
	v12 =	vor.u32 v7, v8  }
0x632: {  	_ =	sdelay $0x2  }
0x633: {  	v8 =	vshrl.u32 v17, $0xD;
	v9 =	vshrl.u32 v17, $0xA  }
0x634: {  	p6 =	sgt.s32 s21, $0x6;
	v8 =	vand.u32 $0x7F, v8;
	v9 =	vand.u32 $0x3C00, v9  }
.Ltmp91:
0x635: {  	v15 =	vshrl.u32 v18, $0xD;
	v16 =	vshrl.u32 v18, $0xA;
	v9 =	vor.u32 v9, v8;
	v8 =	vld [tilespmem:s14+$0x0];
	(pc) =	sbr.rel @!p6 .LBB2_142-.Ltmp91, $4  }
0x636: {  	v11 =	vld.idx.msk [tilespmem:v14+s7+$0x0], $0xffff;
	v14 =	vand.u32 $0x7F, v15;
	v15 =	vand.u32 $0x3C00, v16  }
0x637: {  	v19 =	vor.u32 v15, v14;
	v14 =	vor.u32 v7, v9;
	v9 =	vld [tilespmem:s14+$0xFFFFFFF0]  }
0x638: {  	vm0 =	vmmov vm1;
	vm2 =	vlt.s32 v13, $0x0;
	v15 =	vand.u32 $0x1FFF, v13  }
0x639: {  	s0 =	simm.s32 $0x6;
	p4 =	por $0x1, $0x1;
	vm1 =	vlt.s32 v18, $0x0;
	v18 =	vand.u32 $0x1FFF, v18;
	v16 =	vld.idx.msk [tilespmem:v12+s7+$0x0], $0xffff;
	s14 =	simm.s32 $0x5AF0;
	v12 =	vor.u32 v7, v19  }
.LBB2_143:
0x63a: {  	v19 =	vshrl.u32 v8, $0xD;
	v20 =	vshrl.u32 v8, $0xA  }
0x63b: {  	v13 =	vld [tilespmem:s14+$0x0];
	v21 =	vxor.u32 $0x80000000, v11;
	vm3 =	vmmov vm0;
	vm0 =	vmmov vm1;
	s0 =	sadd.s32 $0x2, s0  }
0x63c: {  	v25 =	vand.u32 $0x7F, v19;
	v20 =	vand.u32 $0x3C00, v20;
	v21 =	vsel vm2, v21, v11;
	v11 =	vld.idx.msk [tilespmem:v14+s7+$0x0], $0xffff;
	v22 =	vmovc v9;
	p6 =	slt.s32 s0, s21  }
.Ltmp92:
0x63d: {  	v14 =	vshrl.u32 v22, $0xD;
	v23 =	vshrl.u32 v22, $0xA;
	v24 =	vor.u32 v20, v25;
	[tilespmem:v15+s1+$0x0] =	vst.idx.add.f32.msk $0xffff, v21;
	(pc) =	sbr.rel @p6 .LBB2_143-.Ltmp92, $4  }
0x63e: {  	v9 =	vld [tilespmem:s14+$0xFFFFFFF0];
	v15 =	vand.u32 $0x7F, v14;
	v20 =	vand.u32 $0x3C00, v23;
	v14 =	vor.u32 v7, v24;
	v19 =	vmovc v16  }
0x63f: {  	v20 =	vor.u32 v20, v15;
	v16 =	vld.idx.msk [tilespmem:v12+s7+$0x0], $0xffff;
	v15 =	vand.u32 $0x1FFF, v17;
	v21 =	vxor.u32 $0x80000000, v19  }
0x640: {  	vm1 =	vlt.s32 v22, $0x0;
	v12 =	vor.u32 v7, v20;
	v19 =	vsel vm3, v21, v19  }
0x641: {  	vm2 =	vlt.s32 v17, $0x0;
	s14 =	sadd.s32 $0x20, s14;
	v17 =	vmovc v8;
	v8 =	vmovc v13;
	[tilespmem:v10+s1+$0x0] =	vst.idx.add.f32.msk $0xffff, v19;
	v10 =	vmov v18;
	v18 =	vand.u32 $0x1FFF, v22  }
0x642: {  	v19 =	vmov v10;
	v13 =	vmov v17;
	v10 =	vmov v18  }
.LBB2_145:
0x643: {  	v17 =	vshrl.u32 v8, $0xD;
	v18 =	vshrl.u32 v8, $0xA;
	v20 =	vshrl.u32 v9, $0xD  }
0x644: {  	v21 =	vshrl.u32 v9, $0xA;
	v17 =	vand.u32 $0x7F, v17;
	v18 =	vand.u32 $0x3C00, v18  }
0x645: {  	v58 =	vand.u32 $0x7F, v20;
	v59 =	vand.u32 $0x3C00, v21;
	v17 =	vor.u32 v18, v17  }
0x646: {  	v18 =	vor.u32 v59, v58;
	v17 =	vor.u32 v7, v17  }
0x647: {  	v18 =	vor.u32 v7, v18  }
0x648: {  	v14 =	vld.idx.msk @p2 [tilespmem:v14+s7+$0x0], $0xffff;
	vm0 =	vmmov @p4 vm0  }
0x649: {  	v12 =	vld.idx.msk @p2 [tilespmem:v12+s7+$0x0], $0xffff;
	vm1 =	vmmov @p2 vm1;
	vm14 =	vlt.s32 v9, $0x0;
	v20 =	vxor.u32 @p4 $0x80000000, v11  }
0x64a: {  	v21 =	vand.u32 @p2 $0x1FFF, v13;
	v11 =	vsel @p4 vm2, v20, v11;
	v20 =	vxor.u32 @p4 $0x80000000, v16  }
0x64b: {  	v60 =	vand.u32 $0x1FFF, v9;
	v16 =	vsel @p4 vm0, v20, v16;
	v20 =	vpsel p2, v21, v0;
	v17 =	vld.idx.msk [tilespmem:v17+s7+$0x0], $0xffff  }
0x64c: {  	v10 =	vpsel p2, v10, v0;
	v62 =	vand.u32 $0x1FFF, v8;
	vm15 =	vlt.s32 v8, $0x0;
	v61 =	vld.idx.msk [tilespmem:v18+s7+$0x0], $0xffff  }
0x64d: {  	vm1 =	vmmov @p2 vm1;
	vm2 =	vlt.s32 @p2 v13, $0x0;
	v13 =	vpsel p2, v14, v0  }
0x64e: {  	[tilespmem:v15+s1+$0x0] =	vst.idx.add.f32.msk @p4 $0xffff, v11;
	vm2 =	vmmov @p2 vm2;
	v12 =	vpsel p2, v12, v0;
	v11 =	vxor.u32 @p2 $0x80000000, v13  }
0x64f: {  	vm1 =	vmmov @p2 vm1;
	[tilespmem:v19+s1+$0x0] =	vst.idx.add.f32.msk @p4 $0xffff, v16;
	v11 =	vsel @p2 vm2, v11, v13;
	v13 =	vxor.u32 @p2 $0x80000000, v12  }
0x650: {  	vm0 =	vmmov vm14;
	[tilespmem:v20+s1+$0x0] =	vst.idx.add.f32.msk @p2 $0xffff, v11;
	v11 =	vsel @p2 vm1, v13, v12;
	v8 =	vxor.u32 $0x80000000, v17  }
0x651: {  	vm0 =	vmmov vm0;
	[tilespmem:v10+s1+$0x0] =	vst.idx.add.f32.msk @p2 $0xffff, v11;
	v63 =	vxor.u32 $0x80000000, v61;
	v8 =	vsel vm15, v8, v17  }
0x652: {  	[tilespmem:v62+s1+$0x0] =	vst.idx.add.f32.msk $0xffff, v8;
	v8 =	vsel vm0, v63, v61  }
0x653: {  	[tilespmem:v60+s1+$0x0] =	vst.idx.add.f32.msk $0xffff, v8  }
.LBB2_146:
0x654: {  	v8 =	vld @!p5 [tilespmem:s17+$0x5A80];
	_ =	sdelay $0x4  }
0x655: {  	v9 =	vshrl.u32 @!p5 v8, $0xA  }
0x656: {  	v10 =	vshll.u32 @!p5 v6, $0x7;
	v11 =	vshrl.u32 @!p5 v8, $0xD;
	v9 =	vand.u32 @!p5 $0x3C00, v9  }
0x657: {  	v11 =	vand.u32 @!p5 $0x7F, v11;
	v9 =	vadd.s32 @!p5 v10, v9  }
0x658: {  	v9 =	vor.u32 @!p5 v11, v9;
	_ =	sdelay $0x3  }
0x659: {  	s0 =	simm.s32 @!p5 $0xAB80;
	s14 =	sld [smem:$0x7DF]  }
0x65a: {  	v9 =	vld.idx.msk @!p5 [tilespmem:v9+s0+$0x0], $0xffff;
	_ =	sdelay $0x1  }
0x65b: {  	p2 =	seq.s32 s14, $0x1;
	v10 =	vand.u32 @!p5 $0x1FFF, v8  }
.Ltmp93:
0x65c: {  	_ = 	snop;
	(pc) =	sbr.rel @p2 .LBB2_156-.Ltmp93, $4  }
0x65d: {  	_ = 	snop  }
0x65e: {  	vm0 =	vlt.s32 @!p5 v8, $0x0;
	v8 =	vxor.u32 @!p5 $0x80000000, v9  }
0x65f: {  	s0 =	simm.s32 @!p5 $0x3900;
	v8 =	vsel @!p5 vm0, v8, v9  }
0x660: {  	[tilespmem:v10+s0+$0x0] =	vst.idx.add.f32.msk @!p5 $0xffff, v8  }
0x661: {  	s0 =	simm.s32 $0x6310  }
0x662: {  	v11 =	vld [tilespmem:s0+$0xFFFFFFF0]  }
0x663: {  	v10 =	vld [tilespmem:s0+$0x0]  }
0x664: {  	p6 =	sgt.s32 s22, $0x2  }
.Ltmp94:
0x665: {  	_ = 	snop;
	(pc) =	sbr.rel @!p6 .LBB2_148-.Ltmp94, $4  }
0x666: {  	_ = 	snop  }
0x667: {  	v8 =	vshll.u32 v11, $0x3  }
0x668: {  	v9 =	vand.u32 $0x7F, v11;
	v8 =	vand.u32 $0xFFFFFC00, v8  }
0x669: {  	p2 =	por $0x0, $0x0;
	p4 =	por $0x0, $0x0;
	v12 =	vor.u32 v8, v9  }
0x66a: {  	_ =	sdelay $0x1  }
0x66b: {  	s0 =	simm.s32 $0x6330  }
0x66c: {  	v15 =	vld [tilespmem:s0+$0xFFFFFFF0]  }
0x66d: {  	v24 =	vld.idx.msk [tilespmem:v11+s1+$0x0], $0xffff  }
0x66e: {  	v14 =	vld.idx.msk [tilespmem:v11+s2+$0x0], $0xffff;
	p6 =	sgt.s32 s22, $0x4  }
.Ltmp95:
0x66f: {  	v17 =	vld.idx.msk [tilespmem:v11+s8+$0x0], $0xffff;
	(pc) =	sbr.rel @!p6 .LBB2_150-.Ltmp95, $4  }
0x670: {  	v13 =	vld.idx.msk [tilespmem:v10+s2+$0x0], $0xffff  }
0x671: {  	v27 =	vand.u32 $0x7F, v10;
	v21 =	vld [tilespmem:s0+$0x0];
	v8 =	vshll.u32 v15, $0x3  }
0x672: {  	vm0 =	vlt.s32 v11, $0x1000;
	v18 =	vld.idx.msk [tilespmem:v10+s8+$0x0], $0xffff;
	v9 =	vand.u32 $0x7F, v15;
	v8 =	vand.u32 $0xFFFFFC00, v8  }
0x673: {  	v25 =	vshll.u32 v10, $0x3;
	v20 =	vor.u32 v7, v12;
	v19 =	vld.idx.msk [tilespmem:v10+s1+$0x0], $0xffff;
	p2 =	por $0x1, $0x1;
	v28 =	vor.u32 v8, v9  }
0x674: {  	_ =	sdelay $0x1  }
0x675: {  	s0 =	simm.s32 $0x6350;
	v8 =	vmul.f32 v17, v14;
	v12 =	vand.u32 $0xFFFFFC00, v25  }
0x676: {  	vm1 =	vlt.s32 v10, $0x1000;
	v9 =	vld [tilespmem:s0+$0xFFFFFFF0];
	v12 =	vor.u32 v12, v27;
	v13 =	vmul.f32 v18, v13  }
0x677: {  	v26 =	vld.idx.msk [tilespmem:v15+s1+$0x0], $0xffff;
	v8 =	vmul.f32 v24, v8;
	v12 =	vor.u32 v7, v12  }
0x678: {  	v14 =	vld.idx.msk [tilespmem:v15+s2+$0x0], $0xffff;
	p6 =	sgt.s32 s22, $0x6;
	v16 =	vmul.f32 v19, v13  }
.Ltmp96:
0x679: {  	v17 =	vld.idx.msk [tilespmem:v15+s8+$0x0], $0xffff;
	[tilespmem:v20+s16+$0x0] =	vst.idx.msk vm0, v8;
	(pc) =	sbr.rel @!p6 .LBB2_152-.Ltmp96, $4  }
0x67a: {  	v22 =	vmov v15;
	v8 =	vld [tilespmem:s0+$0x0];
	[tilespmem:v11+s2+$0x0] =	vst.idx.msk $0xffff, v3  }
0x67b: {  	v23 =	vmovc v15;
	v24 =	vand.u32 $0x7F, v21;
	v25 =	vshll.u32 v21, $0x3;
	v18 =	vld.idx.msk [tilespmem:v21+s8+$0x0], $0xffff;
	v19 =	vshll.u32 v9, $0x3;
	[tilespmem:v11+s8+$0x0] =	vst.idx.msk $0xffff, v3  }
0x67c: {  	vm0 =	vlt.s32 v15, $0x1000;
	v13 =	vld.idx.msk [tilespmem:v21+s2+$0x0], $0xffff;
	v20 =	vand.u32 $0x7F, v9;
	v19 =	vand.u32 $0xFFFFFC00, v19;
	[tilespmem:v12+s16+$0x0] =	vst.idx.msk vm1, v16;
	v16 =	vmovc v9  }
0x67d: {  	s14 =	simm.s32 $0x6;
	p4 =	por $0x1, $0x1;
	v12 =	vor.u32 v19, v20;
	v20 =	vor.u32 v7, v28;
	v19 =	vld.idx.msk [tilespmem:v21+s1+$0x0], $0xffff;
	[tilespmem:v10+s2+$0x0] =	vst.idx.msk $0xffff, v3  }
.LBB2_153:
0x67e: {  	v27 =	vmov v9;
	v17 =	vmul.f32 v17, v14  }
0x67f: {  	s14 =	sadd.s32 $0x2, s14;
	v29 =	vand.u32 $0x7F, v8;
	s0 =	sadd.s32 $0x20, s0;
	v14 =	vand.u32 $0xFFFFFC00, v25;
	v25 =	vmovc v8;
	v30 =	vmov v8;
	v28 =	vld.idx.msk [tilespmem:v9+s1+$0x0], $0xffff;
	[tilespmem:v10+s8+$0x0] =	vst.idx.msk $0xffff, v3  }
0x680: {  	vm1 =	vlt.s32 v21, $0x1000;
	p6 =	slt.s32 s14, s22;
	v31 =	vor.u32 v14, v24;
	v24 =	vmovc v29;
	v9 =	vld [tilespmem:s0+$0xFFFFFFF0];
	[tilespmem:v10+s1+$0x0] =	vst.idx.msk $0xffff, v3;
	v10 =	vmov v21  }
0x681: {  	v26 =	vmul.f32 v26, v17;
	v29 =	vor.u32 v7, v31;
	v14 =	vld.idx.msk [tilespmem:v16+s2+$0x0], $0xffff;
	[tilespmem:v11+s1+$0x0] =	vst.idx.msk $0xffff, v3  }
0x682: {  	v18 =	vmul.f32 v18, v13;
	v21 =	vmovc v8;
	v11 =	vmov v15;
	v15 =	vmov v16;
	v17 =	vld.idx.msk [tilespmem:v16+s8+$0x0], $0xffff  }
.Ltmp97:
0x683: {  	v8 =	vld [tilespmem:s0+$0x0];
	[tilespmem:v20+s16+$0x0] =	vst.idx.msk vm0, v26;
	(pc) =	sbr.rel @p6 .LBB2_153-.Ltmp97, $4  }
0x684: {  	v19 =	vmul.f32 v19, v18;
	v13 =	vld.idx.msk [tilespmem:v30+s2+$0x0], $0xffff;
	[tilespmem:v22+s2+$0x0] =	vst.idx.msk $0xffff, v3;
	v22 =	vmov v27  }
0x685: {  	vm0 =	vlt.s32 v15, $0x1000;
	v26 =	vmovc v28;
	v20 =	vshll.u32 v9, $0x3;
	v18 =	vld.idx.msk [tilespmem:v25+s8+$0x0], $0xffff;
	[tilespmem:v23+s8+$0x0] =	vst.idx.msk $0xffff, v3;
	v16 =	vmov v9  }
0x686: {  	v25 =	vshll.u32 v21, $0x3;
	v23 =	vmovc v27;
	v28 =	vand.u32 $0x7F, v16;
	v30 =	vand.u32 $0xFFFFFC00, v20;
	[tilespmem:v29+s16+$0x0] =	vst.idx.msk vm1, v19  }
0x687: {  	v20 =	vor.u32 v7, v12;
	v12 =	vor.u32 v30, v28;
	v19 =	vld.idx.msk [tilespmem:v21+s1+$0x0], $0xffff;
	[tilespmem:v10+s2+$0x0] =	vst.idx.msk $0xffff, v3  }
.Ltmp98:
0x688: {  	(pc) =	sbr.rel .LBB2_155-.Ltmp98, $3  }
0x689: {  	_ =	sdelay $0x1  }
0x68a: {  	v29 =	vmov v10  }
0x68b: {  	v30 =	vmovc v11;
	v10 =	vmovc v21;
	v27 =	vmov v24;
	v24 =	vmov v26;
	v11 =	vmov v15  }
.LBB2_118:
.Ltmp99:
0x68c: {  	(pc) =	sbr.rel .LBB2_125-.Ltmp99, $2  }
0x68d: {  	_ =	sdelay $0x2  }
0x68e: {  	v8 =	vmov v13  }
.LBB2_128:
.Ltmp100:
0x68f: {  	(pc) =	sbr.rel .LBB2_135-.Ltmp100, $2  }
0x690: {  	_ =	sdelay $0x2  }
0x691: {  	v8 =	vmov v13  }
.LBB2_138:
.Ltmp101:
0x692: {  	(pc) =	sbr.rel .LBB2_145-.Ltmp101, $2  }
0x693: {  	_ =	sdelay $0x2  }
0x694: {  	v8 =	vmov v13  }
.LBB2_120:
.Ltmp102:
0x695: {  	_ = 	snop;
	(pc) =	sbr.rel .LBB2_125-.Ltmp102, $2  }
0x696: {  	_ =	sdelay $0x2  }
0x697: {  	v8 =	vmov v17;
	v9 =	vmov v18  }
.LBB2_130:
.Ltmp103:
0x698: {  	_ = 	snop;
	(pc) =	sbr.rel .LBB2_135-.Ltmp103, $2  }
0x699: {  	_ =	sdelay $0x2  }
0x69a: {  	v8 =	vmov v17;
	v9 =	vmov v18  }
.LBB2_140:
.Ltmp104:
0x69b: {  	_ = 	snop;
	(pc) =	sbr.rel .LBB2_145-.Ltmp104, $2  }
0x69c: {  	_ =	sdelay $0x2  }
0x69d: {  	v8 =	vmov v17;
	v9 =	vmov v18  }
.LBB2_150:
.Ltmp105:
0x69e: {  	(pc) =	sbr.rel .LBB2_155-.Ltmp105, $3  }
0x69f: {  	_ =	sdelay $0x1  }
0x6a0: {  	v9 =	vmov v15  }
0x6a1: {  	v16 =	vmovc v15;
	v22 =	vmovc v11;
	v23 =	vmov v11;
	v12 =	vmov v28;
	v8 =	vmov v21  }
.LBB2_122:
.Ltmp106:
0x6a2: {  	(pc) =	sbr.rel .LBB2_125-.Ltmp106, $2  }
0x6a3: {  	_ =	sdelay $0x2  }
0x6a4: {  	v19 =	vmov v10;
	v13 =	vmov v17;
	v10 =	vmov v18  }
.LBB2_132:
.Ltmp107:
0x6a5: {  	(pc) =	sbr.rel .LBB2_135-.Ltmp107, $2  }
0x6a6: {  	_ =	sdelay $0x2  }
0x6a7: {  	v19 =	vmov v10;
	v13 =	vmov v17;
	v10 =	vmov v18  }
.LBB2_142:
.Ltmp108:
0x6a8: {  	(pc) =	sbr.rel .LBB2_145-.Ltmp108, $2  }
0x6a9: {  	_ =	sdelay $0x2  }
0x6aa: {  	v19 =	vmov v10;
	v13 =	vmov v17;
	v10 =	vmov v18  }
.LBB2_152:
.Ltmp109:
0x6ab: {  	(pc) =	sbr.rel .LBB2_155-.Ltmp109, $3  }
0x6ac: {  	_ =	sdelay $0x1  }
0x6ad: {  	v29 =	vmovc v10;
	v30 =	vmov v11;
	v10 =	vmov v21;
	v27 =	vmov v24  }
0x6ae: {  	v16 =	vmovc v9;
	v24 =	vmovc v26;
	v11 =	vmov v15;
	v22 =	vmov v15;
	v23 =	vmov v15  }
.LBB2_157:
0x6af: {  	p2 =	seq.s32 s28, $0x7  }
.Ltmp110:
0x6b0: {  	s0 =	sld [smem:$0x7FD];
	(pc) =	sbr.rel @p2 .LBB2_159-.Ltmp110, $3  }
0x6b1: {  	_ =	sdelay $0x1  }
0x6b2: {  	s0 =	sadd.s32 s0, s11  }
0x6b3: {  	[hbm4b:s0+s9] =	stream.linear.scatter [tilespmem:s16], [sflag:$0x4], $0x8000, $0x38;
	[tilespmem:$0x1EB80] =	vst v63  }
.Ltmp111:
0x6b4: {  	s0 =	rddreg [dreg:$0xd];
	(pc) =	sbr.rel .LBB2_69-.Ltmp111, $4  }
0x6b5: {  	s0 =	sadd.s32 s29, s0  }
0x6b6: {  	s5 =	rddreg [dreg:$0x0];
	s0 =	sshll.u32 s0, $0xB  }
0x6b7: {  	s28 =	sadd.s32 $0x1, s28;
	s0 =	sadd.s32 s5, s0  }
0x6b8: {  	[tilespmem:s7], [sflag:$0x2] =	stream.linear.gather [hbm4b:s0+s9], $0x4000, $0x38;
	[tilespmem:$0x1EB80] =	vst v63  }
.LBB2_14:
.Ltmp112:
0x6b9: {  	(pc) =	sbr.rel .LBB2_17-.Ltmp112, $2  }
0x6ba: {  	_ =	sdelay $0x2  }
0x6bb: {  	p1 =	por $0x0, $0x0  }
.LBB2_18:
.Ltmp113:
0x6bc: {  	(pc) =	sbr.rel .LBB2_22-.Ltmp113, $2  }
0x6bd: {  	_ =	sdelay $0x2  }
0x6be: {  	s0 =	simm.s32 $0x0  }
.LBB2_33:
.Ltmp114:
0x6bf: {  	(pc) =	sbr.rel .LBB2_36-.Ltmp114, $2  }
0x6c0: {  	_ =	sdelay $0x2  }
0x6c1: {  	_ = 	snop  }
.LBB2_20:
.Ltmp115:
0x6c2: {  	(pc) =	sbr.rel .LBB2_22-.Ltmp115, $2  }
0x6c3: {  	_ =	sdelay $0x2  }
0x6c4: {  	s0 =	simm.s32 $0x0  }
.LBB2_160:
0x6c5: {  	_ =	sfence.sel $0x180000  }
0x6c6: {  	[bflag:$0x0] =	sbarrier.arrive $0xFFFF  }
0x6c7: {  	_ =	strace $0x90000047  }
0x6c8: {  	s0 =	stileid.u32;
	[bflag:$0x2] =	sbarrier.arrive $0xFFFF  }
0x6c9: {  	p0 =	sne.s32 s0, $0x0;
	s0 =	rddreg [dreg:$0x8]  }
0x6ca: {  	s0 =	sadd.s32 @!p0 $0x100000, s0  }
0x6cb: {  	[sflag:s0] =	ssyncadd.tile.s32 @!p0 $0x1;
	_ =	shalt  }
.Lfunc_end2:
_tile_overlayer_lowered:
.L_overlay_start_2:
0x6cc: {  	(tag) =	ssettag $0x2  }
0x6cd: {  	s0 =	rddreg [dreg:$0x0];
	s2 =	stileid.u32  }
0x6ce: {  	s1 =	rddreg [dreg:$0x1];
	p0 =	sne.s32 s2, $0x0  }
0x6cf: {  	s3 =	rddreg [dreg:$0x2];
	[bflag:$0x3] =	sbarrier.arrive $0xFFFF;
	s2 =	simm.s32 @!p0 $0x1C05  }
0x6d0: {  	[timem:s3], [sflag:s2] =	dma.local @!p0 [hbm:s0], s1  }
0x6d1: {  	s0 =	simm.s32 @!p0 $0x5  }
0x6d2: {  	_ =	swait.ge @!p0 [sflag:s0], s1  }
0x6d3: {  	s1 =	ssub.s32 @!p0 $0x0, s1;
	[sflag:s0] =	ssyncset.done @!p0 $0x0  }
0x6d4: {  	[sflag:s0] =	ssyncadd.s32 @!p0 s1  }
0x6d5: {  	[bflag:$0x3] =	sbarrier.arrive $0xFFFF  }
0x6d6: {  	_ =	shalt  }

</sc_bundles>
